<compile_context>
chip_gen: v7x
topology: tpu7x:2x2x1
jax: 0.10.2.dev20260603
libtpu: 0.0.44.dev20260713+nightly
codegen_flags: <defaults>
</compile_context>

<pallas_src>
import functools

import jax
import jax.numpy as jnp
from jax import lax
from jax.experimental import pallas as pl
from jax.experimental.pallas import tpu as pltpu
from jax.experimental.pallas import tpu_sc as plsc

_NC = 2
_NS = 16
_NW = _NC * _NS
_LANES = 16
_CHUNK = 128
_MCHUNK = 112
_DEGW = 128
_R = 2048


def _cdiv(a, b):
    return (a + b - 1) // b


def _sc_mesh():
    return plsc.VectorSubcoreMesh(core_axis_name="c", subcore_axis_name="s")


def _sc_degree(rows3, n_pad, width):
    nchunks = rows3.shape[1]
    stripe = n_pad // _NS
    sub = width // _LANES

    @functools.partial(
        pl.kernel,
        out_type=jax.ShapeDtypeStruct((_NC, n_pad, width), jnp.float32),
        mesh=_sc_mesh(),
        scratch_types=[
            pltpu.VMEM((nchunks, _CHUNK), jnp.int32),
            pltpu.VMEM((_CHUNK, width), jnp.float32),
            pltpu.VMEM_SHARED((n_pad, width), jnp.float32),
        ],
    )
    def deg_kernel(rows_hbm, out_hbm, idx_v, cbuf, acc_sh):
        c = lax.axis_index("c")
        s = lax.axis_index("s")
        w = s * _NC + c

        pltpu.sync_copy(rows_hbm.at[w], idx_v)

        def fill(val):
            v16 = jnp.full((_LANES,), val, jnp.float32)

            def fi(j, carry):
                for k in range(sub):
                    cbuf[j, pl.ds(k * _LANES, _LANES)] = v16
                return carry

            lax.fori_loop(0, _CHUNK, fi, 0)

        fill(0.0)
        for t in range(stripe // _CHUNK):
            pltpu.sync_copy(cbuf, acc_sh.at[pl.ds(s * stripe + t * _CHUNK, _CHUNK)])
        fill(1.0)
        plsc.subcore_barrier()

        def body(i, carry):
            pltpu.sync_copy(cbuf, acc_sh.at[idx_v.at[i]], add=True)
            return carry

        lax.fori_loop(0, nchunks, body, 0)
        plsc.subcore_barrier()
        pltpu.sync_copy(acc_sh.at[pl.ds(s * stripe, stripe)],
                        out_hbm.at[c].at[pl.ds(s * stripe, stripe)])

    return deg_kernel(rows3)


def _sc_gather_scatter(y, ric3):
    n_pad, feat = y.shape
    nchunks, chunk = ric3.shape[1], ric3.shape[3]
    stripe = n_pad // _NS
    assert nchunks % 3 == 0

    @functools.partial(
        pl.kernel,
        out_type=jax.ShapeDtypeStruct((_NC, n_pad, feat), jnp.float32),
        mesh=_sc_mesh(),
        scratch_types=[
            [pltpu.VMEM((2, chunk), jnp.int32) for _ in range(3)],
            [pltpu.VMEM((chunk, feat), jnp.float32) for _ in range(3)],
            [pltpu.SemaphoreType.DMA for _ in range(3)],
            [pltpu.SemaphoreType.DMA for _ in range(3)],
            pltpu.VMEM_SHARED((n_pad, feat), jnp.float32),
        ],
    )
    def msg_kernel(y_hbm, ric_hbm, out_hbm, ibuf, gbuf, semi, semg, acc_sh):
        c = lax.axis_index("c")
        s = lax.axis_index("s")
        w = s * _NC + c
        pltpu.sync_copy(y_hbm.at[pl.ds(s * stripe, stripe)],
                        acc_sh.at[pl.ds(s * stripe, stripe)])
        plsc.subcore_barrier()

        ric_w = ric_hbm.at[w]
        for b in range(3):
            pltpu.async_copy(ric_w.at[b], ibuf[b], semi[b])
        pltpu.make_async_copy(ric_w.at[0], ibuf[0], semi[0]).wait()
        pltpu.async_copy(y_hbm.at[ibuf[0].at[0]], gbuf[0], semg[0])

        def body(j, carry):
            k0 = 3 * j
            for b in range(3):
                k = k0 + b
                b1 = (b + 1) % 3
                pltpu.make_async_copy(ric_w.at[k], ibuf[b1], semi[b1]).wait()
                pltpu.async_copy(y_hbm.at[ibuf[b1].at[0]], gbuf[b1], semg[b1])
                pltpu.make_async_copy(y_hbm.at[ibuf[b].at[0]], gbuf[b],
                                      semg[b]).wait()
                pltpu.sync_copy(gbuf[b], acc_sh.at[ibuf[b].at[1]], add=True)
                nxt = jnp.minimum(k + 3, nchunks - 1)
                pltpu.async_copy(ric_w.at[nxt], ibuf[b], semi[b])
            return carry

        lax.fori_loop(0, nchunks // 3, body, 0)
        pltpu.make_async_copy(ric_w.at[0], ibuf[1], semi[1]).wait()
        pltpu.make_async_copy(ric_w.at[0], ibuf[2], semi[2]).wait()
        pltpu.make_async_copy(y_hbm.at[ibuf[0].at[0]], gbuf[0], semg[0]).wait()
        plsc.subcore_barrier()
        pltpu.sync_copy(acc_sh.at[pl.ds(s * stripe, stripe)],
                        out_hbm.at[c].at[pl.ds(s * stripe, stripe)])

    return msg_kernel(y, ric3)


def _tc_mm1(x_pad, wt1, b1r):
    n_pad, fin = x_pad.shape
    hdim = wt1.shape[1]

    def body(x_ref, w_ref, b_ref, u_ref):
        u_ref[...] = jnp.dot(x_ref[...], w_ref[...],
                             preferred_element_type=jnp.float32) + b_ref[...]

    return pl.pallas_call(
        body,
        grid=(n_pad // _R,),
        in_specs=[
            pl.BlockSpec((_R, fin), lambda i: (i, 0)),
            pl.BlockSpec((fin, hdim), lambda i: (0, 0)),
            pl.BlockSpec((1, hdim), lambda i: (0, 0)),
        ],
        out_specs=pl.BlockSpec((_R, hdim), lambda i: (i, 0)),
        out_shape=jax.ShapeDtypeStruct((n_pad, hdim), jnp.float32),
    )(x_pad, wt1, b1r)


def _tc_scale1(u1, d0, d1, n_real):
    n_pad, hdim = u1.shape

    def body(u_ref, d0_ref, d1_ref, y_ref, dis_ref):
        i = pl.program_id(0)
        deg = d0_ref[:, 0:1] + d1_ref[:, 0:1] + 1.0
        row = i * _R + lax.broadcasted_iota(jnp.int32, (_R, 1), 0)
        dis = jnp.where(row < n_real, lax.rsqrt(deg), 0.0)
        y_ref[...] = dis * u_ref[...]
        dis_ref[...] = dis

    return pl.pallas_call(
        body,
        grid=(n_pad // _R,),
        in_specs=[
            pl.BlockSpec((_R, hdim), lambda i: (i, 0)),
            pl.BlockSpec((_R, _DEGW), lambda i: (i, 0)),
            pl.BlockSpec((_R, _DEGW), lambda i: (i, 0)),
        ],
        out_specs=[
            pl.BlockSpec((_R, hdim), lambda i: (i, 0)),
            pl.BlockSpec((_R, 1), lambda i: (i, 0)),
        ],
        out_shape=[
            jax.ShapeDtypeStruct((n_pad, hdim), jnp.float32),
            jax.ShapeDtypeStruct((n_pad, 1), jnp.float32),
        ],
    )(u1, d0, d1)


def _tc_lin2(a0, a1, y1, dis, wt2p, b2r):
    n_pad, hdim = y1.shape
    cpad = wt2p.shape[1]

    def body(a0_ref, a1_ref, y_ref, dis_ref, w_ref, b_ref, o_ref):
        dis = dis_ref[...]
        hid = jnp.maximum(dis * (a0_ref[...] + a1_ref[...] - y_ref[...]), 0.0)
        o_ref[...] = dis * (jnp.dot(hid, w_ref[...],
                                    preferred_element_type=jnp.float32)
                            + b_ref[...])

    return pl.pallas_call(
        body,
        grid=(n_pad // _R,),
        in_specs=[
            pl.BlockSpec((_R, hdim), lambda i: (i, 0)),
            pl.BlockSpec((_R, hdim), lambda i: (i, 0)),
            pl.BlockSpec((_R, hdim), lambda i: (i, 0)),
            pl.BlockSpec((_R, 1), lambda i: (i, 0)),
            pl.BlockSpec((hdim, cpad), lambda i: (0, 0)),
            pl.BlockSpec((1, cpad), lambda i: (0, 0)),
        ],
        out_specs=pl.BlockSpec((_R, cpad), lambda i: (i, 0)),
        out_shape=jax.ShapeDtypeStruct((n_pad, cpad), jnp.float32),
    )(a0, a1, y1, dis, wt2p, b2r)


def _tc_out(a0, a1, y2, dis, ncls):
    n_pad, cpad = y2.shape

    def body(a0_ref, a1_ref, y_ref, dis_ref, o_ref):
        z = dis_ref[...] * (a0_ref[...] + a1_ref[...] - y_ref[...])
        colmask = lax.broadcasted_iota(jnp.int32, (_R, cpad), 1) < ncls
        zm = jnp.where(colmask, z, -jnp.inf)
        m = jnp.max(zm, axis=1, keepdims=True)
        ez = jnp.where(colmask, jnp.exp(z - m), 0.0)
        lse = m + jnp.log(jnp.sum(ez, axis=1, keepdims=True))
        o_ref[...] = (z - lse)[:, :ncls]

    return pl.pallas_call(
        body,
        grid=(n_pad // _R,),
        in_specs=[
            pl.BlockSpec((_R, cpad), lambda i: (i, 0)),
            pl.BlockSpec((_R, cpad), lambda i: (i, 0)),
            pl.BlockSpec((_R, cpad), lambda i: (i, 0)),
            pl.BlockSpec((_R, 1), lambda i: (i, 0)),
        ],
        out_specs=pl.BlockSpec((_R, ncls), lambda i: (i, 0)),
        out_shape=jax.ShapeDtypeStruct((n_pad, ncls), jnp.float32),
    )(a0, a1, y2, dis)


def kernel(x, edge_index, owned_nodes, num_nodes, W1, b1, W2, b2):
    n, fin = x.shape
    hdim = W1.shape[0]
    ncls = W2.shape[0]
    e = edge_index.shape[1]

    n_pad = _cdiv(n + 1, _R) * _R
    cpad = _cdiv(ncls, 128) * 128

    rows = edge_index[0].astype(jnp.int32)
    cols = edge_index[1].astype(jnp.int32)

    def _pad3(v, chunk, mult):
        nc = _cdiv(e, _NW * chunk)
        nc = _cdiv(nc, mult) * mult
        ep = _NW * nc * chunk
        fill = n + jnp.arange(ep - e, dtype=jnp.int32) % (n_pad - n)
        return jnp.concatenate([v, fill]).reshape(_NW, nc, chunk)

    rows3d = _pad3(rows, _CHUNK, 1)
    ric3 = jnp.stack([_pad3(rows, _MCHUNK, 3), _pad3(cols, _MCHUNK, 3)], axis=2)
    x_pad = jnp.pad(x, ((0, n_pad - n), (0, 0)))
    wt1 = W1.T
    b1r = b1.reshape(1, hdim)
    wt2p = jnp.pad(W2, ((0, cpad - ncls), (0, 0))).T
    b2r = jnp.pad(b2, (0, cpad - ncls)).reshape(1, cpad)

    deg = _sc_degree(rows3d, n_pad, _DEGW)
    u1 = _tc_mm1(x_pad, wt1, b1r)
    y1, dis = _tc_scale1(u1, deg[0], deg[1], n)
    acc1 = _sc_gather_scatter(y1, ric3)
    y2 = _tc_lin2(acc1[0], acc1[1], y1, dis, wt2p, b2r)
    acc2 = _sc_gather_scatter(y2, ric3)
    outp = _tc_out(acc2[0], acc2[1], y2, dis, ncls)
    return outp[:n]

# --- scband reference (transcript-rebuilt; emitter-appended) ---
"""Pipeline reference for scband-net-1846835937364 (READ-ONLY COPY).

The authoritative reference and input builder live on the scoring server;
editing this copy changes nothing except your own understanding.
"""

import jax, jax.numpy as jnp
import numpy as np


def gcn_conv(x, edge_index, W, b):
    # GraphConvolution.forward: add_self_loops -> lin -> propagate(aggr='add')
    N = x.shape[0]
    loops = jnp.arange(N, dtype=edge_index.dtype)
    ei = jnp.concatenate([edge_index, jnp.stack([loops, loops], axis=0)], axis=1)
    # torch.nn.Linear: x @ W.T + b, W has shape [out_channels, in_channels]
    x = x @ W.T + b
    row, col = ei[0], ei[1]
    # degree(row, N) counted over source nodes
    deg = jnp.zeros((N,), dtype=x.dtype).at[row].add(1.0)
    deg_inv_sqrt = deg ** (-0.5)
    deg_inv_sqrt = jnp.where(jnp.isinf(deg_inv_sqrt), 0.0, deg_inv_sqrt)
    norm = deg_inv_sqrt[row] * deg_inv_sqrt[col]
    # message: norm * x_j where x_j = x[row]; aggregate add at col (target)
    msg = norm[:, None] * jnp.take(x, row, axis=0)
    out = jnp.zeros((N, x.shape[1]), dtype=x.dtype).at[col].add(msg)
    return out


def setup_inputs(seed: int = 0) -> dict:
    key = jax.random.key(seed)
    k1, k2, k3, k4, k5, k6 = jax.random.split(key, 6)
    N = 10000
    E = 320000
    nfeat, nhid, nclass = 128, 128, 40
    x = jax.random.normal(k1, (N, nfeat), dtype=jnp.float32)
    edge_index = jax.random.randint(k2, (2, E), 0, N, dtype=jnp.int64)
    owned_nodes = jnp.arange(N, dtype=jnp.int64)
    num_nodes = N
    # learned params (torch.nn.Linear default-style init)
    W1 = jax.random.normal(k3, (nhid, nfeat), dtype=jnp.float32) * (1.0 / np.sqrt(nfeat))
    b1 = jax.random.normal(k4, (nhid,), dtype=jnp.float32) * 0.01
    W2 = jax.random.normal(k5, (nclass, nhid), dtype=jnp.float32) * (1.0 / np.sqrt(nhid))
    b2 = jax.random.normal(k6, (nclass,), dtype=jnp.float32) * 0.01
    return {"x": x, "edge_index": edge_index, "owned_nodes": owned_nodes, "num_nodes": num_nodes,
            "W1": W1, "b1": b1, "W2": W2, "b2": b2}


def reference(x, edge_index, owned_nodes, num_nodes, W1, b1, W2, b2):
    # The distributed send/recv block in the original forward is pure communication
    # (it never mutates x locally); with rank==1 and world_size==2 the loop is a no-op.
    h = gcn_conv(x, edge_index, W1, b1)
    h = jax.nn.relu(h)
    # F.dropout with training=False is identity (eval mode)
    h = gcn_conv(h, edge_index, W2, b2)
    return jax.nn.log_softmax(h, axis=1)

if __name__ == "__main__":
    import jax
    _d = setup_inputs()
    print(jax.jit(kernel)(*tuple(_d.values())))

</pallas_src>

<mosaic_0001>
#map = affine_map<(d0, d1) -> (0, 0, 0)>
module attributes {stable_mosaic.version = 14 : i64} {
  func.func @deg_kernel(%arg0: i32, %arg1: i32, %arg2: memref<32x79x128xi32, #tpu.memory_space<hbm>>, %arg3: memref<2x10240x128xf32, #tpu.memory_space<hbm>>, %arg4: memref<79x128xi32, #tpu.memory_space<vmem>>, %arg5: memref<128x128xf32, #tpu.memory_space<vmem>>, %arg6: memref<10240x128xf32, #tpu.memory_space<vmem_shared>>) attributes {dimension_semantics = [#tpu.dimension_semantics<core_parallel>, #tpu.dimension_semantics<subcore_parallel>], iteration_bounds = array<i64: 2, 16>, scalar_prefetch = 0 : i64, scratch_operands = 3 : i64, tpu.core_type = #tpu.core_type<sc_vector_subcore>, window_params = [{transform_indices = #map}, {transform_indices = #map}]} {
    %mul3A = arith.constant 2 : i32
    %mul3A_0 = arith.muli %arg1, %mul3A : i32
    %add3A = arith.addi %mul3A_0, %arg0 : i32
    "tpu.region"() ({
      %run_scoped3A = tpu.sem_alloc : memref<!tpu.dma_semaphore, #tpu.memory_space<semaphore_mem>>
      %dma_start3A = arith.constant 0 : i32
      %dma_start3A_46 = arith.constant 0 : i32
      %dma_start3A_47 = tpu.memref_slice %arg2[%add3A, %dma_start3A, %dma_start3A_46] : memref<32x79x128xi32, #tpu.memory_space<hbm>> -> memref<1x79x128xi32, #tpu.memory_space<hbm>>
      %dma_start3A_48 = tpu.memref_squeeze %dma_start3A_47 : memref<1x79x128xi32, #tpu.memory_space<hbm>> -> memref<79x128xi32, #tpu.memory_space<hbm>>
      %dma_start3A_49 = arith.constant 0 : i32
      %dma_start3A_50 = arith.constant 0 : i32
      %dma_start3A_51 = tpu.memref_slice %arg2[%add3A, %dma_start3A_49, %dma_start3A_50] : memref<32x79x128xi32, #tpu.memory_space<hbm>> -> memref<1x79x128xi32, #tpu.memory_space<hbm>>
      %dma_start3A_52 = tpu.memref_squeeze %dma_start3A_51 : memref<1x79x128xi32, #tpu.memory_space<hbm>> -> memref<79x128xi32, #tpu.memory_space<hbm>>
      tpu.enqueue_dma source(%dma_start3A_52 : memref<79x128xi32, #tpu.memory_space<hbm>>) target(%arg4 : memref<79x128xi32, #tpu.memory_space<vmem>>) target_semaphore(%run_scoped3A : memref<!tpu.dma_semaphore, #tpu.memory_space<semaphore_mem>>)
      %dma_wait3A = arith.constant 0 : i32
      %dma_wait3A_53 = arith.constant 0 : i32
      %dma_wait3A_54 = tpu.memref_slice %arg2[%add3A, %dma_wait3A, %dma_wait3A_53] : memref<32x79x128xi32, #tpu.memory_space<hbm>> -> memref<1x79x128xi32, #tpu.memory_space<hbm>>
      %dma_wait3A_55 = tpu.memref_squeeze %dma_wait3A_54 : memref<1x79x128xi32, #tpu.memory_space<hbm>> -> memref<79x128xi32, #tpu.memory_space<hbm>>
      %dma_wait3A_56 = arith.constant 0 : i32
      %dma_wait3A_57 = arith.constant 0 : i32
      %dma_wait3A_58 = tpu.memref_slice %arg2[%add3A, %dma_wait3A_56, %dma_wait3A_57] : memref<32x79x128xi32, #tpu.memory_space<hbm>> -> memref<1x79x128xi32, #tpu.memory_space<hbm>>
      %dma_wait3A_59 = tpu.memref_squeeze %dma_wait3A_58 : memref<1x79x128xi32, #tpu.memory_space<hbm>> -> memref<79x128xi32, #tpu.memory_space<hbm>>
      tpu.wait_dma2 semaphore(%run_scoped3A : memref<!tpu.dma_semaphore, #tpu.memory_space<semaphore_mem>>) src(%dma_wait3A_59 : memref<79x128xi32, #tpu.memory_space<hbm>>) dst(%arg4 : memref<79x128xi32, #tpu.memory_space<vmem>>)
      tpu.yield
    }) : () -> ()
    %broadcast_in_dim3A = arith.constant 0.000000e+00 : f32
    %broadcast_in_dim3A_1 = vector.broadcast %broadcast_in_dim3A : f32 to vector<16xf32>
    %scan3A = arith.constant 0 : i32
    %scan3A_2 = arith.constant 0 : i32
    %scan3A_3 = arith.constant 128 : i32
    %scan3A_4 = arith.addi %scan3A_2, %scan3A_3 : i32
    %scan3A_5 = arith.constant 1 : i32
    scf.for %scan3A_46 = %scan3A_2 to %scan3A_4 step %scan3A_5  : i32 {
      %swap3A = arith.index_cast %scan3A_46 : i32 to index
      %swap3A_47 = arith.constant 0 : index
      %swap3A_48 = tpu.vector_load %arg5[%swap3A, %swap3A_47] {strides = array<i32>} : memref<128x128xf32, #tpu.memory_space<vmem>>, vector<1x16xf32>,
      %swap3A_49 = vector.shape_cast %swap3A_48 : vector<1x16xf32> to vector<16xf32>
      %swap3A_50 = vector.shape_cast %broadcast_in_dim3A_1 : vector<16xf32> to vector<1x16xf32>
      tpu.vector_store %arg5[%swap3A, %swap3A_47], %swap3A_50 {strides = array<i32>} : memref<128x128xf32, #tpu.memory_space<vmem>>, vector<1x16xf32>,
      %swap3A_51 = arith.index_cast %scan3A_46 : i32 to index
      %swap3A_52 = arith.constant 16 : index
      %swap3A_53 = tpu.vector_load %arg5[%swap3A_51, %swap3A_52] {strides = array<i32>} : memref<128x128xf32, #tpu.memory_space<vmem>>, vector<1x16xf32>,
      %swap3A_54 = vector.shape_cast %swap3A_53 : vector<1x16xf32> to vector<16xf32>
      %swap3A_55 = vector.shape_cast %broadcast_in_dim3A_1 : vector<16xf32> to vector<1x16xf32>
      tpu.vector_store %arg5[%swap3A_51, %swap3A_52], %swap3A_55 {strides = array<i32>} : memref<128x128xf32, #tpu.memory_space<vmem>>, vector<1x16xf32>,
      %swap3A_56 = arith.index_cast %scan3A_46 : i32 to index
      %swap3A_57 = arith.constant 32 : index
      %swap3A_58 = tpu.vector_load %arg5[%swap3A_56, %swap3A_57] {strides = array<i32>} : memref<128x128xf32, #tpu.memory_space<vmem>>, vector<1x16xf32>,
      %swap3A_59 = vector.shape_cast %swap3A_58 : vector<1x16xf32> to vector<16xf32>
      %swap3A_60 = vector.shape_cast %broadcast_in_dim3A_1 : vector<16xf32> to vector<1x16xf32>
      tpu.vector_store %arg5[%swap3A_56, %swap3A_57], %swap3A_60 {strides = array<i32>} : memref<128x128xf32, #tpu.memory_space<vmem>>, vector<1x16xf32>,
      %swap3A_61 = arith.index_cast %scan3A_46 : i32 to index
      %swap3A_62 = arith.constant 48 : index
      %swap3A_63 = tpu.vector_load %arg5[%swap3A_61, %swap3A_62] {strides = array<i32>} : memref<128x128xf32, #tpu.memory_space<vmem>>, vector<1x16xf32>,
      %swap3A_64 = vector.shape_cast %swap3A_63 : vector<1x16xf32> to vector<16xf32>
      %swap3A_65 = vector.shape_cast %broadcast_in_dim3A_1 : vector<16xf32> to vector<1x16xf32>
      tpu.vector_store %arg5[%swap3A_61, %swap3A_62], %swap3A_65 {strides = array<i32>} : memref<128x128xf32, #tpu.memory_space<vmem>>, vector<1x16xf32>,
      %swap3A_66 = arith.index_cast %scan3A_46 : i32 to index
      %swap3A_67 = arith.constant 64 : index
      %swap3A_68 = tpu.vector_load %arg5[%swap3A_66, %swap3A_67] {strides = array<i32>} : memref<128x128xf32, #tpu.memory_space<vmem>>, vector<1x16xf32>,
      %swap3A_69 = vector.shape_cast %swap3A_68 : vector<1x16xf32> to vector<16xf32>
      %swap3A_70 = vector.shape_cast %broadcast_in_dim3A_1 : vector<16xf32> to vector<1x16xf32>
      tpu.vector_store %arg5[%swap3A_66, %swap3A_67], %swap3A_70 {strides = array<i32>} : memref<128x128xf32, #tpu.memory_space<vmem>>, vector<1x16xf32>,
      %swap3A_71 = arith.index_cast %scan3A_46 : i32 to index
      %swap3A_72 = arith.constant 80 : index
      %swap3A_73 = tpu.vector_load %arg5[%swap3A_71, %swap3A_72] {strides = array<i32>} : memref<128x128xf32, #tpu.memory_space<vmem>>, vector<1x16xf32>,
      %swap3A_74 = vector.shape_cast %swap3A_73 : vector<1x16xf32> to vector<16xf32>
      %swap3A_75 = vector.shape_cast %broadcast_in_dim3A_1 : vector<16xf32> to vector<1x16xf32>
      tpu.vector_store %arg5[%swap3A_71, %swap3A_72], %swap3A_75 {strides = array<i32>} : memref<128x128xf32, #tpu.memory_space<vmem>>, vector<1x16xf32>,
      %swap3A_76 = arith.index_cast %scan3A_46 : i32 to index
      %swap3A_77 = arith.constant 96 : index
      %swap3A_78 = tpu.vector_load %arg5[%swap3A_76, %swap3A_77] {strides = array<i32>} : memref<128x128xf32, #tpu.memory_space<vmem>>, vector<1x16xf32>,
      %swap3A_79 = vector.shape_cast %swap3A_78 : vector<1x16xf32> to vector<16xf32>
      %swap3A_80 = vector.shape_cast %broadcast_in_dim3A_1 : vector<16xf32> to vector<1x16xf32>
      tpu.vector_store %arg5[%swap3A_76, %swap3A_77], %swap3A_80 {strides = array<i32>} : memref<128x128xf32, #tpu.memory_space<vmem>>, vector<1x16xf32>,
      %swap3A_81 = arith.index_cast %scan3A_46 : i32 to index
      %swap3A_82 = arith.constant 112 : index
      %swap3A_83 = tpu.vector_load %arg5[%swap3A_81, %swap3A_82] {strides = array<i32>} : memref<128x128xf32, #tpu.memory_space<vmem>>, vector<1x16xf32>,
      %swap3A_84 = vector.shape_cast %swap3A_83 : vector<1x16xf32> to vector<16xf32>
      %swap3A_85 = vector.shape_cast %broadcast_in_dim3A_1 : vector<16xf32> to vector<1x16xf32>
      tpu.vector_store %arg5[%swap3A_81, %swap3A_82], %swap3A_85 {strides = array<i32>} : memref<128x128xf32, #tpu.memory_space<vmem>>, vector<1x16xf32>,
    }
    %scan3A_6 = arith.constant 128 : i32
    %mul3A_7 = arith.constant 640 : i32
    %mul3A_8 = arith.muli %arg1, %mul3A_7 : i32
    %add3A_9 = arith.constant 0 : i32
    %add3A_10 = arith.addi %mul3A_8, %add3A_9 : i32
    "tpu.region"() ({
      %run_scoped3A = tpu.sem_alloc : memref<!tpu.dma_semaphore, #tpu.memory_space<semaphore_mem>>
      %dma_start3A = arith.constant 0 : i32
      %dma_start3A_46 = tpu.memref_slice %arg6[%add3A_10, %dma_start3A] : memref<10240x128xf32, #tpu.memory_space<vmem_shared>> -> memref<128x128xf32, #tpu.memory_space<vmem_shared>>
      %dma_start3A_47 = arith.constant 0 : i32
      %dma_start3A_48 = tpu.memref_slice %arg6[%add3A_10, %dma_start3A_47] : memref<10240x128xf32, #tpu.memory_space<vmem_shared>> -> memref<128x128xf32, #tpu.memory_space<vmem_shared>>
      tpu.enqueue_dma source(%arg5 : memref<128x128xf32, #tpu.memory_space<vmem>>) target(%dma_start3A_48 : memref<128x128xf32, #tpu.memory_space<vmem_shared>>) target_semaphore(%run_scoped3A : memref<!tpu.dma_semaphore, #tpu.memory_space<semaphore_mem>>)
      %dma_wait3A = arith.constant 0 : i32
      %dma_wait3A_49 = tpu.memref_slice %arg6[%add3A_10, %dma_wait3A] : memref<10240x128xf32, #tpu.memory_space<vmem_shared>> -> memref<128x128xf32, #tpu.memory_space<vmem_shared>>
      %dma_wait3A_50 = arith.constant 0 : i32
      %dma_wait3A_51 = tpu.memref_slice %arg6[%add3A_10, %dma_wait3A_50] : memref<10240x128xf32, #tpu.memory_space<vmem_shared>> -> memref<128x128xf32, #tpu.memory_space<vmem_shared>>
      tpu.wait_dma2 semaphore(%run_scoped3A : memref<!tpu.dma_semaphore, #tpu.memory_space<semaphore_mem>>) src(%arg5 : memref<128x128xf32, #tpu.memory_space<vmem>>) dst(%dma_wait3A_51 : memref<128x128xf32, #tpu.memory_space<vmem_shared>>)
      tpu.yield
    }) : () -> ()
    %mul3A_11 = arith.constant 640 : i32
    %mul3A_12 = arith.muli %arg1, %mul3A_11 : i32
    %add3A_13 = arith.constant 128 : i32
    %add3A_14 = arith.addi %mul3A_12, %add3A_13 : i32
    "tpu.region"() ({
      %run_scoped3A = tpu.sem_alloc : memref<!tpu.dma_semaphore, #tpu.memory_space<semaphore_mem>>
      %dma_start3A = arith.constant 0 : i32
      %dma_start3A_46 = tpu.memref_slice %arg6[%add3A_14, %dma_start3A] : memref<10240x128xf32, #tpu.memory_space<vmem_shared>> -> memref<128x128xf32, #tpu.memory_space<vmem_shared>>
      %dma_start3A_47 = arith.constant 0 : i32
      %dma_start3A_48 = tpu.memref_slice %arg6[%add3A_14, %dma_start3A_47] : memref<10240x128xf32, #tpu.memory_space<vmem_shared>> -> memref<128x128xf32, #tpu.memory_space<vmem_shared>>
      tpu.enqueue_dma source(%arg5 : memref<128x128xf32, #tpu.memory_space<vmem>>) target(%dma_start3A_48 : memref<128x128xf32, #tpu.memory_space<vmem_shared>>) target_semaphore(%run_scoped3A : memref<!tpu.dma_semaphore, #tpu.memory_space<semaphore_mem>>)
      %dma_wait3A = arith.constant 0 : i32
      %dma_wait3A_49 = tpu.memref_slice %arg6[%add3A_14, %dma_wait3A] : memref<10240x128xf32, #tpu.memory_space<vmem_shared>> -> memref<128x128xf32, #tpu.memory_space<vmem_shared>>
      %dma_wait3A_50 = arith.constant 0 : i32
      %dma_wait3A_51 = tpu.memref_slice %arg6[%add3A_14, %dma_wait3A_50] : memref<10240x128xf32, #tpu.memory_space<vmem_shared>> -> memref<128x128xf32, #tpu.memory_space<vmem_shared>>
      tpu.wait_dma2 semaphore(%run_scoped3A : memref<!tpu.dma_semaphore, #tpu.memory_space<semaphore_mem>>) src(%arg5 : memref<128x128xf32, #tpu.memory_space<vmem>>) dst(%dma_wait3A_51 : memref<128x128xf32, #tpu.memory_space<vmem_shared>>)
      tpu.yield
    }) : () -> ()
    %mul3A_15 = arith.constant 640 : i32
    %mul3A_16 = arith.muli %arg1, %mul3A_15 : i32
    %add3A_17 = arith.constant 256 : i32
    %add3A_18 = arith.addi %mul3A_16, %add3A_17 : i32
    "tpu.region"() ({
      %run_scoped3A = tpu.sem_alloc : memref<!tpu.dma_semaphore, #tpu.memory_space<semaphore_mem>>
      %dma_start3A = arith.constant 0 : i32
      %dma_start3A_46 = tpu.memref_slice %arg6[%add3A_18, %dma_start3A] : memref<10240x128xf32, #tpu.memory_space<vmem_shared>> -> memref<128x128xf32, #tpu.memory_space<vmem_shared>>
      %dma_start3A_47 = arith.constant 0 : i32
      %dma_start3A_48 = tpu.memref_slice %arg6[%add3A_18, %dma_start3A_47] : memref<10240x128xf32, #tpu.memory_space<vmem_shared>> -> memref<128x128xf32, #tpu.memory_space<vmem_shared>>
      tpu.enqueue_dma source(%arg5 : memref<128x128xf32, #tpu.memory_space<vmem>>) target(%dma_start3A_48 : memref<128x128xf32, #tpu.memory_space<vmem_shared>>) target_semaphore(%run_scoped3A : memref<!tpu.dma_semaphore, #tpu.memory_space<semaphore_mem>>)
      %dma_wait3A = arith.constant 0 : i32
      %dma_wait3A_49 = tpu.memref_slice %arg6[%add3A_18, %dma_wait3A] : memref<10240x128xf32, #tpu.memory_space<vmem_shared>> -> memref<128x128xf32, #tpu.memory_space<vmem_shared>>
      %dma_wait3A_50 = arith.constant 0 : i32
      %dma_wait3A_51 = tpu.memref_slice %arg6[%add3A_18, %dma_wait3A_50] : memref<10240x128xf32, #tpu.memory_space<vmem_shared>> -> memref<128x128xf32, #tpu.memory_space<vmem_shared>>
      tpu.wait_dma2 semaphore(%run_scoped3A : memref<!tpu.dma_semaphore, #tpu.memory_space<semaphore_mem>>) src(%arg5 : memref<128x128xf32, #tpu.memory_space<vmem>>) dst(%dma_wait3A_51 : memref<128x128xf32, #tpu.memory_space<vmem_shared>>)
      tpu.yield
    }) : () -> ()
    %mul3A_19 = arith.constant 640 : i32
    %mul3A_20 = arith.muli %arg1, %mul3A_19 : i32
    %add3A_21 = arith.constant 384 : i32
    %add3A_22 = arith.addi %mul3A_20, %add3A_21 : i32
    "tpu.region"() ({
      %run_scoped3A = tpu.sem_alloc : memref<!tpu.dma_semaphore, #tpu.memory_space<semaphore_mem>>
      %dma_start3A = arith.constant 0 : i32
      %dma_start3A_46 = tpu.memref_slice %arg6[%add3A_22, %dma_start3A] : memref<10240x128xf32, #tpu.memory_space<vmem_shared>> -> memref<128x128xf32, #tpu.memory_space<vmem_shared>>
      %dma_start3A_47 = arith.constant 0 : i32
      %dma_start3A_48 = tpu.memref_slice %arg6[%add3A_22, %dma_start3A_47] : memref<10240x128xf32, #tpu.memory_space<vmem_shared>> -> memref<128x128xf32, #tpu.memory_space<vmem_shared>>
      tpu.enqueue_dma source(%arg5 : memref<128x128xf32, #tpu.memory_space<vmem>>) target(%dma_start3A_48 : memref<128x128xf32, #tpu.memory_space<vmem_shared>>) target_semaphore(%run_scoped3A : memref<!tpu.dma_semaphore, #tpu.memory_space<semaphore_mem>>)
      %dma_wait3A = arith.constant 0 : i32
      %dma_wait3A_49 = tpu.memref_slice %arg6[%add3A_22, %dma_wait3A] : memref<10240x128xf32, #tpu.memory_space<vmem_shared>> -> memref<128x128xf32, #tpu.memory_space<vmem_shared>>
      %dma_wait3A_50 = arith.constant 0 : i32
      %dma_wait3A_51 = tpu.memref_slice %arg6[%add3A_22, %dma_wait3A_50] : memref<10240x128xf32, #tpu.memory_space<vmem_shared>> -> memref<128x128xf32, #tpu.memory_space<vmem_shared>>
      tpu.wait_dma2 semaphore(%run_scoped3A : memref<!tpu.dma_semaphore, #tpu.memory_space<semaphore_mem>>) src(%arg5 : memref<128x128xf32, #tpu.memory_space<vmem>>) dst(%dma_wait3A_51 : memref<128x128xf32, #tpu.memory_space<vmem_shared>>)
      tpu.yield
    }) : () -> ()
    %mul3A_23 = arith.constant 640 : i32
    %mul3A_24 = arith.muli %arg1, %mul3A_23 : i32
    %add3A_25 = arith.constant 512 : i32
    %add3A_26 = arith.addi %mul3A_24, %add3A_25 : i32
    "tpu.region"() ({
      %run_scoped3A = tpu.sem_alloc : memref<!tpu.dma_semaphore, #tpu.memory_space<semaphore_mem>>
      %dma_start3A = arith.constant 0 : i32
      %dma_start3A_46 = tpu.memref_slice %arg6[%add3A_26, %dma_start3A] : memref<10240x128xf32, #tpu.memory_space<vmem_shared>> -> memref<128x128xf32, #tpu.memory_space<vmem_shared>>
      %dma_start3A_47 = arith.constant 0 : i32
      %dma_start3A_48 = tpu.memref_slice %arg6[%add3A_26, %dma_start3A_47] : memref<10240x128xf32, #tpu.memory_space<vmem_shared>> -> memref<128x128xf32, #tpu.memory_space<vmem_shared>>
      tpu.enqueue_dma source(%arg5 : memref<128x128xf32, #tpu.memory_space<vmem>>) target(%dma_start3A_48 : memref<128x128xf32, #tpu.memory_space<vmem_shared>>) target_semaphore(%run_scoped3A : memref<!tpu.dma_semaphore, #tpu.memory_space<semaphore_mem>>)
      %dma_wait3A = arith.constant 0 : i32
      %dma_wait3A_49 = tpu.memref_slice %arg6[%add3A_26, %dma_wait3A] : memref<10240x128xf32, #tpu.memory_space<vmem_shared>> -> memref<128x128xf32, #tpu.memory_space<vmem_shared>>
      %dma_wait3A_50 = arith.constant 0 : i32
      %dma_wait3A_51 = tpu.memref_slice %arg6[%add3A_26, %dma_wait3A_50] : memref<10240x128xf32, #tpu.memory_space<vmem_shared>> -> memref<128x128xf32, #tpu.memory_space<vmem_shared>>
      tpu.wait_dma2 semaphore(%run_scoped3A : memref<!tpu.dma_semaphore, #tpu.memory_space<semaphore_mem>>) src(%arg5 : memref<128x128xf32, #tpu.memory_space<vmem>>) dst(%dma_wait3A_51 : memref<128x128xf32, #tpu.memory_space<vmem_shared>>)
      tpu.yield
    }) : () -> ()
    %broadcast_in_dim3A_27 = arith.constant 1.000000e+00 : f32
    %broadcast_in_dim3A_28 = vector.broadcast %broadcast_in_dim3A_27 : f32 to vector<16xf32>
    %scan3A_29 = arith.constant 0 : i32
    %scan3A_30 = arith.constant 0 : i32
    %scan3A_31 = arith.constant 128 : i32
    %scan3A_32 = arith.addi %scan3A_30, %scan3A_31 : i32
    %scan3A_33 = arith.constant 1 : i32
    scf.for %scan3A_46 = %scan3A_30 to %scan3A_32 step %scan3A_33  : i32 {
      %swap3A = arith.index_cast %scan3A_46 : i32 to index
      %swap3A_47 = arith.constant 0 : index
      %swap3A_48 = tpu.vector_load %arg5[%swap3A, %swap3A_47] {strides = array<i32>} : memref<128x128xf32, #tpu.memory_space<vmem>>, vector<1x16xf32>,
      %swap3A_49 = vector.shape_cast %swap3A_48 : vector<1x16xf32> to vector<16xf32>
      %swap3A_50 = vector.shape_cast %broadcast_in_dim3A_28 : vector<16xf32> to vector<1x16xf32>
      tpu.vector_store %arg5[%swap3A, %swap3A_47], %swap3A_50 {strides = array<i32>} : memref<128x128xf32, #tpu.memory_space<vmem>>, vector<1x16xf32>,
      %swap3A_51 = arith.index_cast %scan3A_46 : i32 to index
      %swap3A_52 = arith.constant 16 : index
      %swap3A_53 = tpu.vector_load %arg5[%swap3A_51, %swap3A_52] {strides = array<i32>} : memref<128x128xf32, #tpu.memory_space<vmem>>, vector<1x16xf32>,
      %swap3A_54 = vector.shape_cast %swap3A_53 : vector<1x16xf32> to vector<16xf32>
      %swap3A_55 = vector.shape_cast %broadcast_in_dim3A_28 : vector<16xf32> to vector<1x16xf32>
      tpu.vector_store %arg5[%swap3A_51, %swap3A_52], %swap3A_55 {strides = array<i32>} : memref<128x128xf32, #tpu.memory_space<vmem>>, vector<1x16xf32>,
      %swap3A_56 = arith.index_cast %scan3A_46 : i32 to index
      %swap3A_57 = arith.constant 32 : index
      %swap3A_58 = tpu.vector_load %arg5[%swap3A_56, %swap3A_57] {strides = array<i32>} : memref<128x128xf32, #tpu.memory_space<vmem>>, vector<1x16xf32>,
      %swap3A_59 = vector.shape_cast %swap3A_58 : vector<1x16xf32> to vector<16xf32>
      %swap3A_60 = vector.shape_cast %broadcast_in_dim3A_28 : vector<16xf32> to vector<1x16xf32>
      tpu.vector_store %arg5[%swap3A_56, %swap3A_57], %swap3A_60 {strides = array<i32>} : memref<128x128xf32, #tpu.memory_space<vmem>>, vector<1x16xf32>,
      %swap3A_61 = arith.index_cast %scan3A_46 : i32 to index
      %swap3A_62 = arith.constant 48 : index
      %swap3A_63 = tpu.vector_load %arg5[%swap3A_61, %swap3A_62] {strides = array<i32>} : memref<128x128xf32, #tpu.memory_space<vmem>>, vector<1x16xf32>,
      %swap3A_64 = vector.shape_cast %swap3A_63 : vector<1x16xf32> to vector<16xf32>
      %swap3A_65 = vector.shape_cast %broadcast_in_dim3A_28 : vector<16xf32> to vector<1x16xf32>
      tpu.vector_store %arg5[%swap3A_61, %swap3A_62], %swap3A_65 {strides = array<i32>} : memref<128x128xf32, #tpu.memory_space<vmem>>, vector<1x16xf32>,
      %swap3A_66 = arith.index_cast %scan3A_46 : i32 to index
      %swap3A_67 = arith.constant 64 : index
      %swap3A_68 = tpu.vector_load %arg5[%swap3A_66, %swap3A_67] {strides = array<i32>} : memref<128x128xf32, #tpu.memory_space<vmem>>, vector<1x16xf32>,
      %swap3A_69 = vector.shape_cast %swap3A_68 : vector<1x16xf32> to vector<16xf32>
      %swap3A_70 = vector.shape_cast %broadcast_in_dim3A_28 : vector<16xf32> to vector<1x16xf32>
      tpu.vector_store %arg5[%swap3A_66, %swap3A_67], %swap3A_70 {strides = array<i32>} : memref<128x128xf32, #tpu.memory_space<vmem>>, vector<1x16xf32>,
      %swap3A_71 = arith.index_cast %scan3A_46 : i32 to index
      %swap3A_72 = arith.constant 80 : index
      %swap3A_73 = tpu.vector_load %arg5[%swap3A_71, %swap3A_72] {strides = array<i32>} : memref<128x128xf32, #tpu.memory_space<vmem>>, vector<1x16xf32>,
      %swap3A_74 = vector.shape_cast %swap3A_73 : vector<1x16xf32> to vector<16xf32>
      %swap3A_75 = vector.shape_cast %broadcast_in_dim3A_28 : vector<16xf32> to vector<1x16xf32>
      tpu.vector_store %arg5[%swap3A_71, %swap3A_72], %swap3A_75 {strides = array<i32>} : memref<128x128xf32, #tpu.memory_space<vmem>>, vector<1x16xf32>,
      %swap3A_76 = arith.index_cast %scan3A_46 : i32 to index
      %swap3A_77 = arith.constant 96 : index
      %swap3A_78 = tpu.vector_load %arg5[%swap3A_76, %swap3A_77] {strides = array<i32>} : memref<128x128xf32, #tpu.memory_space<vmem>>, vector<1x16xf32>,
      %swap3A_79 = vector.shape_cast %swap3A_78 : vector<1x16xf32> to vector<16xf32>
      %swap3A_80 = vector.shape_cast %broadcast_in_dim3A_28 : vector<16xf32> to vector<1x16xf32>
      tpu.vector_store %arg5[%swap3A_76, %swap3A_77], %swap3A_80 {strides = array<i32>} : memref<128x128xf32, #tpu.memory_space<vmem>>, vector<1x16xf32>,
      %swap3A_81 = arith.index_cast %scan3A_46 : i32 to index
      %swap3A_82 = arith.constant 112 : index
      %swap3A_83 = tpu.vector_load %arg5[%swap3A_81, %swap3A_82] {strides = array<i32>} : memref<128x128xf32, #tpu.memory_space<vmem>>, vector<1x16xf32>,
      %swap3A_84 = vector.shape_cast %swap3A_83 : vector<1x16xf32> to vector<16xf32>
      %swap3A_85 = vector.shape_cast %broadcast_in_dim3A_28 : vector<16xf32> to vector<1x16xf32>
      tpu.vector_store %arg5[%swap3A_81, %swap3A_82], %swap3A_85 {strides = array<i32>} : memref<128x128xf32, #tpu.memory_space<vmem>>, vector<1x16xf32>,
    }
    %scan3A_34 = arith.constant 128 : i32
    %barrier3A = arith.constant 0 : index
    tpu.barrier barrier_id(%barrier3A)
    %scan3A_35 = arith.constant 0 : i32
    %scan3A_36 = arith.constant 0 : i32
    %scan3A_37 = arith.constant 79 : i32
    %scan3A_38 = arith.addi %scan3A_36, %scan3A_37 : i32
    %scan3A_39 = arith.constant 1 : i32
    scf.for %scan3A_46 = %scan3A_36 to %scan3A_38 step %scan3A_39  : i32 {
      "tpu.region"() ({
        %run_scoped3A = tpu.sem_alloc : memref<!tpu.dma_semaphore, #tpu.memory_space<semaphore_mem>>
        %dma_start3A = arith.constant 0 : i32
        %dma_start3A_47 = tpu.memref_slice %arg4[%scan3A_46, %dma_start3A] : memref<79x128xi32, #tpu.memory_space<vmem>> -> memref<1x128xi32, #tpu.memory_space<vmem>>
        %dma_start3A_48 = tpu.memref_squeeze %dma_start3A_47 : memref<1x128xi32, #tpu.memory_space<vmem>> -> memref<128xi32, #tpu.memory_space<vmem>>
        %dma_start3A_49 = arith.constant 0 : i32
        %dma_start3A_50 = arith.constant 0 : i32
        %dma_start3A_51 = tpu.memref_slice %arg6[%dma_start3A_49, %dma_start3A_50] : memref<10240x128xf32, #tpu.memory_space<vmem_shared>> -> memref<10240x128xf32, #tpu.memory_space<vmem_shared>>
        tpu.enqueue_indirect_dma source(%arg5 : memref<128x128xf32, #tpu.memory_space<vmem>>) target(%dma_start3A_51 : memref<10240x128xf32, #tpu.memory_space<vmem_shared>>) offsets(%dma_start3A_48 : memref<128xi32, #tpu.memory_space<vmem>>) semaphore(%run_scoped3A : memref<!tpu.dma_semaphore, #tpu.memory_space<semaphore_mem>>) {add = true}
        %dma_wait3A = arith.constant 0 : i32
        %dma_wait3A_52 = tpu.memref_slice %arg4[%scan3A_46, %dma_wait3A] : memref<79x128xi32, #tpu.memory_space<vmem>> -> memref<1x128xi32, #tpu.memory_space<vmem>>
        %dma_wait3A_53 = tpu.memref_squeeze %dma_wait3A_52 : memref<1x128xi32, #tpu.memory_space<vmem>> -> memref<128xi32, #tpu.memory_space<vmem>>
        %dma_wait3A_54 = arith.constant 0 : i32
        %dma_wait3A_55 = arith.constant 0 : i32
        %dma_wait3A_56 = tpu.memref_slice %arg6[%dma_wait3A_54, %dma_wait3A_55] : memref<10240x128xf32, #tpu.memory_space<vmem_shared>> -> memref<10240x128xf32, #tpu.memory_space<vmem_shared>>
        tpu.wait_indirect_dma semaphore(%run_scoped3A : memref<!tpu.dma_semaphore, #tpu.memory_space<semaphore_mem>>) src(%arg5 : memref<128x128xf32, #tpu.memory_space<vmem>>) dst(%dma_wait3A_56 : memref<10240x128xf32, #tpu.memory_space<vmem_shared>>)
        tpu.yield
      }) : () -> ()
    }
    %scan3A_40 = arith.constant 79 : i32
    %barrier3A_41 = arith.constant 0 : index
    tpu.barrier barrier_id(%barrier3A_41)
    %mul3A_42 = arith.constant 640 : i32
    %mul3A_43 = arith.muli %arg1, %mul3A_42 : i32
    %mul3A_44 = arith.constant 640 : i32
    %mul3A_45 = arith.muli %arg1, %mul3A_44 : i32
    "tpu.region"() ({
      %run_scoped3A = tpu.sem_alloc : memref<!tpu.dma_semaphore, #tpu.memory_space<semaphore_mem>>
      %dma_start3A = arith.constant 0 : i32
      %dma_start3A_46 = arith.constant 0 : i32
      %dma_start3A_47 = tpu.memref_slice %arg3[%arg0, %dma_start3A, %dma_start3A_46] : memref<2x10240x128xf32, #tpu.memory_space<hbm>> -> memref<1x10240x128xf32, #tpu.memory_space<hbm>>
      %dma_start3A_48 = tpu.memref_squeeze %dma_start3A_47 : memref<1x10240x128xf32, #tpu.memory_space<hbm>> -> memref<10240x128xf32, #tpu.memory_space<hbm>>
      %dma_start3A_49 = arith.constant 0 : i32
      %dma_start3A_50 = tpu.memref_slice %dma_start3A_48[%mul3A_45, %dma_start3A_49] : memref<10240x128xf32, #tpu.memory_space<hbm>> -> memref<640x128xf32, #tpu.memory_space<hbm>>
      %dma_start3A_51 = arith.constant 0 : i32
      %dma_start3A_52 = tpu.memref_slice %arg6[%mul3A_43, %dma_start3A_51] : memref<10240x128xf32, #tpu.memory_space<vmem_shared>> -> memref<640x128xf32, #tpu.memory_space<vmem_shared>>
      tpu.enqueue_dma source(%dma_start3A_52 : memref<640x128xf32, #tpu.memory_space<vmem_shared>>) target(%dma_start3A_50 : memref<640x128xf32, #tpu.memory_space<hbm>>) target_semaphore(%run_scoped3A : memref<!tpu.dma_semaphore, #tpu.memory_space<semaphore_mem>>)
      %dma_wait3A = arith.constant 0 : i32
      %dma_wait3A_53 = arith.constant 0 : i32
      %dma_wait3A_54 = tpu.memref_slice %arg3[%arg0, %dma_wait3A, %dma_wait3A_53] : memref<2x10240x128xf32, #tpu.memory_space<hbm>> -> memref<1x10240x128xf32, #tpu.memory_space<hbm>>
      %dma_wait3A_55 = tpu.memref_squeeze %dma_wait3A_54 : memref<1x10240x128xf32, #tpu.memory_space<hbm>> -> memref<10240x128xf32, #tpu.memory_space<hbm>>
      %dma_wait3A_56 = arith.constant 0 : i32
      %dma_wait3A_57 = tpu.memref_slice %dma_wait3A_55[%mul3A_45, %dma_wait3A_56] : memref<10240x128xf32, #tpu.memory_space<hbm>> -> memref<640x128xf32, #tpu.memory_space<hbm>>
      %dma_wait3A_58 = arith.constant 0 : i32
      %dma_wait3A_59 = tpu.memref_slice %arg6[%mul3A_43, %dma_wait3A_58] : memref<10240x128xf32, #tpu.memory_space<vmem_shared>> -> memref<640x128xf32, #tpu.memory_space<vmem_shared>>
      tpu.wait_dma2 semaphore(%run_scoped3A : memref<!tpu.dma_semaphore, #tpu.memory_space<semaphore_mem>>) src(%dma_wait3A_59 : memref<640x128xf32, #tpu.memory_space<vmem_shared>>) dst(%dma_wait3A_57 : memref<640x128xf32, #tpu.memory_space<hbm>>)
      tpu.yield
    }) : () -> ()
    return
  }
}

#map = affine_map<(d0, d1) -> (0, 0)>
#map1 = affine_map<(d0, d1) -> (0, 0, 0, 0)>
#map2 = affine_map<(d0, d1) -> (0, 0, 0)>
module attributes {stable_mosaic.version = 14 : i64} {
  func.func @msg_kernel(%arg0: i32, %arg1: i32, %arg2: memref<10240x128xf32, #tpu.memory_space<hbm>>, %arg3: memref<32x90x2x112xi32, #tpu.memory_space<hbm>>, %arg4: memref<2x10240x128xf32, #tpu.memory_space<hbm>>, %arg5: memref<2x112xi32, #tpu.memory_space<vmem>>, %arg6: memref<2x112xi32, #tpu.memory_space<vmem>>, %arg7: memref<2x112xi32, #tpu.memory_space<vmem>>, %arg8: memref<112x128xf32, #tpu.memory_space<vmem>>, %arg9: memref<112x128xf32, #tpu.memory_space<vmem>>, %arg10: memref<112x128xf32, #tpu.memory_space<vmem>>, %arg11: memref<!tpu.dma_semaphore, #tpu.memory_space<semaphore_mem>>, %arg12: memref<!tpu.dma_semaphore, #tpu.memory_space<semaphore_mem>>, %arg13: memref<!tpu.dma_semaphore, #tpu.memory_space<semaphore_mem>>, %arg14: memref<!tpu.dma_semaphore, #tpu.memory_space<semaphore_mem>>, %arg15: memref<!tpu.dma_semaphore, #tpu.memory_space<semaphore_mem>>, %arg16: memref<!tpu.dma_semaphore, #tpu.memory_space<semaphore_mem>>, %arg17: memref<10240x128xf32, #tpu.memory_space<vmem_shared>>) attributes {dimension_semantics = [#tpu.dimension_semantics<core_parallel>, #tpu.dimension_semantics<subcore_parallel>], iteration_bounds = array<i64: 2, 16>, scalar_prefetch = 0 : i64, scratch_operands = 13 : i64, tpu.core_type = #tpu.core_type<sc_vector_subcore>, window_params = [{transform_indices = #map}, {transform_indices = #map1}, {transform_indices = #map2}]} {
    %mul3A = arith.constant 2 : i32
    %mul3A_0 = arith.muli %arg1, %mul3A : i32
    %add3A = arith.addi %mul3A_0, %arg0 : i32
    %mul3A_1 = arith.constant 640 : i32
    %mul3A_2 = arith.muli %arg1, %mul3A_1 : i32
    %mul3A_3 = arith.constant 640 : i32
    %mul3A_4 = arith.muli %arg1, %mul3A_3 : i32
    "tpu.region"() ({
      %run_scoped3A = tpu.sem_alloc : memref<!tpu.dma_semaphore, #tpu.memory_space<semaphore_mem>>
      %dma_start3A_141 = arith.constant 0 : i32
      %dma_start3A_142 = tpu.memref_slice %arg17[%mul3A_4, %dma_start3A_141] : memref<10240x128xf32, #tpu.memory_space<vmem_shared>> -> memref<640x128xf32, #tpu.memory_space<vmem_shared>>
      %dma_start3A_143 = arith.constant 0 : i32
      %dma_start3A_144 = tpu.memref_slice %arg2[%mul3A_2, %dma_start3A_143] : memref<10240x128xf32, #tpu.memory_space<hbm>> -> memref<640x128xf32, #tpu.memory_space<hbm>>
      tpu.enqueue_dma source(%dma_start3A_144 : memref<640x128xf32, #tpu.memory_space<hbm>>) target(%dma_start3A_142 : memref<640x128xf32, #tpu.memory_space<vmem_shared>>) target_semaphore(%run_scoped3A : memref<!tpu.dma_semaphore, #tpu.memory_space<semaphore_mem>>)
      %dma_wait3A_145 = arith.constant 0 : i32
      %dma_wait3A_146 = tpu.memref_slice %arg17[%mul3A_4, %dma_wait3A_145] : memref<10240x128xf32, #tpu.memory_space<vmem_shared>> -> memref<640x128xf32, #tpu.memory_space<vmem_shared>>
      %dma_wait3A_147 = arith.constant 0 : i32
      %dma_wait3A_148 = tpu.memref_slice %arg2[%mul3A_2, %dma_wait3A_147] : memref<10240x128xf32, #tpu.memory_space<hbm>> -> memref<640x128xf32, #tpu.memory_space<hbm>>
      tpu.wait_dma2 semaphore(%run_scoped3A : memref<!tpu.dma_semaphore, #tpu.memory_space<semaphore_mem>>) src(%dma_wait3A_148 : memref<640x128xf32, #tpu.memory_space<hbm>>) dst(%dma_wait3A_146 : memref<640x128xf32, #tpu.memory_space<vmem_shared>>)
      tpu.yield
    }) : () -> ()
    %barrier3A = arith.constant 0 : index
    tpu.barrier barrier_id(%barrier3A)
    %dma_start3A = arith.constant 0 : i32
    %dma_start3A_5 = arith.constant 0 : i32
    %dma_start3A_6 = arith.constant 0 : i32
    %dma_start3A_7 = arith.constant 0 : i32
    %dma_start3A_8 = tpu.memref_slice %arg3[%add3A, %dma_start3A_5, %dma_start3A_6, %dma_start3A_7] : memref<32x90x2x112xi32, #tpu.memory_space<hbm>> -> memref<1x90x2x112xi32, #tpu.memory_space<hbm>>
    %dma_start3A_9 = tpu.memref_squeeze %dma_start3A_8 : memref<1x90x2x112xi32, #tpu.memory_space<hbm>> -> memref<90x2x112xi32, #tpu.memory_space<hbm>>
    %dma_start3A_10 = arith.constant 0 : i32
    %dma_start3A_11 = arith.constant 0 : i32
    %dma_start3A_12 = tpu.memref_slice %dma_start3A_9[%dma_start3A, %dma_start3A_10, %dma_start3A_11] : memref<90x2x112xi32, #tpu.memory_space<hbm>> -> memref<1x2x112xi32, #tpu.memory_space<hbm>>
    %dma_start3A_13 = tpu.memref_squeeze %dma_start3A_12 : memref<1x2x112xi32, #tpu.memory_space<hbm>> -> memref<2x112xi32, #tpu.memory_space<hbm>>
    %dma_start3A_14 = arith.constant 0 : i32
    %dma_start3A_15 = arith.constant 0 : i32
    %dma_start3A_16 = arith.constant 0 : i32
    %dma_start3A_17 = tpu.memref_slice %arg3[%add3A, %dma_start3A_14, %dma_start3A_15, %dma_start3A_16] : memref<32x90x2x112xi32, #tpu.memory_space<hbm>> -> memref<1x90x2x112xi32, #tpu.memory_space<hbm>>
    %dma_start3A_18 = tpu.memref_squeeze %dma_start3A_17 : memref<1x90x2x112xi32, #tpu.memory_space<hbm>> -> memref<90x2x112xi32, #tpu.memory_space<hbm>>
    %dma_start3A_19 = arith.constant 0 : i32
    %dma_start3A_20 = arith.constant 0 : i32
    %dma_start3A_21 = tpu.memref_slice %dma_start3A_18[%dma_start3A, %dma_start3A_19, %dma_start3A_20] : memref<90x2x112xi32, #tpu.memory_space<hbm>> -> memref<1x2x112xi32, #tpu.memory_space<hbm>>
    %dma_start3A_22 = tpu.memref_squeeze %dma_start3A_21 : memref<1x2x112xi32, #tpu.memory_space<hbm>> -> memref<2x112xi32, #tpu.memory_space<hbm>>
    tpu.enqueue_dma source(%dma_start3A_22 : memref<2x112xi32, #tpu.memory_space<hbm>>) target(%arg5 : memref<2x112xi32, #tpu.memory_space<vmem>>) target_semaphore(%arg11 : memref<!tpu.dma_semaphore, #tpu.memory_space<semaphore_mem>>)
    %dma_start3A_23 = arith.constant 1 : i32
    %dma_start3A_24 = arith.constant 0 : i32
    %dma_start3A_25 = arith.constant 0 : i32
    %dma_start3A_26 = arith.constant 0 : i32
    %dma_start3A_27 = tpu.memref_slice %arg3[%add3A, %dma_start3A_24, %dma_start3A_25, %dma_start3A_26] : memref<32x90x2x112xi32, #tpu.memory_space<hbm>> -> memref<1x90x2x112xi32, #tpu.memory_space<hbm>>
    %dma_start3A_28 = tpu.memref_squeeze %dma_start3A_27 : memref<1x90x2x112xi32, #tpu.memory_space<hbm>> -> memref<90x2x112xi32, #tpu.memory_space<hbm>>
    %dma_start3A_29 = arith.constant 0 : i32
    %dma_start3A_30 = arith.constant 0 : i32
    %dma_start3A_31 = tpu.memref_slice %dma_start3A_28[%dma_start3A_23, %dma_start3A_29, %dma_start3A_30] : memref<90x2x112xi32, #tpu.memory_space<hbm>> -> memref<1x2x112xi32, #tpu.memory_space<hbm>>
    %dma_start3A_32 = tpu.memref_squeeze %dma_start3A_31 : memref<1x2x112xi32, #tpu.memory_space<hbm>> -> memref<2x112xi32, #tpu.memory_space<hbm>>
    %dma_start3A_33 = arith.constant 0 : i32
    %dma_start3A_34 = arith.constant 0 : i32
    %dma_start3A_35 = arith.constant 0 : i32
    %dma_start3A_36 = tpu.memref_slice %arg3[%add3A, %dma_start3A_33, %dma_start3A_34, %dma_start3A_35] : memref<32x90x2x112xi32, #tpu.memory_space<hbm>> -> memref<1x90x2x112xi32, #tpu.memory_space<hbm>>
    %dma_start3A_37 = tpu.memref_squeeze %dma_start3A_36 : memref<1x90x2x112xi32, #tpu.memory_space<hbm>> -> memref<90x2x112xi32, #tpu.memory_space<hbm>>
    %dma_start3A_38 = arith.constant 0 : i32
    %dma_start3A_39 = arith.constant 0 : i32
    %dma_start3A_40 = tpu.memref_slice %dma_start3A_37[%dma_start3A_23, %dma_start3A_38, %dma_start3A_39] : memref<90x2x112xi32, #tpu.memory_space<hbm>> -> memref<1x2x112xi32, #tpu.memory_space<hbm>>
    %dma_start3A_41 = tpu.memref_squeeze %dma_start3A_40 : memref<1x2x112xi32, #tpu.memory_space<hbm>> -> memref<2x112xi32, #tpu.memory_space<hbm>>
    tpu.enqueue_dma source(%dma_start3A_41 : memref<2x112xi32, #tpu.memory_space<hbm>>) target(%arg6 : memref<2x112xi32, #tpu.memory_space<vmem>>) target_semaphore(%arg12 : memref<!tpu.dma_semaphore, #tpu.memory_space<semaphore_mem>>)
    %dma_start3A_42 = arith.constant 2 : i32
    %dma_start3A_43 = arith.constant 0 : i32
    %dma_start3A_44 = arith.constant 0 : i32
    %dma_start3A_45 = arith.constant 0 : i32
    %dma_start3A_46 = tpu.memref_slice %arg3[%add3A, %dma_start3A_43, %dma_start3A_44, %dma_start3A_45] : memref<32x90x2x112xi32, #tpu.memory_space<hbm>> -> memref<1x90x2x112xi32, #tpu.memory_space<hbm>>
    %dma_start3A_47 = tpu.memref_squeeze %dma_start3A_46 : memref<1x90x2x112xi32, #tpu.memory_space<hbm>> -> memref<90x2x112xi32, #tpu.memory_space<hbm>>
    %dma_start3A_48 = arith.constant 0 : i32
    %dma_start3A_49 = arith.constant 0 : i32
    %dma_start3A_50 = tpu.memref_slice %dma_start3A_47[%dma_start3A_42, %dma_start3A_48, %dma_start3A_49] : memref<90x2x112xi32, #tpu.memory_space<hbm>> -> memref<1x2x112xi32, #tpu.memory_space<hbm>>
    %dma_start3A_51 = tpu.memref_squeeze %dma_start3A_50 : memref<1x2x112xi32, #tpu.memory_space<hbm>> -> memref<2x112xi32, #tpu.memory_space<hbm>>
    %dma_start3A_52 = arith.constant 0 : i32
    %dma_start3A_53 = arith.constant 0 : i32
    %dma_start3A_54 = arith.constant 0 : i32
    %dma_start3A_55 = tpu.memref_slice %arg3[%add3A, %dma_start3A_52, %dma_start3A_53, %dma_start3A_54] : memref<32x90x2x112xi32, #tpu.memory_space<hbm>> -> memref<1x90x2x112xi32, #tpu.memory_space<hbm>>
    %dma_start3A_56 = tpu.memref_squeeze %dma_start3A_55 : memref<1x90x2x112xi32, #tpu.memory_space<hbm>> -> memref<90x2x112xi32, #tpu.memory_space<hbm>>
    %dma_start3A_57 = arith.constant 0 : i32
    %dma_start3A_58 = arith.constant 0 : i32
    %dma_start3A_59 = tpu.memref_slice %dma_start3A_56[%dma_start3A_42, %dma_start3A_57, %dma_start3A_58] : memref<90x2x112xi32, #tpu.memory_space<hbm>> -> memref<1x2x112xi32, #tpu.memory_space<hbm>>
    %dma_start3A_60 = tpu.memref_squeeze %dma_start3A_59 : memref<1x2x112xi32, #tpu.memory_space<hbm>> -> memref<2x112xi32, #tpu.memory_space<hbm>>
    tpu.enqueue_dma source(%dma_start3A_60 : memref<2x112xi32, #tpu.memory_space<hbm>>) target(%arg7 : memref<2x112xi32, #tpu.memory_space<vmem>>) target_semaphore(%arg13 : memref<!tpu.dma_semaphore, #tpu.memory_space<semaphore_mem>>)
    %dma_wait3A = arith.constant 0 : i32
    %dma_wait3A_61 = arith.constant 0 : i32
    %dma_wait3A_62 = arith.constant 0 : i32
    %dma_wait3A_63 = arith.constant 0 : i32
    %dma_wait3A_64 = tpu.memref_slice %arg3[%add3A, %dma_wait3A_61, %dma_wait3A_62, %dma_wait3A_63] : memref<32x90x2x112xi32, #tpu.memory_space<hbm>> -> memref<1x90x2x112xi32, #tpu.memory_space<hbm>>
    %dma_wait3A_65 = tpu.memref_squeeze %dma_wait3A_64 : memref<1x90x2x112xi32, #tpu.memory_space<hbm>> -> memref<90x2x112xi32, #tpu.memory_space<hbm>>
    %dma_wait3A_66 = arith.constant 0 : i32
    %dma_wait3A_67 = arith.constant 0 : i32
    %dma_wait3A_68 = tpu.memref_slice %dma_wait3A_65[%dma_wait3A, %dma_wait3A_66, %dma_wait3A_67] : memref<90x2x112xi32, #tpu.memory_space<hbm>> -> memref<1x2x112xi32, #tpu.memory_space<hbm>>
    %dma_wait3A_69 = tpu.memref_squeeze %dma_wait3A_68 : memref<1x2x112xi32, #tpu.memory_space<hbm>> -> memref<2x112xi32, #tpu.memory_space<hbm>>
    %dma_wait3A_70 = arith.constant 0 : i32
    %dma_wait3A_71 = arith.constant 0 : i32
    %dma_wait3A_72 = arith.constant 0 : i32
    %dma_wait3A_73 = tpu.memref_slice %arg3[%add3A, %dma_wait3A_70, %dma_wait3A_71, %dma_wait3A_72] : memref<32x90x2x112xi32, #tpu.memory_space<hbm>> -> memref<1x90x2x112xi32, #tpu.memory_space<hbm>>
    %dma_wait3A_74 = tpu.memref_squeeze %dma_wait3A_73 : memref<1x90x2x112xi32, #tpu.memory_space<hbm>> -> memref<90x2x112xi32, #tpu.memory_space<hbm>>
    %dma_wait3A_75 = arith.constant 0 : i32
    %dma_wait3A_76 = arith.constant 0 : i32
    %dma_wait3A_77 = tpu.memref_slice %dma_wait3A_74[%dma_wait3A, %dma_wait3A_75, %dma_wait3A_76] : memref<90x2x112xi32, #tpu.memory_space<hbm>> -> memref<1x2x112xi32, #tpu.memory_space<hbm>>
    %dma_wait3A_78 = tpu.memref_squeeze %dma_wait3A_77 : memref<1x2x112xi32, #tpu.memory_space<hbm>> -> memref<2x112xi32, #tpu.memory_space<hbm>>
    tpu.wait_dma2 semaphore(%arg11 : memref<!tpu.dma_semaphore, #tpu.memory_space<semaphore_mem>>) src(%dma_wait3A_78 : memref<2x112xi32, #tpu.memory_space<hbm>>) dst(%arg5 : memref<2x112xi32, #tpu.memory_space<vmem>>)
    %dma_start3A_79 = arith.constant 0 : i32
    %dma_start3A_80 = arith.constant 0 : i32
    %dma_start3A_81 = tpu.memref_slice %arg5[%dma_start3A_79, %dma_start3A_80] : memref<2x112xi32, #tpu.memory_space<vmem>> -> memref<1x112xi32, #tpu.memory_space<vmem>>
    %dma_start3A_82 = tpu.memref_squeeze %dma_start3A_81 : memref<1x112xi32, #tpu.memory_space<vmem>> -> memref<112xi32, #tpu.memory_space<vmem>>
    %dma_start3A_83 = arith.constant 0 : i32
    %dma_start3A_84 = arith.constant 0 : i32
    %dma_start3A_85 = tpu.memref_slice %arg2[%dma_start3A_83, %dma_start3A_84] : memref<10240x128xf32, #tpu.memory_space<hbm>> -> memref<10240x128xf32, #tpu.memory_space<hbm>>
    tpu.enqueue_indirect_dma source(%dma_start3A_85 : memref<10240x128xf32, #tpu.memory_space<hbm>>) target(%arg8 : memref<112x128xf32, #tpu.memory_space<vmem>>) offsets(%dma_start3A_82 : memref<112xi32, #tpu.memory_space<vmem>>) semaphore(%arg14 : memref<!tpu.dma_semaphore, #tpu.memory_space<semaphore_mem>>)
    %scan3A = arith.constant 0 : i32
    %scan3A_86 = arith.constant 0 : i32
    %scan3A_87 = arith.constant 30 : i32
    %scan3A_88 = arith.addi %scan3A_86, %scan3A_87 : i32
    %scan3A_89 = arith.constant 1 : i32
    scf.for %scan3A_141 = %scan3A_86 to %scan3A_88 step %scan3A_89  : i32 {
      %mul3A_142 = arith.constant 3 : i32
      %mul3A_143 = arith.muli %mul3A_142, %scan3A_141 : i32
      %add3A_144 = arith.constant 0 : i32
      %add3A_145 = arith.addi %mul3A_143, %add3A_144 : i32
      %dma_wait3A_146 = arith.constant 0 : i32
      %dma_wait3A_147 = arith.constant 0 : i32
      %dma_wait3A_148 = arith.constant 0 : i32
      %dma_wait3A_149 = tpu.memref_slice %arg3[%add3A, %dma_wait3A_146, %dma_wait3A_147, %dma_wait3A_148] : memref<32x90x2x112xi32, #tpu.memory_space<hbm>> -> memref<1x90x2x112xi32, #tpu.memory_space<hbm>>
      %dma_wait3A_150 = tpu.memref_squeeze %dma_wait3A_149 : memref<1x90x2x112xi32, #tpu.memory_space<hbm>> -> memref<90x2x112xi32, #tpu.memory_space<hbm>>
      %dma_wait3A_151 = arith.constant 0 : i32
      %dma_wait3A_152 = arith.constant 0 : i32
      %dma_wait3A_153 = tpu.memref_slice %dma_wait3A_150[%add3A_145, %dma_wait3A_151, %dma_wait3A_152] : memref<90x2x112xi32, #tpu.memory_space<hbm>> -> memref<1x2x112xi32, #tpu.memory_space<hbm>>
      %dma_wait3A_154 = tpu.memref_squeeze %dma_wait3A_153 : memref<1x2x112xi32, #tpu.memory_space<hbm>> -> memref<2x112xi32, #tpu.memory_space<hbm>>
      %dma_wait3A_155 = arith.constant 0 : i32
      %dma_wait3A_156 = arith.constant 0 : i32
      %dma_wait3A_157 = arith.constant 0 : i32
      %dma_wait3A_158 = tpu.memref_slice %arg3[%add3A, %dma_wait3A_155, %dma_wait3A_156, %dma_wait3A_157] : memref<32x90x2x112xi32, #tpu.memory_space<hbm>> -> memref<1x90x2x112xi32, #tpu.memory_space<hbm>>
      %dma_wait3A_159 = tpu.memref_squeeze %dma_wait3A_158 : memref<1x90x2x112xi32, #tpu.memory_space<hbm>> -> memref<90x2x112xi32, #tpu.memory_space<hbm>>
      %dma_wait3A_160 = arith.constant 0 : i32
      %dma_wait3A_161 = arith.constant 0 : i32
      %dma_wait3A_162 = tpu.memref_slice %dma_wait3A_159[%add3A_145, %dma_wait3A_160, %dma_wait3A_161] : memref<90x2x112xi32, #tpu.memory_space<hbm>> -> memref<1x2x112xi32, #tpu.memory_space<hbm>>
      %dma_wait3A_163 = tpu.memref_squeeze %dma_wait3A_162 : memref<1x2x112xi32, #tpu.memory_space<hbm>> -> memref<2x112xi32, #tpu.memory_space<hbm>>
      tpu.wait_dma2 semaphore(%arg12 : memref<!tpu.dma_semaphore, #tpu.memory_space<semaphore_mem>>) src(%dma_wait3A_163 : memref<2x112xi32, #tpu.memory_space<hbm>>) dst(%arg6 : memref<2x112xi32, #tpu.memory_space<vmem>>)
      %dma_start3A_164 = arith.constant 0 : i32
      %dma_start3A_165 = arith.constant 0 : i32
      %dma_start3A_166 = tpu.memref_slice %arg6[%dma_start3A_164, %dma_start3A_165] : memref<2x112xi32, #tpu.memory_space<vmem>> -> memref<1x112xi32, #tpu.memory_space<vmem>>
      %dma_start3A_167 = tpu.memref_squeeze %dma_start3A_166 : memref<1x112xi32, #tpu.memory_space<vmem>> -> memref<112xi32, #tpu.memory_space<vmem>>
      %dma_start3A_168 = arith.constant 0 : i32
      %dma_start3A_169 = arith.constant 0 : i32
      %dma_start3A_170 = tpu.memref_slice %arg2[%dma_start3A_168, %dma_start3A_169] : memref<10240x128xf32, #tpu.memory_space<hbm>> -> memref<10240x128xf32, #tpu.memory_space<hbm>>
      tpu.enqueue_indirect_dma source(%dma_start3A_170 : memref<10240x128xf32, #tpu.memory_space<hbm>>) target(%arg9 : memref<112x128xf32, #tpu.memory_space<vmem>>) offsets(%dma_start3A_167 : memref<112xi32, #tpu.memory_space<vmem>>) semaphore(%arg15 : memref<!tpu.dma_semaphore, #tpu.memory_space<semaphore_mem>>)
      %dma_wait3A_171 = arith.constant 0 : i32
      %dma_wait3A_172 = arith.constant 0 : i32
      %dma_wait3A_173 = tpu.memref_slice %arg5[%dma_wait3A_171, %dma_wait3A_172] : memref<2x112xi32, #tpu.memory_space<vmem>> -> memref<1x112xi32, #tpu.memory_space<vmem>>
      %dma_wait3A_174 = tpu.memref_squeeze %dma_wait3A_173 : memref<1x112xi32, #tpu.memory_space<vmem>> -> memref<112xi32, #tpu.memory_space<vmem>>
      %dma_wait3A_175 = arith.constant 0 : i32
      %dma_wait3A_176 = arith.constant 0 : i32
      %dma_wait3A_177 = tpu.memref_slice %arg2[%dma_wait3A_175, %dma_wait3A_176] : memref<10240x128xf32, #tpu.memory_space<hbm>> -> memref<10240x128xf32, #tpu.memory_space<hbm>>
      tpu.wait_indirect_dma semaphore(%arg14 : memref<!tpu.dma_semaphore, #tpu.memory_space<semaphore_mem>>) src(%dma_wait3A_177 : memref<10240x128xf32, #tpu.memory_space<hbm>>) dst(%arg8 : memref<112x128xf32, #tpu.memory_space<vmem>>)
      %run_scoped3A = arith.constant 1 : i32
      "tpu.region"() ({
        %run_scoped3A_313 = tpu.sem_alloc : memref<!tpu.dma_semaphore, #tpu.memory_space<semaphore_mem>>
        %dma_start3A_314 = arith.constant 0 : i32
        %dma_start3A_315 = tpu.memref_slice %arg5[%run_scoped3A, %dma_start3A_314] : memref<2x112xi32, #tpu.memory_space<vmem>> -> memref<1x112xi32, #tpu.memory_space<vmem>>
        %dma_start3A_316 = tpu.memref_squeeze %dma_start3A_315 : memref<1x112xi32, #tpu.memory_space<vmem>> -> memref<112xi32, #tpu.memory_space<vmem>>
        %dma_start3A_317 = arith.constant 0 : i32
        %dma_start3A_318 = arith.constant 0 : i32
        %dma_start3A_319 = tpu.memref_slice %arg17[%dma_start3A_317, %dma_start3A_318] : memref<10240x128xf32, #tpu.memory_space<vmem_shared>> -> memref<10240x128xf32, #tpu.memory_space<vmem_shared>>
        tpu.enqueue_indirect_dma source(%arg8 : memref<112x128xf32, #tpu.memory_space<vmem>>) target(%dma_start3A_319 : memref<10240x128xf32, #tpu.memory_space<vmem_shared>>) offsets(%dma_start3A_316 : memref<112xi32, #tpu.memory_space<vmem>>) semaphore(%run_scoped3A_313 : memref<!tpu.dma_semaphore, #tpu.memory_space<semaphore_mem>>) {add = true}
        %dma_wait3A_320 = arith.constant 0 : i32
        %dma_wait3A_321 = tpu.memref_slice %arg5[%run_scoped3A, %dma_wait3A_320] : memref<2x112xi32, #tpu.memory_space<vmem>> -> memref<1x112xi32, #tpu.memory_space<vmem>>
        %dma_wait3A_322 = tpu.memref_squeeze %dma_wait3A_321 : memref<1x112xi32, #tpu.memory_space<vmem>> -> memref<112xi32, #tpu.memory_space<vmem>>
        %dma_wait3A_323 = arith.constant 0 : i32
        %dma_wait3A_324 = arith.constant 0 : i32
        %dma_wait3A_325 = tpu.memref_slice %arg17[%dma_wait3A_323, %dma_wait3A_324] : memref<10240x128xf32, #tpu.memory_space<vmem_shared>> -> memref<10240x128xf32, #tpu.memory_space<vmem_shared>>
        tpu.wait_indirect_dma semaphore(%run_scoped3A_313 : memref<!tpu.dma_semaphore, #tpu.memory_space<semaphore_mem>>) src(%arg8 : memref<112x128xf32, #tpu.memory_space<vmem>>) dst(%dma_wait3A_325 : memref<10240x128xf32, #tpu.memory_space<vmem_shared>>)
        tpu.yield
      }) : () -> ()
      %add3A_178 = arith.constant 3 : i32
      %add3A_179 = arith.addi %add3A_145, %add3A_178 : i32
      %min3A = arith.constant 89 : i32
      %min3A_180 = arith.minsi %add3A_179, %min3A : i32
      %dma_start3A_181 = arith.constant 0 : i32
      %dma_start3A_182 = arith.constant 0 : i32
      %dma_start3A_183 = arith.constant 0 : i32
      %dma_start3A_184 = tpu.memref_slice %arg3[%add3A, %dma_start3A_181, %dma_start3A_182, %dma_start3A_183] : memref<32x90x2x112xi32, #tpu.memory_space<hbm>> -> memref<1x90x2x112xi32, #tpu.memory_space<hbm>>
      %dma_start3A_185 = tpu.memref_squeeze %dma_start3A_184 : memref<1x90x2x112xi32, #tpu.memory_space<hbm>> -> memref<90x2x112xi32, #tpu.memory_space<hbm>>
      %dma_start3A_186 = arith.constant 0 : i32
      %dma_start3A_187 = arith.constant 0 : i32
      %dma_start3A_188 = tpu.memref_slice %dma_start3A_185[%min3A_180, %dma_start3A_186, %dma_start3A_187] : memref<90x2x112xi32, #tpu.memory_space<hbm>> -> memref<1x2x112xi32, #tpu.memory_space<hbm>>
      %dma_start3A_189 = tpu.memref_squeeze %dma_start3A_188 : memref<1x2x112xi32, #tpu.memory_space<hbm>> -> memref<2x112xi32, #tpu.memory_space<hbm>>
      %dma_start3A_190 = arith.constant 0 : i32
      %dma_start3A_191 = arith.constant 0 : i32
      %dma_start3A_192 = arith.constant 0 : i32
      %dma_start3A_193 = tpu.memref_slice %arg3[%add3A, %dma_start3A_190, %dma_start3A_191, %dma_start3A_192] : memref<32x90x2x112xi32, #tpu.memory_space<hbm>> -> memref<1x90x2x112xi32, #tpu.memory_space<hbm>>
      %dma_start3A_194 = tpu.memref_squeeze %dma_start3A_193 : memref<1x90x2x112xi32, #tpu.memory_space<hbm>> -> memref<90x2x112xi32, #tpu.memory_space<hbm>>
      %dma_start3A_195 = arith.constant 0 : i32
      %dma_start3A_196 = arith.constant 0 : i32
      %dma_start3A_197 = tpu.memref_slice %dma_start3A_194[%min3A_180, %dma_start3A_195, %dma_start3A_196] : memref<90x2x112xi32, #tpu.memory_space<hbm>> -> memref<1x2x112xi32, #tpu.memory_space<hbm>>
      %dma_start3A_198 = tpu.memref_squeeze %dma_start3A_197 : memref<1x2x112xi32, #tpu.memory_space<hbm>> -> memref<2x112xi32, #tpu.memory_space<hbm>>
      tpu.enqueue_dma source(%dma_start3A_198 : memref<2x112xi32, #tpu.memory_space<hbm>>) target(%arg5 : memref<2x112xi32, #tpu.memory_space<vmem>>) target_semaphore(%arg11 : memref<!tpu.dma_semaphore, #tpu.memory_space<semaphore_mem>>)
      %add3A_199 = arith.constant 1 : i32
      %add3A_200 = arith.addi %mul3A_143, %add3A_199 : i32
      %dma_wait3A_201 = arith.constant 0 : i32
      %dma_wait3A_202 = arith.constant 0 : i32
      %dma_wait3A_203 = arith.constant 0 : i32
      %dma_wait3A_204 = tpu.memref_slice %arg3[%add3A, %dma_wait3A_201, %dma_wait3A_202, %dma_wait3A_203] : memref<32x90x2x112xi32, #tpu.memory_space<hbm>> -> memref<1x90x2x112xi32, #tpu.memory_space<hbm>>
      %dma_wait3A_205 = tpu.memref_squeeze %dma_wait3A_204 : memref<1x90x2x112xi32, #tpu.memory_space<hbm>> -> memref<90x2x112xi32, #tpu.memory_space<hbm>>
      %dma_wait3A_206 = arith.constant 0 : i32
      %dma_wait3A_207 = arith.constant 0 : i32
      %dma_wait3A_208 = tpu.memref_slice %dma_wait3A_205[%add3A_200, %dma_wait3A_206, %dma_wait3A_207] : memref<90x2x112xi32, #tpu.memory_space<hbm>> -> memref<1x2x112xi32, #tpu.memory_space<hbm>>
      %dma_wait3A_209 = tpu.memref_squeeze %dma_wait3A_208 : memref<1x2x112xi32, #tpu.memory_space<hbm>> -> memref<2x112xi32, #tpu.memory_space<hbm>>
      %dma_wait3A_210 = arith.constant 0 : i32
      %dma_wait3A_211 = arith.constant 0 : i32
      %dma_wait3A_212 = arith.constant 0 : i32
      %dma_wait3A_213 = tpu.memref_slice %arg3[%add3A, %dma_wait3A_210, %dma_wait3A_211, %dma_wait3A_212] : memref<32x90x2x112xi32, #tpu.memory_space<hbm>> -> memref<1x90x2x112xi32, #tpu.memory_space<hbm>>
      %dma_wait3A_214 = tpu.memref_squeeze %dma_wait3A_213 : memref<1x90x2x112xi32, #tpu.memory_space<hbm>> -> memref<90x2x112xi32, #tpu.memory_space<hbm>>
      %dma_wait3A_215 = arith.constant 0 : i32
      %dma_wait3A_216 = arith.constant 0 : i32
      %dma_wait3A_217 = tpu.memref_slice %dma_wait3A_214[%add3A_200, %dma_wait3A_215, %dma_wait3A_216] : memref<90x2x112xi32, #tpu.memory_space<hbm>> -> memref<1x2x112xi32, #tpu.memory_space<hbm>>
      %dma_wait3A_218 = tpu.memref_squeeze %dma_wait3A_217 : memref<1x2x112xi32, #tpu.memory_space<hbm>> -> memref<2x112xi32, #tpu.memory_space<hbm>>
      tpu.wait_dma2 semaphore(%arg13 : memref<!tpu.dma_semaphore, #tpu.memory_space<semaphore_mem>>) src(%dma_wait3A_218 : memref<2x112xi32, #tpu.memory_space<hbm>>) dst(%arg7 : memref<2x112xi32, #tpu.memory_space<vmem>>)
      %dma_start3A_219 = arith.constant 0 : i32
      %dma_start3A_220 = arith.constant 0 : i32
      %dma_start3A_221 = tpu.memref_slice %arg7[%dma_start3A_219, %dma_start3A_220] : memref<2x112xi32, #tpu.memory_space<vmem>> -> memref<1x112xi32, #tpu.memory_space<vmem>>
      %dma_start3A_222 = tpu.memref_squeeze %dma_start3A_221 : memref<1x112xi32, #tpu.memory_space<vmem>> -> memref<112xi32, #tpu.memory_space<vmem>>
      %dma_start3A_223 = arith.constant 0 : i32
      %dma_start3A_224 = arith.constant 0 : i32
      %dma_start3A_225 = tpu.memref_slice %arg2[%dma_start3A_223, %dma_start3A_224] : memref<10240x128xf32, #tpu.memory_space<hbm>> -> memref<10240x128xf32, #tpu.memory_space<hbm>>
      tpu.enqueue_indirect_dma source(%dma_start3A_225 : memref<10240x128xf32, #tpu.memory_space<hbm>>) target(%arg10 : memref<112x128xf32, #tpu.memory_space<vmem>>) offsets(%dma_start3A_222 : memref<112xi32, #tpu.memory_space<vmem>>) semaphore(%arg16 : memref<!tpu.dma_semaphore, #tpu.memory_space<semaphore_mem>>)
      %dma_wait3A_226 = arith.constant 0 : i32
      %dma_wait3A_227 = arith.constant 0 : i32
      %dma_wait3A_228 = tpu.memref_slice %arg6[%dma_wait3A_226, %dma_wait3A_227] : memref<2x112xi32, #tpu.memory_space<vmem>> -> memref<1x112xi32, #tpu.memory_space<vmem>>
      %dma_wait3A_229 = tpu.memref_squeeze %dma_wait3A_228 : memref<1x112xi32, #tpu.memory_space<vmem>> -> memref<112xi32, #tpu.memory_space<vmem>>
      %dma_wait3A_230 = arith.constant 0 : i32
      %dma_wait3A_231 = arith.constant 0 : i32
      %dma_wait3A_232 = tpu.memref_slice %arg2[%dma_wait3A_230, %dma_wait3A_231] : memref<10240x128xf32, #tpu.memory_space<hbm>> -> memref<10240x128xf32, #tpu.memory_space<hbm>>
      tpu.wait_indirect_dma semaphore(%arg15 : memref<!tpu.dma_semaphore, #tpu.memory_space<semaphore_mem>>) src(%dma_wait3A_232 : memref<10240x128xf32, #tpu.memory_space<hbm>>) dst(%arg9 : memref<112x128xf32, #tpu.memory_space<vmem>>)
      %run_scoped3A_233 = arith.constant 1 : i32
      "tpu.region"() ({
        %run_scoped3A_313 = tpu.sem_alloc : memref<!tpu.dma_semaphore, #tpu.memory_space<semaphore_mem>>
        %dma_start3A_314 = arith.constant 0 : i32
        %dma_start3A_315 = tpu.memref_slice %arg6[%run_scoped3A_233, %dma_start3A_314] : memref<2x112xi32, #tpu.memory_space<vmem>> -> memref<1x112xi32, #tpu.memory_space<vmem>>
        %dma_start3A_316 = tpu.memref_squeeze %dma_start3A_315 : memref<1x112xi32, #tpu.memory_space<vmem>> -> memref<112xi32, #tpu.memory_space<vmem>>
        %dma_start3A_317 = arith.constant 0 : i32
        %dma_start3A_318 = arith.constant 0 : i32
        %dma_start3A_319 = tpu.memref_slice %arg17[%dma_start3A_317, %dma_start3A_318] : memref<10240x128xf32, #tpu.memory_space<vmem_shared>> -> memref<10240x128xf32, #tpu.memory_space<vmem_shared>>
        tpu.enqueue_indirect_dma source(%arg9 : memref<112x128xf32, #tpu.memory_space<vmem>>) target(%dma_start3A_319 : memref<10240x128xf32, #tpu.memory_space<vmem_shared>>) offsets(%dma_start3A_316 : memref<112xi32, #tpu.memory_space<vmem>>) semaphore(%run_scoped3A_313 : memref<!tpu.dma_semaphore, #tpu.memory_space<semaphore_mem>>) {add = true}
        %dma_wait3A_320 = arith.constant 0 : i32
        %dma_wait3A_321 = tpu.memref_slice %arg6[%run_scoped3A_233, %dma_wait3A_320] : memref<2x112xi32, #tpu.memory_space<vmem>> -> memref<1x112xi32, #tpu.memory_space<vmem>>
        %dma_wait3A_322 = tpu.memref_squeeze %dma_wait3A_321 : memref<1x112xi32, #tpu.memory_space<vmem>> -> memref<112xi32, #tpu.memory_space<vmem>>
        %dma_wait3A_323 = arith.constant 0 : i32
        %dma_wait3A_324 = arith.constant 0 : i32
        %dma_wait3A_325 = tpu.memref_slice %arg17[%dma_wait3A_323, %dma_wait3A_324] : memref<10240x128xf32, #tpu.memory_space<vmem_shared>> -> memref<10240x128xf32, #tpu.memory_space<vmem_shared>>
        tpu.wait_indirect_dma semaphore(%run_scoped3A_313 : memref<!tpu.dma_semaphore, #tpu.memory_space<semaphore_mem>>) src(%arg9 : memref<112x128xf32, #tpu.memory_space<vmem>>) dst(%dma_wait3A_325 : memref<10240x128xf32, #tpu.memory_space<vmem_shared>>)
        tpu.yield
      }) : () -> ()
      %add3A_234 = arith.constant 3 : i32
      %add3A_235 = arith.addi %add3A_200, %add3A_234 : i32
      %min3A_236 = arith.constant 89 : i32
      %min3A_237 = arith.minsi %add3A_235, %min3A_236 : i32
      %dma_start3A_238 = arith.constant 0 : i32
      %dma_start3A_239 = arith.constant 0 : i32
      %dma_start3A_240 = arith.constant 0 : i32
      %dma_start3A_241 = tpu.memref_slice %arg3[%add3A, %dma_start3A_238, %dma_start3A_239, %dma_start3A_240] : memref<32x90x2x112xi32, #tpu.memory_space<hbm>> -> memref<1x90x2x112xi32, #tpu.memory_space<hbm>>
      %dma_start3A_242 = tpu.memref_squeeze %dma_start3A_241 : memref<1x90x2x112xi32, #tpu.memory_space<hbm>> -> memref<90x2x112xi32, #tpu.memory_space<hbm>>
      %dma_start3A_243 = arith.constant 0 : i32
      %dma_start3A_244 = arith.constant 0 : i32
      %dma_start3A_245 = tpu.memref_slice %dma_start3A_242[%min3A_237, %dma_start3A_243, %dma_start3A_244] : memref<90x2x112xi32, #tpu.memory_space<hbm>> -> memref<1x2x112xi32, #tpu.memory_space<hbm>>
      %dma_start3A_246 = tpu.memref_squeeze %dma_start3A_245 : memref<1x2x112xi32, #tpu.memory_space<hbm>> -> memref<2x112xi32, #tpu.memory_space<hbm>>
      %dma_start3A_247 = arith.constant 0 : i32
      %dma_start3A_248 = arith.constant 0 : i32
      %dma_start3A_249 = arith.constant 0 : i32
      %dma_start3A_250 = tpu.memref_slice %arg3[%add3A, %dma_start3A_247, %dma_start3A_248, %dma_start3A_249] : memref<32x90x2x112xi32, #tpu.memory_space<hbm>> -> memref<1x90x2x112xi32, #tpu.memory_space<hbm>>
      %dma_start3A_251 = tpu.memref_squeeze %dma_start3A_250 : memref<1x90x2x112xi32, #tpu.memory_space<hbm>> -> memref<90x2x112xi32, #tpu.memory_space<hbm>>
      %dma_start3A_252 = arith.constant 0 : i32
      %dma_start3A_253 = arith.constant 0 : i32
      %dma_start3A_254 = tpu.memref_slice %dma_start3A_251[%min3A_237, %dma_start3A_252, %dma_start3A_253] : memref<90x2x112xi32, #tpu.memory_space<hbm>> -> memref<1x2x112xi32, #tpu.memory_space<hbm>>
      %dma_start3A_255 = tpu.memref_squeeze %dma_start3A_254 : memref<1x2x112xi32, #tpu.memory_space<hbm>> -> memref<2x112xi32, #tpu.memory_space<hbm>>
      tpu.enqueue_dma source(%dma_start3A_255 : memref<2x112xi32, #tpu.memory_space<hbm>>) target(%arg6 : memref<2x112xi32, #tpu.memory_space<vmem>>) target_semaphore(%arg12 : memref<!tpu.dma_semaphore, #tpu.memory_space<semaphore_mem>>)
      %add3A_256 = arith.constant 2 : i32
      %add3A_257 = arith.addi %mul3A_143, %add3A_256 : i32
      %dma_wait3A_258 = arith.constant 0 : i32
      %dma_wait3A_259 = arith.constant 0 : i32
      %dma_wait3A_260 = arith.constant 0 : i32
      %dma_wait3A_261 = tpu.memref_slice %arg3[%add3A, %dma_wait3A_258, %dma_wait3A_259, %dma_wait3A_260] : memref<32x90x2x112xi32, #tpu.memory_space<hbm>> -> memref<1x90x2x112xi32, #tpu.memory_space<hbm>>
      %dma_wait3A_262 = tpu.memref_squeeze %dma_wait3A_261 : memref<1x90x2x112xi32, #tpu.memory_space<hbm>> -> memref<90x2x112xi32, #tpu.memory_space<hbm>>
      %dma_wait3A_263 = arith.constant 0 : i32
      %dma_wait3A_264 = arith.constant 0 : i32
      %dma_wait3A_265 = tpu.memref_slice %dma_wait3A_262[%add3A_257, %dma_wait3A_263, %dma_wait3A_264] : memref<90x2x112xi32, #tpu.memory_space<hbm>> -> memref<1x2x112xi32, #tpu.memory_space<hbm>>
      %dma_wait3A_266 = tpu.memref_squeeze %dma_wait3A_265 : memref<1x2x112xi32, #tpu.memory_space<hbm>> -> memref<2x112xi32, #tpu.memory_space<hbm>>
      %dma_wait3A_267 = arith.constant 0 : i32
      %dma_wait3A_268 = arith.constant 0 : i32
      %dma_wait3A_269 = arith.constant 0 : i32
      %dma_wait3A_270 = tpu.memref_slice %arg3[%add3A, %dma_wait3A_267, %dma_wait3A_268, %dma_wait3A_269] : memref<32x90x2x112xi32, #tpu.memory_space<hbm>> -> memref<1x90x2x112xi32, #tpu.memory_space<hbm>>
      %dma_wait3A_271 = tpu.memref_squeeze %dma_wait3A_270 : memref<1x90x2x112xi32, #tpu.memory_space<hbm>> -> memref<90x2x112xi32, #tpu.memory_space<hbm>>
      %dma_wait3A_272 = arith.constant 0 : i32
      %dma_wait3A_273 = arith.constant 0 : i32
      %dma_wait3A_274 = tpu.memref_slice %dma_wait3A_271[%add3A_257, %dma_wait3A_272, %dma_wait3A_273] : memref<90x2x112xi32, #tpu.memory_space<hbm>> -> memref<1x2x112xi32, #tpu.memory_space<hbm>>
      %dma_wait3A_275 = tpu.memref_squeeze %dma_wait3A_274 : memref<1x2x112xi32, #tpu.memory_space<hbm>> -> memref<2x112xi32, #tpu.memory_space<hbm>>
      tpu.wait_dma2 semaphore(%arg11 : memref<!tpu.dma_semaphore, #tpu.memory_space<semaphore_mem>>) src(%dma_wait3A_275 : memref<2x112xi32, #tpu.memory_space<hbm>>) dst(%arg5 : memref<2x112xi32, #tpu.memory_space<vmem>>)
      %dma_start3A_276 = arith.constant 0 : i32
      %dma_start3A_277 = arith.constant 0 : i32
      %dma_start3A_278 = tpu.memref_slice %arg5[%dma_start3A_276, %dma_start3A_277] : memref<2x112xi32, #tpu.memory_space<vmem>> -> memref<1x112xi32, #tpu.memory_space<vmem>>
      %dma_start3A_279 = tpu.memref_squeeze %dma_start3A_278 : memref<1x112xi32, #tpu.memory_space<vmem>> -> memref<112xi32, #tpu.memory_space<vmem>>
      %dma_start3A_280 = arith.constant 0 : i32
      %dma_start3A_281 = arith.constant 0 : i32
      %dma_start3A_282 = tpu.memref_slice %arg2[%dma_start3A_280, %dma_start3A_281] : memref<10240x128xf32, #tpu.memory_space<hbm>> -> memref<10240x128xf32, #tpu.memory_space<hbm>>
      tpu.enqueue_indirect_dma source(%dma_start3A_282 : memref<10240x128xf32, #tpu.memory_space<hbm>>) target(%arg8 : memref<112x128xf32, #tpu.memory_space<vmem>>) offsets(%dma_start3A_279 : memref<112xi32, #tpu.memory_space<vmem>>) semaphore(%arg14 : memref<!tpu.dma_semaphore, #tpu.memory_space<semaphore_mem>>)
      %dma_wait3A_283 = arith.constant 0 : i32
      %dma_wait3A_284 = arith.constant 0 : i32
      %dma_wait3A_285 = tpu.memref_slice %arg7[%dma_wait3A_283, %dma_wait3A_284] : memref<2x112xi32, #tpu.memory_space<vmem>> -> memref<1x112xi32, #tpu.memory_space<vmem>>
      %dma_wait3A_286 = tpu.memref_squeeze %dma_wait3A_285 : memref<1x112xi32, #tpu.memory_space<vmem>> -> memref<112xi32, #tpu.memory_space<vmem>>
      %dma_wait3A_287 = arith.constant 0 : i32
      %dma_wait3A_288 = arith.constant 0 : i32
      %dma_wait3A_289 = tpu.memref_slice %arg2[%dma_wait3A_287, %dma_wait3A_288] : memref<10240x128xf32, #tpu.memory_space<hbm>> -> memref<10240x128xf32, #tpu.memory_space<hbm>>
      tpu.wait_indirect_dma semaphore(%arg16 : memref<!tpu.dma_semaphore, #tpu.memory_space<semaphore_mem>>) src(%dma_wait3A_289 : memref<10240x128xf32, #tpu.memory_space<hbm>>) dst(%arg10 : memref<112x128xf32, #tpu.memory_space<vmem>>)
      %run_scoped3A_290 = arith.constant 1 : i32
      "tpu.region"() ({
        %run_scoped3A_313 = tpu.sem_alloc : memref<!tpu.dma_semaphore, #tpu.memory_space<semaphore_mem>>
        %dma_start3A_314 = arith.constant 0 : i32
        %dma_start3A_315 = tpu.memref_slice %arg7[%run_scoped3A_290, %dma_start3A_314] : memref<2x112xi32, #tpu.memory_space<vmem>> -> memref<1x112xi32, #tpu.memory_space<vmem>>
        %dma_start3A_316 = tpu.memref_squeeze %dma_start3A_315 : memref<1x112xi32, #tpu.memory_space<vmem>> -> memref<112xi32, #tpu.memory_space<vmem>>
        %dma_start3A_317 = arith.constant 0 : i32
        %dma_start3A_318 = arith.constant 0 : i32
        %dma_start3A_319 = tpu.memref_slice %arg17[%dma_start3A_317, %dma_start3A_318] : memref<10240x128xf32, #tpu.memory_space<vmem_shared>> -> memref<10240x128xf32, #tpu.memory_space<vmem_shared>>
        tpu.enqueue_indirect_dma source(%arg10 : memref<112x128xf32, #tpu.memory_space<vmem>>) target(%dma_start3A_319 : memref<10240x128xf32, #tpu.memory_space<vmem_shared>>) offsets(%dma_start3A_316 : memref<112xi32, #tpu.memory_space<vmem>>) semaphore(%run_scoped3A_313 : memref<!tpu.dma_semaphore, #tpu.memory_space<semaphore_mem>>) {add = true}
        %dma_wait3A_320 = arith.constant 0 : i32
        %dma_wait3A_321 = tpu.memref_slice %arg7[%run_scoped3A_290, %dma_wait3A_320] : memref<2x112xi32, #tpu.memory_space<vmem>> -> memref<1x112xi32, #tpu.memory_space<vmem>>
        %dma_wait3A_322 = tpu.memref_squeeze %dma_wait3A_321 : memref<1x112xi32, #tpu.memory_space<vmem>> -> memref<112xi32, #tpu.memory_space<vmem>>
        %dma_wait3A_323 = arith.constant 0 : i32
        %dma_wait3A_324 = arith.constant 0 : i32
        %dma_wait3A_325 = tpu.memref_slice %arg17[%dma_wait3A_323, %dma_wait3A_324] : memref<10240x128xf32, #tpu.memory_space<vmem_shared>> -> memref<10240x128xf32, #tpu.memory_space<vmem_shared>>
        tpu.wait_indirect_dma semaphore(%run_scoped3A_313 : memref<!tpu.dma_semaphore, #tpu.memory_space<semaphore_mem>>) src(%arg10 : memref<112x128xf32, #tpu.memory_space<vmem>>) dst(%dma_wait3A_325 : memref<10240x128xf32, #tpu.memory_space<vmem_shared>>)
        tpu.yield
      }) : () -> ()
      %add3A_291 = arith.constant 3 : i32
      %add3A_292 = arith.addi %add3A_257, %add3A_291 : i32
      %min3A_293 = arith.constant 89 : i32
      %min3A_294 = arith.minsi %add3A_292, %min3A_293 : i32
      %dma_start3A_295 = arith.constant 0 : i32
      %dma_start3A_296 = arith.constant 0 : i32
      %dma_start3A_297 = arith.constant 0 : i32
      %dma_start3A_298 = tpu.memref_slice %arg3[%add3A, %dma_start3A_295, %dma_start3A_296, %dma_start3A_297] : memref<32x90x2x112xi32, #tpu.memory_space<hbm>> -> memref<1x90x2x112xi32, #tpu.memory_space<hbm>>
      %dma_start3A_299 = tpu.memref_squeeze %dma_start3A_298 : memref<1x90x2x112xi32, #tpu.memory_space<hbm>> -> memref<90x2x112xi32, #tpu.memory_space<hbm>>
      %dma_start3A_300 = arith.constant 0 : i32
      %dma_start3A_301 = arith.constant 0 : i32
      %dma_start3A_302 = tpu.memref_slice %dma_start3A_299[%min3A_294, %dma_start3A_300, %dma_start3A_301] : memref<90x2x112xi32, #tpu.memory_space<hbm>> -> memref<1x2x112xi32, #tpu.memory_space<hbm>>
      %dma_start3A_303 = tpu.memref_squeeze %dma_start3A_302 : memref<1x2x112xi32, #tpu.memory_space<hbm>> -> memref<2x112xi32, #tpu.memory_space<hbm>>
      %dma_start3A_304 = arith.constant 0 : i32
      %dma_start3A_305 = arith.constant 0 : i32
      %dma_start3A_306 = arith.constant 0 : i32
      %dma_start3A_307 = tpu.memref_slice %arg3[%add3A, %dma_start3A_304, %dma_start3A_305, %dma_start3A_306] : memref<32x90x2x112xi32, #tpu.memory_space<hbm>> -> memref<1x90x2x112xi32, #tpu.memory_space<hbm>>
      %dma_start3A_308 = tpu.memref_squeeze %dma_start3A_307 : memref<1x90x2x112xi32, #tpu.memory_space<hbm>> -> memref<90x2x112xi32, #tpu.memory_space<hbm>>
      %dma_start3A_309 = arith.constant 0 : i32
      %dma_start3A_310 = arith.constant 0 : i32
      %dma_start3A_311 = tpu.memref_slice %dma_start3A_308[%min3A_294, %dma_start3A_309, %dma_start3A_310] : memref<90x2x112xi32, #tpu.memory_space<hbm>> -> memref<1x2x112xi32, #tpu.memory_space<hbm>>
      %dma_start3A_312 = tpu.memref_squeeze %dma_start3A_311 : memref<1x2x112xi32, #tpu.memory_space<hbm>> -> memref<2x112xi32, #tpu.memory_space<hbm>>
      tpu.enqueue_dma source(%dma_start3A_312 : memref<2x112xi32, #tpu.memory_space<hbm>>) target(%arg7 : memref<2x112xi32, #tpu.memory_space<vmem>>) target_semaphore(%arg13 : memref<!tpu.dma_semaphore, #tpu.memory_space<semaphore_mem>>)
    }
    %scan3A_90 = arith.constant 30 : i32
    %dma_wait3A_91 = arith.constant 0 : i32
    %dma_wait3A_92 = arith.constant 0 : i32
    %dma_wait3A_93 = arith.constant 0 : i32
    %dma_wait3A_94 = arith.constant 0 : i32
    %dma_wait3A_95 = tpu.memref_slice %arg3[%add3A, %dma_wait3A_92, %dma_wait3A_93, %dma_wait3A_94] : memref<32x90x2x112xi32, #tpu.memory_space<hbm>> -> memref<1x90x2x112xi32, #tpu.memory_space<hbm>>
    %dma_wait3A_96 = tpu.memref_squeeze %dma_wait3A_95 : memref<1x90x2x112xi32, #tpu.memory_space<hbm>> -> memref<90x2x112xi32, #tpu.memory_space<hbm>>
    %dma_wait3A_97 = arith.constant 0 : i32
    %dma_wait3A_98 = arith.constant 0 : i32
    %dma_wait3A_99 = tpu.memref_slice %dma_wait3A_96[%dma_wait3A_91, %dma_wait3A_97, %dma_wait3A_98] : memref<90x2x112xi32, #tpu.memory_space<hbm>> -> memref<1x2x112xi32, #tpu.memory_space<hbm>>
    %dma_wait3A_100 = tpu.memref_squeeze %dma_wait3A_99 : memref<1x2x112xi32, #tpu.memory_space<hbm>> -> memref<2x112xi32, #tpu.memory_space<hbm>>
    %dma_wait3A_101 = arith.constant 0 : i32
    %dma_wait3A_102 = arith.constant 0 : i32
    %dma_wait3A_103 = arith.constant 0 : i32
    %dma_wait3A_104 = tpu.memref_slice %arg3[%add3A, %dma_wait3A_101, %dma_wait3A_102, %dma_wait3A_103] : memref<32x90x2x112xi32, #tpu.memory_space<hbm>> -> memref<1x90x2x112xi32, #tpu.memory_space<hbm>>
    %dma_wait3A_105 = tpu.memref_squeeze %dma_wait3A_104 : memref<1x90x2x112xi32, #tpu.memory_space<hbm>> -> memref<90x2x112xi32, #tpu.memory_space<hbm>>
    %dma_wait3A_106 = arith.constant 0 : i32
    %dma_wait3A_107 = arith.constant 0 : i32
    %dma_wait3A_108 = tpu.memref_slice %dma_wait3A_105[%dma_wait3A_91, %dma_wait3A_106, %dma_wait3A_107] : memref<90x2x112xi32, #tpu.memory_space<hbm>> -> memref<1x2x112xi32, #tpu.memory_space<hbm>>
    %dma_wait3A_109 = tpu.memref_squeeze %dma_wait3A_108 : memref<1x2x112xi32, #tpu.memory_space<hbm>> -> memref<2x112xi32, #tpu.memory_space<hbm>>
    tpu.wait_dma2 semaphore(%arg12 : memref<!tpu.dma_semaphore, #tpu.memory_space<semaphore_mem>>) src(%dma_wait3A_109 : memref<2x112xi32, #tpu.memory_space<hbm>>) dst(%arg6 : memref<2x112xi32, #tpu.memory_space<vmem>>)
    %dma_wait3A_110 = arith.constant 0 : i32
    %dma_wait3A_111 = arith.constant 0 : i32
    %dma_wait3A_112 = arith.constant 0 : i32
    %dma_wait3A_113 = arith.constant 0 : i32
    %dma_wait3A_114 = tpu.memref_slice %arg3[%add3A, %dma_wait3A_111, %dma_wait3A_112, %dma_wait3A_113] : memref<32x90x2x112xi32, #tpu.memory_space<hbm>> -> memref<1x90x2x112xi32, #tpu.memory_space<hbm>>
    %dma_wait3A_115 = tpu.memref_squeeze %dma_wait3A_114 : memref<1x90x2x112xi32, #tpu.memory_space<hbm>> -> memref<90x2x112xi32, #tpu.memory_space<hbm>>
    %dma_wait3A_116 = arith.constant 0 : i32
    %dma_wait3A_117 = arith.constant 0 : i32
    %dma_wait3A_118 = tpu.memref_slice %dma_wait3A_115[%dma_wait3A_110, %dma_wait3A_116, %dma_wait3A_117] : memref<90x2x112xi32, #tpu.memory_space<hbm>> -> memref<1x2x112xi32, #tpu.memory_space<hbm>>
    %dma_wait3A_119 = tpu.memref_squeeze %dma_wait3A_118 : memref<1x2x112xi32, #tpu.memory_space<hbm>> -> memref<2x112xi32, #tpu.memory_space<hbm>>
    %dma_wait3A_120 = arith.constant 0 : i32
    %dma_wait3A_121 = arith.constant 0 : i32
    %dma_wait3A_122 = arith.constant 0 : i32
    %dma_wait3A_123 = tpu.memref_slice %arg3[%add3A, %dma_wait3A_120, %dma_wait3A_121, %dma_wait3A_122] : memref<32x90x2x112xi32, #tpu.memory_space<hbm>> -> memref<1x90x2x112xi32, #tpu.memory_space<hbm>>
    %dma_wait3A_124 = tpu.memref_squeeze %dma_wait3A_123 : memref<1x90x2x112xi32, #tpu.memory_space<hbm>> -> memref<90x2x112xi32, #tpu.memory_space<hbm>>
    %dma_wait3A_125 = arith.constant 0 : i32
    %dma_wait3A_126 = arith.constant 0 : i32
    %dma_wait3A_127 = tpu.memref_slice %dma_wait3A_124[%dma_wait3A_110, %dma_wait3A_125, %dma_wait3A_126] : memref<90x2x112xi32, #tpu.memory_space<hbm>> -> memref<1x2x112xi32, #tpu.memory_space<hbm>>
    %dma_wait3A_128 = tpu.memref_squeeze %dma_wait3A_127 : memref<1x2x112xi32, #tpu.memory_space<hbm>> -> memref<2x112xi32, #tpu.memory_space<hbm>>
    tpu.wait_dma2 semaphore(%arg13 : memref<!tpu.dma_semaphore, #tpu.memory_space<semaphore_mem>>) src(%dma_wait3A_128 : memref<2x112xi32, #tpu.memory_space<hbm>>) dst(%arg7 : memref<2x112xi32, #tpu.memory_space<vmem>>)
    %dma_wait3A_129 = arith.constant 0 : i32
    %dma_wait3A_130 = arith.constant 0 : i32
    %dma_wait3A_131 = tpu.memref_slice %arg5[%dma_wait3A_129, %dma_wait3A_130] : memref<2x112xi32, #tpu.memory_space<vmem>> -> memref<1x112xi32, #tpu.memory_space<vmem>>
    %dma_wait3A_132 = tpu.memref_squeeze %dma_wait3A_131 : memref<1x112xi32, #tpu.memory_space<vmem>> -> memref<112xi32, #tpu.memory_space<vmem>>
    %dma_wait3A_133 = arith.constant 0 : i32
    %dma_wait3A_134 = arith.constant 0 : i32
    %dma_wait3A_135 = tpu.memref_slice %arg2[%dma_wait3A_133, %dma_wait3A_134] : memref<10240x128xf32, #tpu.memory_space<hbm>> -> memref<10240x128xf32, #tpu.memory_space<hbm>>
    tpu.wait_indirect_dma semaphore(%arg14 : memref<!tpu.dma_semaphore, #tpu.memory_space<semaphore_mem>>) src(%dma_wait3A_135 : memref<10240x128xf32, #tpu.memory_space<hbm>>) dst(%arg8 : memref<112x128xf32, #tpu.memory_space<vmem>>)
    %barrier3A_136 = arith.constant 0 : index
    tpu.barrier barrier_id(%barrier3A_136)
    %mul3A_137 = arith.constant 640 : i32
    %mul3A_138 = arith.muli %arg1, %mul3A_137 : i32
    %mul3A_139 = arith.constant 640 : i32
    %mul3A_140 = arith.muli %arg1, %mul3A_139 : i32
    "tpu.region"() ({
      %run_scoped3A = tpu.sem_alloc : memref<!tpu.dma_semaphore, #tpu.memory_space<semaphore_mem>>
      %dma_start3A_141 = arith.constant 0 : i32
      %dma_start3A_142 = arith.constant 0 : i32
      %dma_start3A_143 = tpu.memref_slice %arg4[%arg0, %dma_start3A_141, %dma_start3A_142] : memref<2x10240x128xf32, #tpu.memory_space<hbm>> -> memref<1x10240x128xf32, #tpu.memory_space<hbm>>
      %dma_start3A_144 = tpu.memref_squeeze %dma_start3A_143 : memref<1x10240x128xf32, #tpu.memory_space<hbm>> -> memref<10240x128xf32, #tpu.memory_space<hbm>>
      %dma_start3A_145 = arith.constant 0 : i32
      %dma_start3A_146 = tpu.memref_slice %dma_start3A_144[%mul3A_140, %dma_start3A_145] : memref<10240x128xf32, #tpu.memory_space<hbm>> -> memref<640x128xf32, #tpu.memory_space<hbm>>
      %dma_start3A_147 = arith.constant 0 : i32
      %dma_start3A_148 = tpu.memref_slice %arg17[%mul3A_138, %dma_start3A_147] : memref<10240x128xf32, #tpu.memory_space<vmem_shared>> -> memref<640x128xf32, #tpu.memory_space<vmem_shared>>
      tpu.enqueue_dma source(%dma_start3A_148 : memref<640x128xf32, #tpu.memory_space<vmem_shared>>) target(%dma_start3A_146 : memref<640x128xf32, #tpu.memory_space<hbm>>) target_semaphore(%run_scoped3A : memref<!tpu.dma_semaphore, #tpu.memory_space<semaphore_mem>>)
      %dma_wait3A_149 = arith.constant 0 : i32
      %dma_wait3A_150 = arith.constant 0 : i32
      %dma_wait3A_151 = tpu.memref_slice %arg4[%arg0, %dma_wait3A_149, %dma_wait3A_150] : memref<2x10240x128xf32, #tpu.memory_space<hbm>> -> memref<1x10240x128xf32, #tpu.memory_space<hbm>>
      %dma_wait3A_152 = tpu.memref_squeeze %dma_wait3A_151 : memref<1x10240x128xf32, #tpu.memory_space<hbm>> -> memref<10240x128xf32, #tpu.memory_space<hbm>>
      %dma_wait3A_153 = arith.constant 0 : i32
      %dma_wait3A_154 = tpu.memref_slice %dma_wait3A_152[%mul3A_140, %dma_wait3A_153] : memref<10240x128xf32, #tpu.memory_space<hbm>> -> memref<640x128xf32, #tpu.memory_space<hbm>>
      %dma_wait3A_155 = arith.constant 0 : i32
      %dma_wait3A_156 = tpu.memref_slice %arg17[%mul3A_138, %dma_wait3A_155] : memref<10240x128xf32, #tpu.memory_space<vmem_shared>> -> memref<640x128xf32, #tpu.memory_space<vmem_shared>>
      tpu.wait_dma2 semaphore(%run_scoped3A : memref<!tpu.dma_semaphore, #tpu.memory_space<semaphore_mem>>) src(%dma_wait3A_156 : memref<640x128xf32, #tpu.memory_space<vmem_shared>>) dst(%dma_wait3A_154 : memref<640x128xf32, #tpu.memory_space<hbm>>)
      tpu.yield
    }) : () -> ()
    return
  }
}

#map = affine_map<(d0, d1) -> (0, 0)>
#map1 = affine_map<(d0, d1) -> (0, 0, 0, 0)>
#map2 = affine_map<(d0, d1) -> (0, 0, 0)>
module attributes {stable_mosaic.version = 14 : i64} {
  func.func @msg_kernel(%arg0: i32, %arg1: i32, %arg2: memref<10240x128xf32, #tpu.memory_space<hbm>>, %arg3: memref<32x90x2x112xi32, #tpu.memory_space<hbm>>, %arg4: memref<2x10240x128xf32, #tpu.memory_space<hbm>>, %arg5: memref<2x112xi32, #tpu.memory_space<vmem>>, %arg6: memref<2x112xi32, #tpu.memory_space<vmem>>, %arg7: memref<2x112xi32, #tpu.memory_space<vmem>>, %arg8: memref<112x128xf32, #tpu.memory_space<vmem>>, %arg9: memref<112x128xf32, #tpu.memory_space<vmem>>, %arg10: memref<112x128xf32, #tpu.memory_space<vmem>>, %arg11: memref<!tpu.dma_semaphore, #tpu.memory_space<semaphore_mem>>, %arg12: memref<!tpu.dma_semaphore, #tpu.memory_space<semaphore_mem>>, %arg13: memref<!tpu.dma_semaphore, #tpu.memory_space<semaphore_mem>>, %arg14: memref<!tpu.dma_semaphore, #tpu.memory_space<semaphore_mem>>, %arg15: memref<!tpu.dma_semaphore, #tpu.memory_space<semaphore_mem>>, %arg16: memref<!tpu.dma_semaphore, #tpu.memory_space<semaphore_mem>>, %arg17: memref<10240x128xf32, #tpu.memory_space<vmem_shared>>) attributes {dimension_semantics = [#tpu.dimension_semantics<core_parallel>, #tpu.dimension_semantics<subcore_parallel>], iteration_bounds = array<i64: 2, 16>, scalar_prefetch = 0 : i64, scratch_operands = 13 : i64, tpu.core_type = #tpu.core_type<sc_vector_subcore>, window_params = [{transform_indices = #map}, {transform_indices = #map1}, {transform_indices = #map2}]} {
    %mul3A = arith.constant 2 : i32
    %mul3A_0 = arith.muli %arg1, %mul3A : i32
    %add3A = arith.addi %mul3A_0, %arg0 : i32
    %mul3A_1 = arith.constant 640 : i32
    %mul3A_2 = arith.muli %arg1, %mul3A_1 : i32
    %mul3A_3 = arith.constant 640 : i32
    %mul3A_4 = arith.muli %arg1, %mul3A_3 : i32
    "tpu.region"() ({
      %run_scoped3A = tpu.sem_alloc : memref<!tpu.dma_semaphore, #tpu.memory_space<semaphore_mem>>
      %dma_start3A_141 = arith.constant 0 : i32
      %dma_start3A_142 = tpu.memref_slice %arg17[%mul3A_4, %dma_start3A_141] : memref<10240x128xf32, #tpu.memory_space<vmem_shared>> -> memref<640x128xf32, #tpu.memory_space<vmem_shared>>
      %dma_start3A_143 = arith.constant 0 : i32
      %dma_start3A_144 = tpu.memref_slice %arg2[%mul3A_2, %dma_start3A_143] : memref<10240x128xf32, #tpu.memory_space<hbm>> -> memref<640x128xf32, #tpu.memory_space<hbm>>
      tpu.enqueue_dma source(%dma_start3A_144 : memref<640x128xf32, #tpu.memory_space<hbm>>) target(%dma_start3A_142 : memref<640x128xf32, #tpu.memory_space<vmem_shared>>) target_semaphore(%run_scoped3A : memref<!tpu.dma_semaphore, #tpu.memory_space<semaphore_mem>>)
      %dma_wait3A_145 = arith.constant 0 : i32
      %dma_wait3A_146 = tpu.memref_slice %arg17[%mul3A_4, %dma_wait3A_145] : memref<10240x128xf32, #tpu.memory_space<vmem_shared>> -> memref<640x128xf32, #tpu.memory_space<vmem_shared>>
      %dma_wait3A_147 = arith.constant 0 : i32
      %dma_wait3A_148 = tpu.memref_slice %arg2[%mul3A_2, %dma_wait3A_147] : memref<10240x128xf32, #tpu.memory_space<hbm>> -> memref<640x128xf32, #tpu.memory_space<hbm>>
      tpu.wait_dma2 semaphore(%run_scoped3A : memref<!tpu.dma_semaphore, #tpu.memory_space<semaphore_mem>>) src(%dma_wait3A_148 : memref<640x128xf32, #tpu.memory_space<hbm>>) dst(%dma_wait3A_146 : memref<640x128xf32, #tpu.memory_space<vmem_shared>>)
      tpu.yield
    }) : () -> ()
    %barrier3A = arith.constant 0 : index
    tpu.barrier barrier_id(%barrier3A)
    %dma_start3A = arith.constant 0 : i32
    %dma_start3A_5 = arith.constant 0 : i32
    %dma_start3A_6 = arith.constant 0 : i32
    %dma_start3A_7 = arith.constant 0 : i32
    %dma_start3A_8 = tpu.memref_slice %arg3[%add3A, %dma_start3A_5, %dma_start3A_6, %dma_start3A_7] : memref<32x90x2x112xi32, #tpu.memory_space<hbm>> -> memref<1x90x2x112xi32, #tpu.memory_space<hbm>>
    %dma_start3A_9 = tpu.memref_squeeze %dma_start3A_8 : memref<1x90x2x112xi32, #tpu.memory_space<hbm>> -> memref<90x2x112xi32, #tpu.memory_space<hbm>>
    %dma_start3A_10 = arith.constant 0 : i32
    %dma_start3A_11 = arith.constant 0 : i32
    %dma_start3A_12 = tpu.memref_slice %dma_start3A_9[%dma_start3A, %dma_start3A_10, %dma_start3A_11] : memref<90x2x112xi32, #tpu.memory_space<hbm>> -> memref<1x2x112xi32, #tpu.memory_space<hbm>>
    %dma_start3A_13 = tpu.memref_squeeze %dma_start3A_12 : memref<1x2x112xi32, #tpu.memory_space<hbm>> -> memref<2x112xi32, #tpu.memory_space<hbm>>
    %dma_start3A_14 = arith.constant 0 : i32
    %dma_start3A_15 = arith.constant 0 : i32
    %dma_start3A_16 = arith.constant 0 : i32
    %dma_start3A_17 = tpu.memref_slice %arg3[%add3A, %dma_start3A_14, %dma_start3A_15, %dma_start3A_16] : memref<32x90x2x112xi32, #tpu.memory_space<hbm>> -> memref<1x90x2x112xi32, #tpu.memory_space<hbm>>
    %dma_start3A_18 = tpu.memref_squeeze %dma_start3A_17 : memref<1x90x2x112xi32, #tpu.memory_space<hbm>> -> memref<90x2x112xi32, #tpu.memory_space<hbm>>
    %dma_start3A_19 = arith.constant 0 : i32
    %dma_start3A_20 = arith.constant 0 : i32
    %dma_start3A_21 = tpu.memref_slice %dma_start3A_18[%dma_start3A, %dma_start3A_19, %dma_start3A_20] : memref<90x2x112xi32, #tpu.memory_space<hbm>> -> memref<1x2x112xi32, #tpu.memory_space<hbm>>
    %dma_start3A_22 = tpu.memref_squeeze %dma_start3A_21 : memref<1x2x112xi32, #tpu.memory_space<hbm>> -> memref<2x112xi32, #tpu.memory_space<hbm>>
    tpu.enqueue_dma source(%dma_start3A_22 : memref<2x112xi32, #tpu.memory_space<hbm>>) target(%arg5 : memref<2x112xi32, #tpu.memory_space<vmem>>) target_semaphore(%arg11 : memref<!tpu.dma_semaphore, #tpu.memory_space<semaphore_mem>>)
    %dma_start3A_23 = arith.constant 1 : i32
    %dma_start3A_24 = arith.constant 0 : i32
    %dma_start3A_25 = arith.constant 0 : i32
    %dma_start3A_26 = arith.constant 0 : i32
    %dma_start3A_27 = tpu.memref_slice %arg3[%add3A, %dma_start3A_24, %dma_start3A_25, %dma_start3A_26] : memref<32x90x2x112xi32, #tpu.memory_space<hbm>> -> memref<1x90x2x112xi32, #tpu.memory_space<hbm>>
    %dma_start3A_28 = tpu.memref_squeeze %dma_start3A_27 : memref<1x90x2x112xi32, #tpu.memory_space<hbm>> -> memref<90x2x112xi32, #tpu.memory_space<hbm>>
    %dma_start3A_29 = arith.constant 0 : i32
    %dma_start3A_30 = arith.constant 0 : i32
    %dma_start3A_31 = tpu.memref_slice %dma_start3A_28[%dma_start3A_23, %dma_start3A_29, %dma_start3A_30] : memref<90x2x112xi32, #tpu.memory_space<hbm>> -> memref<1x2x112xi32, #tpu.memory_space<hbm>>
    %dma_start3A_32 = tpu.memref_squeeze %dma_start3A_31 : memref<1x2x112xi32, #tpu.memory_space<hbm>> -> memref<2x112xi32, #tpu.memory_space<hbm>>
    %dma_start3A_33 = arith.constant 0 : i32
    %dma_start3A_34 = arith.constant 0 : i32
    %dma_start3A_35 = arith.constant 0 : i32
    %dma_start3A_36 = tpu.memref_slice %arg3[%add3A, %dma_start3A_33, %dma_start3A_34, %dma_start3A_35] : memref<32x90x2x112xi32, #tpu.memory_space<hbm>> -> memref<1x90x2x112xi32, #tpu.memory_space<hbm>>
    %dma_start3A_37 = tpu.memref_squeeze %dma_start3A_36 : memref<1x90x2x112xi32, #tpu.memory_space<hbm>> -> memref<90x2x112xi32, #tpu.memory_space<hbm>>
    %dma_start3A_38 = arith.constant 0 : i32
    %dma_start3A_39 = arith.constant 0 : i32
    %dma_start3A_40 = tpu.memref_slice %dma_start3A_37[%dma_start3A_23, %dma_start3A_38, %dma_start3A_39] : memref<90x2x112xi32, #tpu.memory_space<hbm>> -> memref<1x2x112xi32, #tpu.memory_space<hbm>>
    %dma_start3A_41 = tpu.memref_squeeze %dma_start3A_40 : memref<1x2x112xi32, #tpu.memory_space<hbm>> -> memref<2x112xi32, #tpu.memory_space<hbm>>
    tpu.enqueue_dma source(%dma_start3A_41 : memref<2x112xi32, #tpu.memory_space<hbm>>) target(%arg6 : memref<2x112xi32, #tpu.memory_space<vmem>>) target_semaphore(%arg12 : memref<!tpu.dma_semaphore, #tpu.memory_space<semaphore_mem>>)
    %dma_start3A_42 = arith.constant 2 : i32
    %dma_start3A_43 = arith.constant 0 : i32
    %dma_start3A_44 = arith.constant 0 : i32
    %dma_start3A_45 = arith.constant 0 : i32
    %dma_start3A_46 = tpu.memref_slice %arg3[%add3A, %dma_start3A_43, %dma_start3A_44, %dma_start3A_45] : memref<32x90x2x112xi32, #tpu.memory_space<hbm>> -> memref<1x90x2x112xi32, #tpu.memory_space<hbm>>
    %dma_start3A_47 = tpu.memref_squeeze %dma_start3A_46 : memref<1x90x2x112xi32, #tpu.memory_space<hbm>> -> memref<90x2x112xi32, #tpu.memory_space<hbm>>
    %dma_start3A_48 = arith.constant 0 : i32
    %dma_start3A_49 = arith.constant 0 : i32
    %dma_start3A_50 = tpu.memref_slice %dma_start3A_47[%dma_start3A_42, %dma_start3A_48, %dma_start3A_49] : memref<90x2x112xi32, #tpu.memory_space<hbm>> -> memref<1x2x112xi32, #tpu.memory_space<hbm>>
    %dma_start3A_51 = tpu.memref_squeeze %dma_start3A_50 : memref<1x2x112xi32, #tpu.memory_space<hbm>> -> memref<2x112xi32, #tpu.memory_space<hbm>>
    %dma_start3A_52 = arith.constant 0 : i32
    %dma_start3A_53 = arith.constant 0 : i32
    %dma_start3A_54 = arith.constant 0 : i32
    %dma_start3A_55 = tpu.memref_slice %arg3[%add3A, %dma_start3A_52, %dma_start3A_53, %dma_start3A_54] : memref<32x90x2x112xi32, #tpu.memory_space<hbm>> -> memref<1x90x2x112xi32, #tpu.memory_space<hbm>>
    %dma_start3A_56 = tpu.memref_squeeze %dma_start3A_55 : memref<1x90x2x112xi32, #tpu.memory_space<hbm>> -> memref<90x2x112xi32, #tpu.memory_space<hbm>>
    %dma_start3A_57 = arith.constant 0 : i32
    %dma_start3A_58 = arith.constant 0 : i32
    %dma_start3A_59 = tpu.memref_slice %dma_start3A_56[%dma_start3A_42, %dma_start3A_57, %dma_start3A_58] : memref<90x2x112xi32, #tpu.memory_space<hbm>> -> memref<1x2x112xi32, #tpu.memory_space<hbm>>
    %dma_start3A_60 = tpu.memref_squeeze %dma_start3A_59 : memref<1x2x112xi32, #tpu.memory_space<hbm>> -> memref<2x112xi32, #tpu.memory_space<hbm>>
    tpu.enqueue_dma source(%dma_start3A_60 : memref<2x112xi32, #tpu.memory_space<hbm>>) target(%arg7 : memref<2x112xi32, #tpu.memory_space<vmem>>) target_semaphore(%arg13 : memref<!tpu.dma_semaphore, #tpu.memory_space<semaphore_mem>>)
    %dma_wait3A = arith.constant 0 : i32
    %dma_wait3A_61 = arith.constant 0 : i32
    %dma_wait3A_62 = arith.constant 0 : i32
    %dma_wait3A_63 = arith.constant 0 : i32
    %dma_wait3A_64 = tpu.memref_slice %arg3[%add3A, %dma_wait3A_61, %dma_wait3A_62, %dma_wait3A_63] : memref<32x90x2x112xi32, #tpu.memory_space<hbm>> -> memref<1x90x2x112xi32, #tpu.memory_space<hbm>>
    %dma_wait3A_65 = tpu.memref_squeeze %dma_wait3A_64 : memref<1x90x2x112xi32, #tpu.memory_space<hbm>> -> memref<90x2x112xi32, #tpu.memory_space<hbm>>
    %dma_wait3A_66 = arith.constant 0 : i32
    %dma_wait3A_67 = arith.constant 0 : i32
    %dma_wait3A_68 = tpu.memref_slice %dma_wait3A_65[%dma_wait3A, %dma_wait3A_66, %dma_wait3A_67] : memref<90x2x112xi32, #tpu.memory_space<hbm>> -> memref<1x2x112xi32, #tpu.memory_space<hbm>>
    %dma_wait3A_69 = tpu.memref_squeeze %dma_wait3A_68 : memref<1x2x112xi32, #tpu.memory_space<hbm>> -> memref<2x112xi32, #tpu.memory_space<hbm>>
    %dma_wait3A_70 = arith.constant 0 : i32
    %dma_wait3A_71 = arith.constant 0 : i32
    %dma_wait3A_72 = arith.constant 0 : i32
    %dma_wait3A_73 = tpu.memref_slice %arg3[%add3A, %dma_wait3A_70, %dma_wait3A_71, %dma_wait3A_72] : memref<32x90x2x112xi32, #tpu.memory_space<hbm>> -> memref<1x90x2x112xi32, #tpu.memory_space<hbm>>
    %dma_wait3A_74 = tpu.memref_squeeze %dma_wait3A_73 : memref<1x90x2x112xi32, #tpu.memory_space<hbm>> -> memref<90x2x112xi32, #tpu.memory_space<hbm>>
    %dma_wait3A_75 = arith.constant 0 : i32
    %dma_wait3A_76 = arith.constant 0 : i32
    %dma_wait3A_77 = tpu.memref_slice %dma_wait3A_74[%dma_wait3A, %dma_wait3A_75, %dma_wait3A_76] : memref<90x2x112xi32, #tpu.memory_space<hbm>> -> memref<1x2x112xi32, #tpu.memory_space<hbm>>
    %dma_wait3A_78 = tpu.memref_squeeze %dma_wait3A_77 : memref<1x2x112xi32, #tpu.memory_space<hbm>> -> memref<2x112xi32, #tpu.memory_space<hbm>>
    tpu.wait_dma2 semaphore(%arg11 : memref<!tpu.dma_semaphore, #tpu.memory_space<semaphore_mem>>) src(%dma_wait3A_78 : memref<2x112xi32, #tpu.memory_space<hbm>>) dst(%arg5 : memref<2x112xi32, #tpu.memory_space<vmem>>)
    %dma_start3A_79 = arith.constant 0 : i32
    %dma_start3A_80 = arith.constant 0 : i32
    %dma_start3A_81 = tpu.memref_slice %arg5[%dma_start3A_79, %dma_start3A_80] : memref<2x112xi32, #tpu.memory_space<vmem>> -> memref<1x112xi32, #tpu.memory_space<vmem>>
    %dma_start3A_82 = tpu.memref_squeeze %dma_start3A_81 : memref<1x112xi32, #tpu.memory_space<vmem>> -> memref<112xi32, #tpu.memory_space<vmem>>
    %dma_start3A_83 = arith.constant 0 : i32
    %dma_start3A_84 = arith.constant 0 : i32
    %dma_start3A_85 = tpu.memref_slice %arg2[%dma_start3A_83, %dma_start3A_84] : memref<10240x128xf32, #tpu.memory_space<hbm>> -> memref<10240x128xf32, #tpu.memory_space<hbm>>
    tpu.enqueue_indirect_dma source(%dma_start3A_85 : memref<10240x128xf32, #tpu.memory_space<hbm>>) target(%arg8 : memref<112x128xf32, #tpu.memory_space<vmem>>) offsets(%dma_start3A_82 : memref<112xi32, #tpu.memory_space<vmem>>) semaphore(%arg14 : memref<!tpu.dma_semaphore, #tpu.memory_space<semaphore_mem>>)
    %scan3A = arith.constant 0 : i32
    %scan3A_86 = arith.constant 0 : i32
    %scan3A_87 = arith.constant 30 : i32
    %scan3A_88 = arith.addi %scan3A_86, %scan3A_87 : i32
    %scan3A_89 = arith.constant 1 : i32
    scf.for %scan3A_141 = %scan3A_86 to %scan3A_88 step %scan3A_89  : i32 {
      %mul3A_142 = arith.constant 3 : i32
      %mul3A_143 = arith.muli %mul3A_142, %scan3A_141 : i32
      %add3A_144 = arith.constant 0 : i32
      %add3A_145 = arith.addi %mul3A_143, %add3A_144 : i32
      %dma_wait3A_146 = arith.constant 0 : i32
      %dma_wait3A_147 = arith.constant 0 : i32
      %dma_wait3A_148 = arith.constant 0 : i32
      %dma_wait3A_149 = tpu.memref_slice %arg3[%add3A, %dma_wait3A_146, %dma_wait3A_147, %dma_wait3A_148] : memref<32x90x2x112xi32, #tpu.memory_space<hbm>> -> memref<1x90x2x112xi32, #tpu.memory_space<hbm>>
      %dma_wait3A_150 = tpu.memref_squeeze %dma_wait3A_149 : memref<1x90x2x112xi32, #tpu.memory_space<hbm>> -> memref<90x2x112xi32, #tpu.memory_space<hbm>>
      %dma_wait3A_151 = arith.constant 0 : i32
      %dma_wait3A_152 = arith.constant 0 : i32
      %dma_wait3A_153 = tpu.memref_slice %dma_wait3A_150[%add3A_145, %dma_wait3A_151, %dma_wait3A_152] : memref<90x2x112xi32, #tpu.memory_space<hbm>> -> memref<1x2x112xi32, #tpu.memory_space<hbm>>
      %dma_wait3A_154 = tpu.memref_squeeze %dma_wait3A_153 : memref<1x2x112xi32, #tpu.memory_space<hbm>> -> memref<2x112xi32, #tpu.memory_space<hbm>>
      %dma_wait3A_155 = arith.constant 0 : i32
      %dma_wait3A_156 = arith.constant 0 : i32
      %dma_wait3A_157 = arith.constant 0 : i32
      %dma_wait3A_158 = tpu.memref_slice %arg3[%add3A, %dma_wait3A_155, %dma_wait3A_156, %dma_wait3A_157] : memref<32x90x2x112xi32, #tpu.memory_space<hbm>> -> memref<1x90x2x112xi32, #tpu.memory_space<hbm>>
      %dma_wait3A_159 = tpu.memref_squeeze %dma_wait3A_158 : memref<1x90x2x112xi32, #tpu.memory_space<hbm>> -> memref<90x2x112xi32, #tpu.memory_space<hbm>>
      %dma_wait3A_160 = arith.constant 0 : i32
      %dma_wait3A_161 = arith.constant 0 : i32
      %dma_wait3A_162 = tpu.memref_slice %dma_wait3A_159[%add3A_145, %dma_wait3A_160, %dma_wait3A_161] : memref<90x2x112xi32, #tpu.memory_space<hbm>> -> memref<1x2x112xi32, #tpu.memory_space<hbm>>
      %dma_wait3A_163 = tpu.memref_squeeze %dma_wait3A_162 : memref<1x2x112xi32, #tpu.memory_space<hbm>> -> memref<2x112xi32, #tpu.memory_space<hbm>>
      tpu.wait_dma2 semaphore(%arg12 : memref<!tpu.dma_semaphore, #tpu.memory_space<semaphore_mem>>) src(%dma_wait3A_163 : memref<2x112xi32, #tpu.memory_space<hbm>>) dst(%arg6 : memref<2x112xi32, #tpu.memory_space<vmem>>)
      %dma_start3A_164 = arith.constant 0 : i32
      %dma_start3A_165 = arith.constant 0 : i32
      %dma_start3A_166 = tpu.memref_slice %arg6[%dma_start3A_164, %dma_start3A_165] : memref<2x112xi32, #tpu.memory_space<vmem>> -> memref<1x112xi32, #tpu.memory_space<vmem>>
      %dma_start3A_167 = tpu.memref_squeeze %dma_start3A_166 : memref<1x112xi32, #tpu.memory_space<vmem>> -> memref<112xi32, #tpu.memory_space<vmem>>
      %dma_start3A_168 = arith.constant 0 : i32
      %dma_start3A_169 = arith.constant 0 : i32
      %dma_start3A_170 = tpu.memref_slice %arg2[%dma_start3A_168, %dma_start3A_169] : memref<10240x128xf32, #tpu.memory_space<hbm>> -> memref<10240x128xf32, #tpu.memory_space<hbm>>
      tpu.enqueue_indirect_dma source(%dma_start3A_170 : memref<10240x128xf32, #tpu.memory_space<hbm>>) target(%arg9 : memref<112x128xf32, #tpu.memory_space<vmem>>) offsets(%dma_start3A_167 : memref<112xi32, #tpu.memory_space<vmem>>) semaphore(%arg15 : memref<!tpu.dma_semaphore, #tpu.memory_space<semaphore_mem>>)
      %dma_wait3A_171 = arith.constant 0 : i32
      %dma_wait3A_172 = arith.constant 0 : i32
      %dma_wait3A_173 = tpu.memref_slice %arg5[%dma_wait3A_171, %dma_wait3A_172] : memref<2x112xi32, #tpu.memory_space<vmem>> -> memref<1x112xi32, #tpu.memory_space<vmem>>
      %dma_wait3A_174 = tpu.memref_squeeze %dma_wait3A_173 : memref<1x112xi32, #tpu.memory_space<vmem>> -> memref<112xi32, #tpu.memory_space<vmem>>
      %dma_wait3A_175 = arith.constant 0 : i32
      %dma_wait3A_176 = arith.constant 0 : i32
      %dma_wait3A_177 = tpu.memref_slice %arg2[%dma_wait3A_175, %dma_wait3A_176] : memref<10240x128xf32, #tpu.memory_space<hbm>> -> memref<10240x128xf32, #tpu.memory_space<hbm>>
      tpu.wait_indirect_dma semaphore(%arg14 : memref<!tpu.dma_semaphore, #tpu.memory_space<semaphore_mem>>) src(%dma_wait3A_177 : memref<10240x128xf32, #tpu.memory_space<hbm>>) dst(%arg8 : memref<112x128xf32, #tpu.memory_space<vmem>>)
      %run_scoped3A = arith.constant 1 : i32
      "tpu.region"() ({
        %run_scoped3A_313 = tpu.sem_alloc : memref<!tpu.dma_semaphore, #tpu.memory_space<semaphore_mem>>
        %dma_start3A_314 = arith.constant 0 : i32
        %dma_start3A_315 = tpu.memref_slice %arg5[%run_scoped3A, %dma_start3A_314] : memref<2x112xi32, #tpu.memory_space<vmem>> -> memref<1x112xi32, #tpu.memory_space<vmem>>
        %dma_start3A_316 = tpu.memref_squeeze %dma_start3A_315 : memref<1x112xi32, #tpu.memory_space<vmem>> -> memref<112xi32, #tpu.memory_space<vmem>>
        %dma_start3A_317 = arith.constant 0 : i32
        %dma_start3A_318 = arith.constant 0 : i32
        %dma_start3A_319 = tpu.memref_slice %arg17[%dma_start3A_317, %dma_start3A_318] : memref<10240x128xf32, #tpu.memory_space<vmem_shared>> -> memref<10240x128xf32, #tpu.memory_space<vmem_shared>>
        tpu.enqueue_indirect_dma source(%arg8 : memref<112x128xf32, #tpu.memory_space<vmem>>) target(%dma_start3A_319 : memref<10240x128xf32, #tpu.memory_space<vmem_shared>>) offsets(%dma_start3A_316 : memref<112xi32, #tpu.memory_space<vmem>>) semaphore(%run_scoped3A_313 : memref<!tpu.dma_semaphore, #tpu.memory_space<semaphore_mem>>) {add = true}
        %dma_wait3A_320 = arith.constant 0 : i32
        %dma_wait3A_321 = tpu.memref_slice %arg5[%run_scoped3A, %dma_wait3A_320] : memref<2x112xi32, #tpu.memory_space<vmem>> -> memref<1x112xi32, #tpu.memory_space<vmem>>
        %dma_wait3A_322 = tpu.memref_squeeze %dma_wait3A_321 : memref<1x112xi32, #tpu.memory_space<vmem>> -> memref<112xi32, #tpu.memory_space<vmem>>
        %dma_wait3A_323 = arith.constant 0 : i32
        %dma_wait3A_324 = arith.constant 0 : i32
        %dma_wait3A_325 = tpu.memref_slice %arg17[%dma_wait3A_323, %dma_wait3A_324] : memref<10240x128xf32, #tpu.memory_space<vmem_shared>> -> memref<10240x128xf32, #tpu.memory_space<vmem_shared>>
        tpu.wait_indirect_dma semaphore(%run_scoped3A_313 : memref<!tpu.dma_semaphore, #tpu.memory_space<semaphore_mem>>) src(%arg8 : memref<112x128xf32, #tpu.memory_space<vmem>>) dst(%dma_wait3A_325 : memref<10240x128xf32, #tpu.memory_space<vmem_shared>>)
        tpu.yield
      }) : () -> ()
      %add3A_178 = arith.constant 3 : i32
      %add3A_179 = arith.addi %add3A_145, %add3A_178 : i32
      %min3A = arith.constant 89 : i32
      %min3A_180 = arith.minsi %add3A_179, %min3A : i32
      %dma_start3A_181 = arith.constant 0 : i32
      %dma_start3A_182 = arith.constant 0 : i32
      %dma_start3A_183 = arith.constant 0 : i32
      %dma_start3A_184 = tpu.memref_slice %arg3[%add3A, %dma_start3A_181, %dma_start3A_182, %dma_start3A_183] : memref<32x90x2x112xi32, #tpu.memory_space<hbm>> -> memref<1x90x2x112xi32, #tpu.memory_space<hbm>>
      %dma_start3A_185 = tpu.memref_squeeze %dma_start3A_184 : memref<1x90x2x112xi32, #tpu.memory_space<hbm>> -> memref<90x2x112xi32, #tpu.memory_space<hbm>>
      %dma_start3A_186 = arith.constant 0 : i32
      %dma_start3A_187 = arith.constant 0 : i32
      %dma_start3A_188 = tpu.memref_slice %dma_start3A_185[%min3A_180, %dma_start3A_186, %dma_start3A_187] : memref<90x2x112xi32, #tpu.memory_space<hbm>> -> memref<1x2x112xi32, #tpu.memory_space<hbm>>
      %dma_start3A_189 = tpu.memref_squeeze %dma_start3A_188 : memref<1x2x112xi32, #tpu.memory_space<hbm>> -> memref<2x112xi32, #tpu.memory_space<hbm>>
      %dma_start3A_190 = arith.constant 0 : i32
      %dma_start3A_191 = arith.constant 0 : i32
      %dma_start3A_192 = arith.constant 0 : i32
      %dma_start3A_193 = tpu.memref_slice %arg3[%add3A, %dma_start3A_190, %dma_start3A_191, %dma_start3A_192] : memref<32x90x2x112xi32, #tpu.memory_space<hbm>> -> memref<1x90x2x112xi32, #tpu.memory_space<hbm>>
      %dma_start3A_194 = tpu.memref_squeeze %dma_start3A_193 : memref<1x90x2x112xi32, #tpu.memory_space<hbm>> -> memref<90x2x112xi32, #tpu.memory_space<hbm>>
      %dma_start3A_195 = arith.constant 0 : i32
      %dma_start3A_196 = arith.constant 0 : i32
      %dma_start3A_197 = tpu.memref_slice %dma_start3A_194[%min3A_180, %dma_start3A_195, %dma_start3A_196] : memref<90x2x112xi32, #tpu.memory_space<hbm>> -> memref<1x2x112xi32, #tpu.memory_space<hbm>>
      %dma_start3A_198 = tpu.memref_squeeze %dma_start3A_197 : memref<1x2x112xi32, #tpu.memory_space<hbm>> -> memref<2x112xi32, #tpu.memory_space<hbm>>
      tpu.enqueue_dma source(%dma_start3A_198 : memref<2x112xi32, #tpu.memory_space<hbm>>) target(%arg5 : memref<2x112xi32, #tpu.memory_space<vmem>>) target_semaphore(%arg11 : memref<!tpu.dma_semaphore, #tpu.memory_space<semaphore_mem>>)
      %add3A_199 = arith.constant 1 : i32
      %add3A_200 = arith.addi %mul3A_143, %add3A_199 : i32
      %dma_wait3A_201 = arith.constant 0 : i32
      %dma_wait3A_202 = arith.constant 0 : i32
      %dma_wait3A_203 = arith.constant 0 : i32
      %dma_wait3A_204 = tpu.memref_slice %arg3[%add3A, %dma_wait3A_201, %dma_wait3A_202, %dma_wait3A_203] : memref<32x90x2x112xi32, #tpu.memory_space<hbm>> -> memref<1x90x2x112xi32, #tpu.memory_space<hbm>>
      %dma_wait3A_205 = tpu.memref_squeeze %dma_wait3A_204 : memref<1x90x2x112xi32, #tpu.memory_space<hbm>> -> memref<90x2x112xi32, #tpu.memory_space<hbm>>
      %dma_wait3A_206 = arith.constant 0 : i32
      %dma_wait3A_207 = arith.constant 0 : i32
      %dma_wait3A_208 = tpu.memref_slice %dma_wait3A_205[%add3A_200, %dma_wait3A_206, %dma_wait3A_207] : memref<90x2x112xi32, #tpu.memory_space<hbm>> -> memref<1x2x112xi32, #tpu.memory_space<hbm>>
      %dma_wait3A_209 = tpu.memref_squeeze %dma_wait3A_208 : memref<1x2x112xi32, #tpu.memory_space<hbm>> -> memref<2x112xi32, #tpu.memory_space<hbm>>
      %dma_wait3A_210 = arith.constant 0 : i32
      %dma_wait3A_211 = arith.constant 0 : i32
      %dma_wait3A_212 = arith.constant 0 : i32
      %dma_wait3A_213 = tpu.memref_slice %arg3[%add3A, %dma_wait3A_210, %dma_wait3A_211, %dma_wait3A_212] : memref<32x90x2x112xi32, #tpu.memory_space<hbm>> -> memref<1x90x2x112xi32, #tpu.memory_space<hbm>>
      %dma_wait3A_214 = tpu.memref_squeeze %dma_wait3A_213 : memref<1x90x2x112xi32, #tpu.memory_space<hbm>> -> memref<90x2x112xi32, #tpu.memory_space<hbm>>
      %dma_wait3A_215 = arith.constant 0 : i32
      %dma_wait3A_216 = arith.constant 0 : i32
      %dma_wait3A_217 = tpu.memref_slice %dma_wait3A_214[%add3A_200, %dma_wait3A_215, %dma_wait3A_216] : memref<90x2x112xi32, #tpu.memory_space<hbm>> -> memref<1x2x112xi32, #tpu.memory_space<hbm>>
      %dma_wait3A_218 = tpu.memref_squeeze %dma_wait3A_217 : memref<1x2x112xi32, #tpu.memory_space<hbm>> -> memref<2x112xi32, #tpu.memory_space<hbm>>
      tpu.wait_dma2 semaphore(%arg13 : memref<!tpu.dma_semaphore, #tpu.memory_space<semaphore_mem>>) src(%dma_wait3A_218 : memref<2x112xi32, #tpu.memory_space<hbm>>) dst(%arg7 : memref<2x112xi32, #tpu.memory_space<vmem>>)
      %dma_start3A_219 = arith.constant 0 : i32
      %dma_start3A_220 = arith.constant 0 : i32
      %dma_start3A_221 = tpu.memref_slice %arg7[%dma_start3A_219, %dma_start3A_220] : memref<2x112xi32, #tpu.memory_space<vmem>> -> memref<1x112xi32, #tpu.memory_space<vmem>>
      %dma_start3A_222 = tpu.memref_squeeze %dma_start3A_221 : memref<1x112xi32, #tpu.memory_space<vmem>> -> memref<112xi32, #tpu.memory_space<vmem>>
      %dma_start3A_223 = arith.constant 0 : i32
      %dma_start3A_224 = arith.constant 0 : i32
      %dma_start3A_225 = tpu.memref_slice %arg2[%dma_start3A_223, %dma_start3A_224] : memref<10240x128xf32, #tpu.memory_space<hbm>> -> memref<10240x128xf32, #tpu.memory_space<hbm>>
      tpu.enqueue_indirect_dma source(%dma_start3A_225 : memref<10240x128xf32, #tpu.memory_space<hbm>>) target(%arg10 : memref<112x128xf32, #tpu.memory_space<vmem>>) offsets(%dma_start3A_222 : memref<112xi32, #tpu.memory_space<vmem>>) semaphore(%arg16 : memref<!tpu.dma_semaphore, #tpu.memory_space<semaphore_mem>>)
      %dma_wait3A_226 = arith.constant 0 : i32
      %dma_wait3A_227 = arith.constant 0 : i32
      %dma_wait3A_228 = tpu.memref_slice %arg6[%dma_wait3A_226, %dma_wait3A_227] : memref<2x112xi32, #tpu.memory_space<vmem>> -> memref<1x112xi32, #tpu.memory_space<vmem>>
      %dma_wait3A_229 = tpu.memref_squeeze %dma_wait3A_228 : memref<1x112xi32, #tpu.memory_space<vmem>> -> memref<112xi32, #tpu.memory_space<vmem>>
      %dma_wait3A_230 = arith.constant 0 : i32
      %dma_wait3A_231 = arith.constant 0 : i32
      %dma_wait3A_232 = tpu.memref_slice %arg2[%dma_wait3A_230, %dma_wait3A_231] : memref<10240x128xf32, #tpu.memory_space<hbm>> -> memref<10240x128xf32, #tpu.memory_space<hbm>>
      tpu.wait_indirect_dma semaphore(%arg15 : memref<!tpu.dma_semaphore, #tpu.memory_space<semaphore_mem>>) src(%dma_wait3A_232 : memref<10240x128xf32, #tpu.memory_space<hbm>>) dst(%arg9 : memref<112x128xf32, #tpu.memory_space<vmem>>)
      %run_scoped3A_233 = arith.constant 1 : i32
      "tpu.region"() ({
        %run_scoped3A_313 = tpu.sem_alloc : memref<!tpu.dma_semaphore, #tpu.memory_space<semaphore_mem>>
        %dma_start3A_314 = arith.constant 0 : i32
        %dma_start3A_315 = tpu.memref_slice %arg6[%run_scoped3A_233, %dma_start3A_314] : memref<2x112xi32, #tpu.memory_space<vmem>> -> memref<1x112xi32, #tpu.memory_space<vmem>>
        %dma_start3A_316 = tpu.memref_squeeze %dma_start3A_315 : memref<1x112xi32, #tpu.memory_space<vmem>> -> memref<112xi32, #tpu.memory_space<vmem>>
        %dma_start3A_317 = arith.constant 0 : i32
        %dma_start3A_318 = arith.constant 0 : i32
        %dma_start3A_319 = tpu.memref_slice %arg17[%dma_start3A_317, %dma_start3A_318] : memref<10240x128xf32, #tpu.memory_space<vmem_shared>> -> memref<10240x128xf32, #tpu.memory_space<vmem_shared>>
        tpu.enqueue_indirect_dma source(%arg9 : memref<112x128xf32, #tpu.memory_space<vmem>>) target(%dma_start3A_319 : memref<10240x128xf32, #tpu.memory_space<vmem_shared>>) offsets(%dma_start3A_316 : memref<112xi32, #tpu.memory_space<vmem>>) semaphore(%run_scoped3A_313 : memref<!tpu.dma_semaphore, #tpu.memory_space<semaphore_mem>>) {add = true}
        %dma_wait3A_320 = arith.constant 0 : i32
        %dma_wait3A_321 = tpu.memref_slice %arg6[%run_scoped3A_233, %dma_wait3A_320] : memref<2x112xi32, #tpu.memory_space<vmem>> -> memref<1x112xi32, #tpu.memory_space<vmem>>
        %dma_wait3A_322 = tpu.memref_squeeze %dma_wait3A_321 : memref<1x112xi32, #tpu.memory_space<vmem>> -> memref<112xi32, #tpu.memory_space<vmem>>
        %dma_wait3A_323 = arith.constant 0 : i32
        %dma_wait3A_324 = arith.constant 0 : i32
        %dma_wait3A_325 = tpu.memref_slice %arg17[%dma_wait3A_323, %dma_wait3A_324] : memref<10240x128xf32, #tpu.memory_space<vmem_shared>> -> memref<10240x128xf32, #tpu.memory_space<vmem_shared>>
        tpu.wait_indirect_dma semaphore(%run_scoped3A_313 : memref<!tpu.dma_semaphore, #tpu.memory_space<semaphore_mem>>) src(%arg9 : memref<112x128xf32, #tpu.memory_space<vmem>>) dst(%dma_wait3A_325 : memref<10240x128xf32, #tpu.memory_space<vmem_shared>>)
        tpu.yield
      }) : () -> ()
      %add3A_234 = arith.constant 3 : i32
      %add3A_235 = arith.addi %add3A_200, %add3A_234 : i32
      %min3A_236 = arith.constant 89 : i32
      %min3A_237 = arith.minsi %add3A_235, %min3A_236 : i32
      %dma_start3A_238 = arith.constant 0 : i32
      %dma_start3A_239 = arith.constant 0 : i32
      %dma_start3A_240 = arith.constant 0 : i32
      %dma_start3A_241 = tpu.memref_slice %arg3[%add3A, %dma_start3A_238, %dma_start3A_239, %dma_start3A_240] : memref<32x90x2x112xi32, #tpu.memory_space<hbm>> -> memref<1x90x2x112xi32, #tpu.memory_space<hbm>>
      %dma_start3A_242 = tpu.memref_squeeze %dma_start3A_241 : memref<1x90x2x112xi32, #tpu.memory_space<hbm>> -> memref<90x2x112xi32, #tpu.memory_space<hbm>>
      %dma_start3A_243 = arith.constant 0 : i32
      %dma_start3A_244 = arith.constant 0 : i32
      %dma_start3A_245 = tpu.memref_slice %dma_start3A_242[%min3A_237, %dma_start3A_243, %dma_start3A_244] : memref<90x2x112xi32, #tpu.memory_space<hbm>> -> memref<1x2x112xi32, #tpu.memory_space<hbm>>
      %dma_start3A_246 = tpu.memref_squeeze %dma_start3A_245 : memref<1x2x112xi32, #tpu.memory_space<hbm>> -> memref<2x112xi32, #tpu.memory_space<hbm>>
      %dma_start3A_247 = arith.constant 0 : i32
      %dma_start3A_248 = arith.constant 0 : i32
      %dma_start3A_249 = arith.constant 0 : i32
      %dma_start3A_250 = tpu.memref_slice %arg3[%add3A, %dma_start3A_247, %dma_start3A_248, %dma_start3A_249] : memref<32x90x2x112xi32, #tpu.memory_space<hbm>> -> memref<1x90x2x112xi32, #tpu.memory_space<hbm>>
      %dma_start3A_251 = tpu.memref_squeeze %dma_start3A_250 : memref<1x90x2x112xi32, #tpu.memory_space<hbm>> -> memref<90x2x112xi32, #tpu.memory_space<hbm>>
      %dma_start3A_252 = arith.constant 0 : i32
      %dma_start3A_253 = arith.constant 0 : i32
      %dma_start3A_254 = tpu.memref_slice %dma_start3A_251[%min3A_237, %dma_start3A_252, %dma_start3A_253] : memref<90x2x112xi32, #tpu.memory_space<hbm>> -> memref<1x2x112xi32, #tpu.memory_space<hbm>>
      %dma_start3A_255 = tpu.memref_squeeze %dma_start3A_254 : memref<1x2x112xi32, #tpu.memory_space<hbm>> -> memref<2x112xi32, #tpu.memory_space<hbm>>
      tpu.enqueue_dma source(%dma_start3A_255 : memref<2x112xi32, #tpu.memory_space<hbm>>) target(%arg6 : memref<2x112xi32, #tpu.memory_space<vmem>>) target_semaphore(%arg12 : memref<!tpu.dma_semaphore, #tpu.memory_space<semaphore_mem>>)
      %add3A_256 = arith.constant 2 : i32
      %add3A_257 = arith.addi %mul3A_143, %add3A_256 : i32
      %dma_wait3A_258 = arith.constant 0 : i32
      %dma_wait3A_259 = arith.constant 0 : i32
      %dma_wait3A_260 = arith.constant 0 : i32
      %dma_wait3A_261 = tpu.memref_slice %arg3[%add3A, %dma_wait3A_258, %dma_wait3A_259, %dma_wait3A_260] : memref<32x90x2x112xi32, #tpu.memory_space<hbm>> -> memref<1x90x2x112xi32, #tpu.memory_space<hbm>>
      %dma_wait3A_262 = tpu.memref_squeeze %dma_wait3A_261 : memref<1x90x2x112xi32, #tpu.memory_space<hbm>> -> memref<90x2x112xi32, #tpu.memory_space<hbm>>
      %dma_wait3A_263 = arith.constant 0 : i32
      %dma_wait3A_264 = arith.constant 0 : i32
      %dma_wait3A_265 = tpu.memref_slice %dma_wait3A_262[%add3A_257, %dma_wait3A_263, %dma_wait3A_264] : memref<90x2x112xi32, #tpu.memory_space<hbm>> -> memref<1x2x112xi32, #tpu.memory_space<hbm>>
      %dma_wait3A_266 = tpu.memref_squeeze %dma_wait3A_265 : memref<1x2x112xi32, #tpu.memory_space<hbm>> -> memref<2x112xi32, #tpu.memory_space<hbm>>
      %dma_wait3A_267 = arith.constant 0 : i32
      %dma_wait3A_268 = arith.constant 0 : i32
      %dma_wait3A_269 = arith.constant 0 : i32
      %dma_wait3A_270 = tpu.memref_slice %arg3[%add3A, %dma_wait3A_267, %dma_wait3A_268, %dma_wait3A_269] : memref<32x90x2x112xi32, #tpu.memory_space<hbm>> -> memref<1x90x2x112xi32, #tpu.memory_space<hbm>>
      %dma_wait3A_271 = tpu.memref_squeeze %dma_wait3A_270 : memref<1x90x2x112xi32, #tpu.memory_space<hbm>> -> memref<90x2x112xi32, #tpu.memory_space<hbm>>
      %dma_wait3A_272 = arith.constant 0 : i32
      %dma_wait3A_273 = arith.constant 0 : i32
      %dma_wait3A_274 = tpu.memref_slice %dma_wait3A_271[%add3A_257, %dma_wait3A_272, %dma_wait3A_273] : memref<90x2x112xi32, #tpu.memory_space<hbm>> -> memref<1x2x112xi32, #tpu.memory_space<hbm>>
      %dma_wait3A_275 = tpu.memref_squeeze %dma_wait3A_274 : memref<1x2x112xi32, #tpu.memory_space<hbm>> -> memref<2x112xi32, #tpu.memory_space<hbm>>
      tpu.wait_dma2 semaphore(%arg11 : memref<!tpu.dma_semaphore, #tpu.memory_space<semaphore_mem>>) src(%dma_wait3A_275 : memref<2x112xi32, #tpu.memory_space<hbm>>) dst(%arg5 : memref<2x112xi32, #tpu.memory_space<vmem>>)
      %dma_start3A_276 = arith.constant 0 : i32
      %dma_start3A_277 = arith.constant 0 : i32
      %dma_start3A_278 = tpu.memref_slice %arg5[%dma_start3A_276, %dma_start3A_277] : memref<2x112xi32, #tpu.memory_space<vmem>> -> memref<1x112xi32, #tpu.memory_space<vmem>>
      %dma_start3A_279 = tpu.memref_squeeze %dma_start3A_278 : memref<1x112xi32, #tpu.memory_space<vmem>> -> memref<112xi32, #tpu.memory_space<vmem>>
      %dma_start3A_280 = arith.constant 0 : i32
      %dma_start3A_281 = arith.constant 0 : i32
      %dma_start3A_282 = tpu.memref_slice %arg2[%dma_start3A_280, %dma_start3A_281] : memref<10240x128xf32, #tpu.memory_space<hbm>> -> memref<10240x128xf32, #tpu.memory_space<hbm>>
      tpu.enqueue_indirect_dma source(%dma_start3A_282 : memref<10240x128xf32, #tpu.memory_space<hbm>>) target(%arg8 : memref<112x128xf32, #tpu.memory_space<vmem>>) offsets(%dma_start3A_279 : memref<112xi32, #tpu.memory_space<vmem>>) semaphore(%arg14 : memref<!tpu.dma_semaphore, #tpu.memory_space<semaphore_mem>>)
      %dma_wait3A_283 = arith.constant 0 : i32
      %dma_wait3A_284 = arith.constant 0 : i32
      %dma_wait3A_285 = tpu.memref_slice %arg7[%dma_wait3A_283, %dma_wait3A_284] : memref<2x112xi32, #tpu.memory_space<vmem>> -> memref<1x112xi32, #tpu.memory_space<vmem>>
      %dma_wait3A_286 = tpu.memref_squeeze %dma_wait3A_285 : memref<1x112xi32, #tpu.memory_space<vmem>> -> memref<112xi32, #tpu.memory_space<vmem>>
      %dma_wait3A_287 = arith.constant 0 : i32
      %dma_wait3A_288 = arith.constant 0 : i32
      %dma_wait3A_289 = tpu.memref_slice %arg2[%dma_wait3A_287, %dma_wait3A_288] : memref<10240x128xf32, #tpu.memory_space<hbm>> -> memref<10240x128xf32, #tpu.memory_space<hbm>>
      tpu.wait_indirect_dma semaphore(%arg16 : memref<!tpu.dma_semaphore, #tpu.memory_space<semaphore_mem>>) src(%dma_wait3A_289 : memref<10240x128xf32, #tpu.memory_space<hbm>>) dst(%arg10 : memref<112x128xf32, #tpu.memory_space<vmem>>)
      %run_scoped3A_290 = arith.constant 1 : i32
      "tpu.region"() ({
        %run_scoped3A_313 = tpu.sem_alloc : memref<!tpu.dma_semaphore, #tpu.memory_space<semaphore_mem>>
        %dma_start3A_314 = arith.constant 0 : i32
        %dma_start3A_315 = tpu.memref_slice %arg7[%run_scoped3A_290, %dma_start3A_314] : memref<2x112xi32, #tpu.memory_space<vmem>> -> memref<1x112xi32, #tpu.memory_space<vmem>>
        %dma_start3A_316 = tpu.memref_squeeze %dma_start3A_315 : memref<1x112xi32, #tpu.memory_space<vmem>> -> memref<112xi32, #tpu.memory_space<vmem>>
        %dma_start3A_317 = arith.constant 0 : i32
        %dma_start3A_318 = arith.constant 0 : i32
        %dma_start3A_319 = tpu.memref_slice %arg17[%dma_start3A_317, %dma_start3A_318] : memref<10240x128xf32, #tpu.memory_space<vmem_shared>> -> memref<10240x128xf32, #tpu.memory_space<vmem_shared>>
        tpu.enqueue_indirect_dma source(%arg10 : memref<112x128xf32, #tpu.memory_space<vmem>>) target(%dma_start3A_319 : memref<10240x128xf32, #tpu.memory_space<vmem_shared>>) offsets(%dma_start3A_316 : memref<112xi32, #tpu.memory_space<vmem>>) semaphore(%run_scoped3A_313 : memref<!tpu.dma_semaphore, #tpu.memory_space<semaphore_mem>>) {add = true}
        %dma_wait3A_320 = arith.constant 0 : i32
        %dma_wait3A_321 = tpu.memref_slice %arg7[%run_scoped3A_290, %dma_wait3A_320] : memref<2x112xi32, #tpu.memory_space<vmem>> -> memref<1x112xi32, #tpu.memory_space<vmem>>
        %dma_wait3A_322 = tpu.memref_squeeze %dma_wait3A_321 : memref<1x112xi32, #tpu.memory_space<vmem>> -> memref<112xi32, #tpu.memory_space<vmem>>
        %dma_wait3A_323 = arith.constant 0 : i32
        %dma_wait3A_324 = arith.constant 0 : i32
        %dma_wait3A_325 = tpu.memref_slice %arg17[%dma_wait3A_323, %dma_wait3A_324] : memref<10240x128xf32, #tpu.memory_space<vmem_shared>> -> memref<10240x128xf32, #tpu.memory_space<vmem_shared>>
        tpu.wait_indirect_dma semaphore(%run_scoped3A_313 : memref<!tpu.dma_semaphore, #tpu.memory_space<semaphore_mem>>) src(%arg10 : memref<112x128xf32, #tpu.memory_space<vmem>>) dst(%dma_wait3A_325 : memref<10240x128xf32, #tpu.memory_space<vmem_shared>>)
        tpu.yield
      }) : () -> ()
      %add3A_291 = arith.constant 3 : i32
      %add3A_292 = arith.addi %add3A_257, %add3A_291 : i32
      %min3A_293 = arith.constant 89 : i32
      %min3A_294 = arith.minsi %add3A_292, %min3A_293 : i32
      %dma_start3A_295 = arith.constant 0 : i32
      %dma_start3A_296 = arith.constant 0 : i32
      %dma_start3A_297 = arith.constant 0 : i32
      %dma_start3A_298 = tpu.memref_slice %arg3[%add3A, %dma_start3A_295, %dma_start3A_296, %dma_start3A_297] : memref<32x90x2x112xi32, #tpu.memory_space<hbm>> -> memref<1x90x2x112xi32, #tpu.memory_space<hbm>>
      %dma_start3A_299 = tpu.memref_squeeze %dma_start3A_298 : memref<1x90x2x112xi32, #tpu.memory_space<hbm>> -> memref<90x2x112xi32, #tpu.memory_space<hbm>>
      %dma_start3A_300 = arith.constant 0 : i32
      %dma_start3A_301 = arith.constant 0 : i32
      %dma_start3A_302 = tpu.memref_slice %dma_start3A_299[%min3A_294, %dma_start3A_300, %dma_start3A_301] : memref<90x2x112xi32, #tpu.memory_space<hbm>> -> memref<1x2x112xi32, #tpu.memory_space<hbm>>
      %dma_start3A_303 = tpu.memref_squeeze %dma_start3A_302 : memref<1x2x112xi32, #tpu.memory_space<hbm>> -> memref<2x112xi32, #tpu.memory_space<hbm>>
      %dma_start3A_304 = arith.constant 0 : i32
      %dma_start3A_305 = arith.constant 0 : i32
      %dma_start3A_306 = arith.constant 0 : i32
      %dma_start3A_307 = tpu.memref_slice %arg3[%add3A, %dma_start3A_304, %dma_start3A_305, %dma_start3A_306] : memref<32x90x2x112xi32, #tpu.memory_space<hbm>> -> memref<1x90x2x112xi32, #tpu.memory_space<hbm>>
      %dma_start3A_308 = tpu.memref_squeeze %dma_start3A_307 : memref<1x90x2x112xi32, #tpu.memory_space<hbm>> -> memref<90x2x112xi32, #tpu.memory_space<hbm>>
      %dma_start3A_309 = arith.constant 0 : i32
      %dma_start3A_310 = arith.constant 0 : i32
      %dma_start3A_311 = tpu.memref_slice %dma_start3A_308[%min3A_294, %dma_start3A_309, %dma_start3A_310] : memref<90x2x112xi32, #tpu.memory_space<hbm>> -> memref<1x2x112xi32, #tpu.memory_space<hbm>>
      %dma_start3A_312 = tpu.memref_squeeze %dma_start3A_311 : memref<1x2x112xi32, #tpu.memory_space<hbm>> -> memref<2x112xi32, #tpu.memory_space<hbm>>
      tpu.enqueue_dma source(%dma_start3A_312 : memref<2x112xi32, #tpu.memory_space<hbm>>) target(%arg7 : memref<2x112xi32, #tpu.memory_space<vmem>>) target_semaphore(%arg13 : memref<!tpu.dma_semaphore, #tpu.memory_space<semaphore_mem>>)
    }
    %scan3A_90 = arith.constant 30 : i32
    %dma_wait3A_91 = arith.constant 0 : i32
    %dma_wait3A_92 = arith.constant 0 : i32
    %dma_wait3A_93 = arith.constant 0 : i32
    %dma_wait3A_94 = arith.constant 0 : i32
    %dma_wait3A_95 = tpu.memref_slice %arg3[%add3A, %dma_wait3A_92, %dma_wait3A_93, %dma_wait3A_94] : memref<32x90x2x112xi32, #tpu.memory_space<hbm>> -> memref<1x90x2x112xi32, #tpu.memory_space<hbm>>
    %dma_wait3A_96 = tpu.memref_squeeze %dma_wait3A_95 : memref<1x90x2x112xi32, #tpu.memory_space<hbm>> -> memref<90x2x112xi32, #tpu.memory_space<hbm>>
    %dma_wait3A_97 = arith.constant 0 : i32
    %dma_wait3A_98 = arith.constant 0 : i32
    %dma_wait3A_99 = tpu.memref_slice %dma_wait3A_96[%dma_wait3A_91, %dma_wait3A_97, %dma_wait3A_98] : memref<90x2x112xi32, #tpu.memory_space<hbm>> -> memref<1x2x112xi32, #tpu.memory_space<hbm>>
    %dma_wait3A_100 = tpu.memref_squeeze %dma_wait3A_99 : memref<1x2x112xi32, #tpu.memory_space<hbm>> -> memref<2x112xi32, #tpu.memory_space<hbm>>
    %dma_wait3A_101 = arith.constant 0 : i32
    %dma_wait3A_102 = arith.constant 0 : i32
    %dma_wait3A_103 = arith.constant 0 : i32
    %dma_wait3A_104 = tpu.memref_slice %arg3[%add3A, %dma_wait3A_101, %dma_wait3A_102, %dma_wait3A_103] : memref<32x90x2x112xi32, #tpu.memory_space<hbm>> -> memref<1x90x2x112xi32, #tpu.memory_space<hbm>>
    %dma_wait3A_105 = tpu.memref_squeeze %dma_wait3A_104 : memref<1x90x2x112xi32, #tpu.memory_space<hbm>> -> memref<90x2x112xi32, #tpu.memory_space<hbm>>
    %dma_wait3A_106 = arith.constant 0 : i32
    %dma_wait3A_107 = arith.constant 0 : i32
    %dma_wait3A_108 = tpu.memref_slice %dma_wait3A_105[%dma_wait3A_91, %dma_wait3A_106, %dma_wait3A_107] : memref<90x2x112xi32, #tpu.memory_space<hbm>> -> memref<1x2x112xi32, #tpu.memory_space<hbm>>
    %dma_wait3A_109 = tpu.memref_squeeze %dma_wait3A_108 : memref<1x2x112xi32, #tpu.memory_space<hbm>> -> memref<2x112xi32, #tpu.memory_space<hbm>>
    tpu.wait_dma2 semaphore(%arg12 : memref<!tpu.dma_semaphore, #tpu.memory_space<semaphore_mem>>) src(%dma_wait3A_109 : memref<2x112xi32, #tpu.memory_space<hbm>>) dst(%arg6 : memref<2x112xi32, #tpu.memory_space<vmem>>)
    %dma_wait3A_110 = arith.constant 0 : i32
    %dma_wait3A_111 = arith.constant 0 : i32
    %dma_wait3A_112 = arith.constant 0 : i32
    %dma_wait3A_113 = arith.constant 0 : i32
    %dma_wait3A_114 = tpu.memref_slice %arg3[%add3A, %dma_wait3A_111, %dma_wait3A_112, %dma_wait3A_113] : memref<32x90x2x112xi32, #tpu.memory_space<hbm>> -> memref<1x90x2x112xi32, #tpu.memory_space<hbm>>
    %dma_wait3A_115 = tpu.memref_squeeze %dma_wait3A_114 : memref<1x90x2x112xi32, #tpu.memory_space<hbm>> -> memref<90x2x112xi32, #tpu.memory_space<hbm>>
    %dma_wait3A_116 = arith.constant 0 : i32
    %dma_wait3A_117 = arith.constant 0 : i32
    %dma_wait3A_118 = tpu.memref_slice %dma_wait3A_115[%dma_wait3A_110, %dma_wait3A_116, %dma_wait3A_117] : memref<90x2x112xi32, #tpu.memory_space<hbm>> -> memref<1x2x112xi32, #tpu.memory_space<hbm>>
    %dma_wait3A_119 = tpu.memref_squeeze %dma_wait3A_118 : memref<1x2x112xi32, #tpu.memory_space<hbm>> -> memref<2x112xi32, #tpu.memory_space<hbm>>
    %dma_wait3A_120 = arith.constant 0 : i32
    %dma_wait3A_121 = arith.constant 0 : i32
    %dma_wait3A_122 = arith.constant 0 : i32
    %dma_wait3A_123 = tpu.memref_slice %arg3[%add3A, %dma_wait3A_120, %dma_wait3A_121, %dma_wait3A_122] : memref<32x90x2x112xi32, #tpu.memory_space<hbm>> -> memref<1x90x2x112xi32, #tpu.memory_space<hbm>>
    %dma_wait3A_124 = tpu.memref_squeeze %dma_wait3A_123 : memref<1x90x2x112xi32, #tpu.memory_space<hbm>> -> memref<90x2x112xi32, #tpu.memory_space<hbm>>
    %dma_wait3A_125 = arith.constant 0 : i32
    %dma_wait3A_126 = arith.constant 0 : i32
    %dma_wait3A_127 = tpu.memref_slice %dma_wait3A_124[%dma_wait3A_110, %dma_wait3A_125, %dma_wait3A_126] : memref<90x2x112xi32, #tpu.memory_space<hbm>> -> memref<1x2x112xi32, #tpu.memory_space<hbm>>
    %dma_wait3A_128 = tpu.memref_squeeze %dma_wait3A_127 : memref<1x2x112xi32, #tpu.memory_space<hbm>> -> memref<2x112xi32, #tpu.memory_space<hbm>>
    tpu.wait_dma2 semaphore(%arg13 : memref<!tpu.dma_semaphore, #tpu.memory_space<semaphore_mem>>) src(%dma_wait3A_128 : memref<2x112xi32, #tpu.memory_space<hbm>>) dst(%arg7 : memref<2x112xi32, #tpu.memory_space<vmem>>)
    %dma_wait3A_129 = arith.constant 0 : i32
    %dma_wait3A_130 = arith.constant 0 : i32
    %dma_wait3A_131 = tpu.memref_slice %arg5[%dma_wait3A_129, %dma_wait3A_130] : memref<2x112xi32, #tpu.memory_space<vmem>> -> memref<1x112xi32, #tpu.memory_space<vmem>>
    %dma_wait3A_132 = tpu.memref_squeeze %dma_wait3A_131 : memref<1x112xi32, #tpu.memory_space<vmem>> -> memref<112xi32, #tpu.memory_space<vmem>>
    %dma_wait3A_133 = arith.constant 0 : i32
    %dma_wait3A_134 = arith.constant 0 : i32
    %dma_wait3A_135 = tpu.memref_slice %arg2[%dma_wait3A_133, %dma_wait3A_134] : memref<10240x128xf32, #tpu.memory_space<hbm>> -> memref<10240x128xf32, #tpu.memory_space<hbm>>
    tpu.wait_indirect_dma semaphore(%arg14 : memref<!tpu.dma_semaphore, #tpu.memory_space<semaphore_mem>>) src(%dma_wait3A_135 : memref<10240x128xf32, #tpu.memory_space<hbm>>) dst(%arg8 : memref<112x128xf32, #tpu.memory_space<vmem>>)
    %barrier3A_136 = arith.constant 0 : index
    tpu.barrier barrier_id(%barrier3A_136)
    %mul3A_137 = arith.constant 640 : i32
    %mul3A_138 = arith.muli %arg1, %mul3A_137 : i32
    %mul3A_139 = arith.constant 640 : i32
    %mul3A_140 = arith.muli %arg1, %mul3A_139 : i32
    "tpu.region"() ({
      %run_scoped3A = tpu.sem_alloc : memref<!tpu.dma_semaphore, #tpu.memory_space<semaphore_mem>>
      %dma_start3A_141 = arith.constant 0 : i32
      %dma_start3A_142 = arith.constant 0 : i32
      %dma_start3A_143 = tpu.memref_slice %arg4[%arg0, %dma_start3A_141, %dma_start3A_142] : memref<2x10240x128xf32, #tpu.memory_space<hbm>> -> memref<1x10240x128xf32, #tpu.memory_space<hbm>>
      %dma_start3A_144 = tpu.memref_squeeze %dma_start3A_143 : memref<1x10240x128xf32, #tpu.memory_space<hbm>> -> memref<10240x128xf32, #tpu.memory_space<hbm>>
      %dma_start3A_145 = arith.constant 0 : i32
      %dma_start3A_146 = tpu.memref_slice %dma_start3A_144[%mul3A_140, %dma_start3A_145] : memref<10240x128xf32, #tpu.memory_space<hbm>> -> memref<640x128xf32, #tpu.memory_space<hbm>>
      %dma_start3A_147 = arith.constant 0 : i32
      %dma_start3A_148 = tpu.memref_slice %arg17[%mul3A_138, %dma_start3A_147] : memref<10240x128xf32, #tpu.memory_space<vmem_shared>> -> memref<640x128xf32, #tpu.memory_space<vmem_shared>>
      tpu.enqueue_dma source(%dma_start3A_148 : memref<640x128xf32, #tpu.memory_space<vmem_shared>>) target(%dma_start3A_146 : memref<640x128xf32, #tpu.memory_space<hbm>>) target_semaphore(%run_scoped3A : memref<!tpu.dma_semaphore, #tpu.memory_space<semaphore_mem>>)
      %dma_wait3A_149 = arith.constant 0 : i32
      %dma_wait3A_150 = arith.constant 0 : i32
      %dma_wait3A_151 = tpu.memref_slice %arg4[%arg0, %dma_wait3A_149, %dma_wait3A_150] : memref<2x10240x128xf32, #tpu.memory_space<hbm>> -> memref<1x10240x128xf32, #tpu.memory_space<hbm>>
      %dma_wait3A_152 = tpu.memref_squeeze %dma_wait3A_151 : memref<1x10240x128xf32, #tpu.memory_space<hbm>> -> memref<10240x128xf32, #tpu.memory_space<hbm>>
      %dma_wait3A_153 = arith.constant 0 : i32
      %dma_wait3A_154 = tpu.memref_slice %dma_wait3A_152[%mul3A_140, %dma_wait3A_153] : memref<10240x128xf32, #tpu.memory_space<hbm>> -> memref<640x128xf32, #tpu.memory_space<hbm>>
      %dma_wait3A_155 = arith.constant 0 : i32
      %dma_wait3A_156 = tpu.memref_slice %arg17[%mul3A_138, %dma_wait3A_155] : memref<10240x128xf32, #tpu.memory_space<vmem_shared>> -> memref<640x128xf32, #tpu.memory_space<vmem_shared>>
      tpu.wait_dma2 semaphore(%run_scoped3A : memref<!tpu.dma_semaphore, #tpu.memory_space<semaphore_mem>>) src(%dma_wait3A_156 : memref<640x128xf32, #tpu.memory_space<vmem_shared>>) dst(%dma_wait3A_154 : memref<640x128xf32, #tpu.memory_space<hbm>>)
      tpu.yield
    }) : () -> ()
    return
  }
}

module attributes {stable_mosaic.version = 14 : i64} {
  func.func @body(%arg0: i32, %arg1: memref<2048x128xf32, #tpu.memory_space<vmem>>, %arg2: memref<128x128xf32, #tpu.memory_space<vmem>>, %arg3: memref<1x128xf32, #tpu.memory_space<vmem>>, %arg4: memref<2048x128xf32, #tpu.memory_space<vmem>>) attributes {dimension_semantics = [#tpu.dimension_semantics<arbitrary>], iteration_bounds = array<i64: 5>, scalar_prefetch = 0 : i64, scratch_operands = 0 : i64, tpu.core_type = #tpu.core_type<tc>, window_params = [{transform_indices = @transform_0, window_bounds = array<i64: 2048, 128>}, {pipeline_mode = #tpu.pipeline_mode<synchronous>, transform_indices = @transform_1, window_bounds = array<i64: 128, 128>}, {pipeline_mode = #tpu.pipeline_mode<synchronous>, transform_indices = @transform_2, window_bounds = array<i64: 1, 128>}, {transform_indices = @transform_3, window_bounds = array<i64: 2048, 128>}]} {
    %get3A = arith.constant 0 : index
    %get3A_0 = arith.constant 0 : index
    %get3A_1 = vector.load %arg1[%get3A, %get3A_0] : memref<2048x128xf32, #tpu.memory_space<vmem>>, vector<2048x128xf32>
    %get3A_2 = arith.constant 0 : index
    %get3A_3 = arith.constant 0 : index
    %get3A_4 = vector.load %arg2[%get3A_2, %get3A_3] : memref<128x128xf32, #tpu.memory_space<vmem>>, vector<128x128xf32>
    %dot_general3A = arith.constant dense<0.000000e+00> : vector<2048x128xf32>
    %dot_general3A_5 = tpu.matmul %get3A_1, %get3A_4, %dot_general3A {dimension_numbers = #tpu.dot_dimension_numbers<[1], [0], [0], [1], [0, 0, 1, 1], [], []>, transpose_lhs_hint = false} : vector<2048x128xf32>, vector<128x128xf32>, vector<2048x128xf32> -> vector<2048x128xf32>
    %get3A_6 = arith.constant 0 : index
    %get3A_7 = arith.constant 0 : index
    %get3A_8 = vector.load %arg3[%get3A_6, %get3A_7] : memref<1x128xf32, #tpu.memory_space<vmem>>, vector<1x128xf32>
    %add3A = vector.broadcast %get3A_8 : vector<1x128xf32> to vector<2048x128xf32>
    %add3A_9 = arith.addf %dot_general3A_5, %add3A : vector<2048x128xf32>
    %swap3A = arith.constant 0 : index
    %swap3A_10 = arith.constant 0 : index
    %swap3A_11 = vector.load %arg4[%swap3A, %swap3A_10] : memref<2048x128xf32, #tpu.memory_space<vmem>>, vector<2048x128xf32>
    tpu.vector_store %arg4[%swap3A, %swap3A_10], %add3A_9 {strides = array<i32>} : memref<2048x128xf32, #tpu.memory_space<vmem>>, vector<2048x128xf32>,
    return
  }
  func.func @transform_0(%arg0: i32) -> (i32, i32) {
    %c0_i32 = arith.constant 0 : i32
    %c0_i32_0 = arith.constant 0 : i32
    return %arg0, %c0_i32 : i32, i32
  }
  func.func @transform_1(%arg0: i32) -> (i32, i32) {
    %c0_i32 = arith.constant 0 : i32
    %c0_i32_0 = arith.constant 0 : i32
    %c0_i32_1 = arith.constant 0 : i32
    return %c0_i32, %c0_i32_0 : i32, i32
  }
  func.func @transform_2(%arg0: i32) -> (i32, i32) {
    %c0_i32 = arith.constant 0 : i32
    %c0_i32_0 = arith.constant 0 : i32
    %c0_i32_1 = arith.constant 0 : i32
    return %c0_i32, %c0_i32_0 : i32, i32
  }
  func.func @transform_3(%arg0: i32) -> (i32, i32) {
    %c0_i32 = arith.constant 0 : i32
    %c0_i32_0 = arith.constant 0 : i32
    return %arg0, %c0_i32 : i32, i32
  }
}

module attributes {stable_mosaic.version = 14 : i64} {
  func.func @body(%arg0: i32, %arg1: memref<2048x128xf32, #tpu.memory_space<vmem>>, %arg2: memref<2048x128xf32, #tpu.memory_space<vmem>>, %arg3: memref<2048x128xf32, #tpu.memory_space<vmem>>, %arg4: memref<2048x128xf32, #tpu.memory_space<vmem>>, %arg5: memref<2048x1xf32, #tpu.memory_space<vmem>>) attributes {dimension_semantics = [#tpu.dimension_semantics<arbitrary>], iteration_bounds = array<i64: 5>, scalar_prefetch = 0 : i64, scratch_operands = 0 : i64, tpu.core_type = #tpu.core_type<tc>, window_params = [{transform_indices = @transform_0, window_bounds = array<i64: 2048, 128>}, {transform_indices = @transform_1, window_bounds = array<i64: 2048, 128>}, {transform_indices = @transform_2, window_bounds = array<i64: 2048, 128>}, {transform_indices = @transform_3, window_bounds = array<i64: 2048, 128>}, {transform_indices = @transform_4, window_bounds = array<i64: 2048, 1>}]} {
    %get3A = arith.constant 0 : index
    %get3A_0 = arith.constant 0 : index
    %get3A_1 = vector.load %arg2[%get3A, %get3A_0] : memref<2048x128xf32, #tpu.memory_space<vmem>>, vector<2048x1xf32>
    %get3A_2 = arith.constant 0 : index
    %get3A_3 = arith.constant 0 : index
    %get3A_4 = vector.load %arg3[%get3A_2, %get3A_3] : memref<2048x128xf32, #tpu.memory_space<vmem>>, vector<2048x1xf32>
    %add3A = arith.addf %get3A_1, %get3A_4 : vector<2048x1xf32>
    %add3A_5 = arith.constant 1.000000e+00 : f32
    %add3A_6 = vector.broadcast %add3A_5 : f32 to vector<2048x1xf32>
    %add3A_7 = arith.addf %add3A, %add3A_6 : vector<2048x1xf32>
    %mul3A = arith.constant 2048 : i32
    %mul3A_8 = arith.muli %arg0, %mul3A : i32
    %iota3A = tpu.iota {dimensions = array<i32: 0>} : vector<2048x1xi32>
    %add3A_9 = vector.broadcast %mul3A_8 : i32 to vector<2048x1xi32>
    %add3A_10 = arith.addi %add3A_9, %iota3A : vector<2048x1xi32>
    %lt3A = arith.constant 10000 : i32
    %lt3A_11 = vector.broadcast %lt3A : i32 to vector<2048x1xi32>
    %lt3A_12 = arith.cmpi slt, %add3A_10, %lt3A_11 : vector<2048x1xi32>
    %rsqrt3A = math.rsqrt %add3A_7 : vector<2048x1xf32>
    %jit3A = arith.constant 0.000000e+00 : f32
    %broadcast_in_dim3A = vector.broadcast %jit3A : f32 to vector<2048x1xf32>
    %select_n3A = arith.select %lt3A_12, %rsqrt3A, %broadcast_in_dim3A : vector<2048x1xi1>, vector<2048x1xf32>
    %get3A_13 = arith.constant 0 : index
    %get3A_14 = arith.constant 0 : index
    %get3A_15 = vector.load %arg1[%get3A_13, %get3A_14] : memref<2048x128xf32, #tpu.memory_space<vmem>>, vector<2048x128xf32>
    %mul3A_16 = vector.broadcast %select_n3A : vector<2048x1xf32> to vector<2048x128xf32>
    %mul3A_17 = arith.mulf %mul3A_16, %get3A_15 : vector<2048x128xf32>
    %swap3A = arith.constant 0 : index
    %swap3A_18 = arith.constant 0 : index
    %swap3A_19 = vector.load %arg4[%swap3A, %swap3A_18] : memref<2048x128xf32, #tpu.memory_space<vmem>>, vector<2048x128xf32>
    tpu.vector_store %arg4[%swap3A, %swap3A_18], %mul3A_17 {strides = array<i32>} : memref<2048x128xf32, #tpu.memory_space<vmem>>, vector<2048x128xf32>,
    %swap3A_20 = arith.constant 0 : index
    %swap3A_21 = arith.constant 0 : index
    %swap3A_22 = vector.load %arg5[%swap3A_20, %swap3A_21] : memref<2048x1xf32, #tpu.memory_space<vmem>>, vector<2048x1xf32>
    tpu.vector_store %arg5[%swap3A_20, %swap3A_21], %select_n3A {strides = array<i32>} : memref<2048x1xf32, #tpu.memory_space<vmem>>, vector<2048x1xf32>,
    return
  }
  func.func @transform_0(%arg0: i32) -> (i32, i32) {
    %c0_i32 = arith.constant 0 : i32
    %c0_i32_0 = arith.constant 0 : i32
    return %arg0, %c0_i32 : i32, i32
  }
  func.func @transform_1(%arg0: i32) -> (i32, i32) {
    %c0_i32 = arith.constant 0 : i32
    %c0_i32_0 = arith.constant 0 : i32
    return %arg0, %c0_i32 : i32, i32
  }
  func.func @transform_2(%arg0: i32) -> (i32, i32) {
    %c0_i32 = arith.constant 0 : i32
    %c0_i32_0 = arith.constant 0 : i32
    return %arg0, %c0_i32 : i32, i32
  }
  func.func @transform_3(%arg0: i32) -> (i32, i32) {
    %c0_i32 = arith.constant 0 : i32
    %c0_i32_0 = arith.constant 0 : i32
    return %arg0, %c0_i32 : i32, i32
  }
  func.func @transform_4(%arg0: i32) -> (i32, i32) {
    %c0_i32 = arith.constant 0 : i32
    %c0_i32_0 = arith.constant 0 : i32
    return %arg0, %c0_i32 : i32, i32
  }
}

module attributes {stable_mosaic.version = 14 : i64} {
  func.func @body(%arg0: i32, %arg1: memref<2048x128xf32, #tpu.memory_space<vmem>>, %arg2: memref<2048x128xf32, #tpu.memory_space<vmem>>, %arg3: memref<2048x128xf32, #tpu.memory_space<vmem>>, %arg4: memref<2048x1xf32, #tpu.memory_space<vmem>>, %arg5: memref<128x128xf32, #tpu.memory_space<vmem>>, %arg6: memref<1x128xf32, #tpu.memory_space<vmem>>, %arg7: memref<2048x128xf32, #tpu.memory_space<vmem>>) attributes {dimension_semantics = [#tpu.dimension_semantics<arbitrary>], iteration_bounds = array<i64: 5>, scalar_prefetch = 0 : i64, scratch_operands = 0 : i64, tpu.core_type = #tpu.core_type<tc>, window_params = [{transform_indices = @transform_0, window_bounds = array<i64: 2048, 128>}, {transform_indices = @transform_1, window_bounds = array<i64: 2048, 128>}, {transform_indices = @transform_2, window_bounds = array<i64: 2048, 128>}, {transform_indices = @transform_3, window_bounds = array<i64: 2048, 1>}, {pipeline_mode = #tpu.pipeline_mode<synchronous>, transform_indices = @transform_4, window_bounds = array<i64: 128, 128>}, {pipeline_mode = #tpu.pipeline_mode<synchronous>, transform_indices = @transform_5, window_bounds = array<i64: 1, 128>}, {transform_indices = @transform_6, window_bounds = array<i64: 2048, 128>}]} {
    %get3A = arith.constant 0 : index
    %get3A_0 = arith.constant 0 : index
    %get3A_1 = vector.load %arg4[%get3A, %get3A_0] : memref<2048x1xf32, #tpu.memory_space<vmem>>, vector<2048x1xf32>
    %get3A_2 = arith.constant 0 : index
    %get3A_3 = arith.constant 0 : index
    %get3A_4 = vector.load %arg1[%get3A_2, %get3A_3] : memref<2048x128xf32, #tpu.memory_space<vmem>>, vector<2048x128xf32>
    %get3A_5 = arith.constant 0 : index
    %get3A_6 = arith.constant 0 : index
    %get3A_7 = vector.load %arg2[%get3A_5, %get3A_6] : memref<2048x128xf32, #tpu.memory_space<vmem>>, vector<2048x128xf32>
    %add3A = arith.addf %get3A_4, %get3A_7 : vector<2048x128xf32>
    %get3A_8 = arith.constant 0 : index
    %get3A_9 = arith.constant 0 : index
    %get3A_10 = vector.load %arg3[%get3A_8, %get3A_9] : memref<2048x128xf32, #tpu.memory_space<vmem>>, vector<2048x128xf32>
    %sub3A = arith.subf %add3A, %get3A_10 : vector<2048x128xf32>
    %mul3A = vector.broadcast %get3A_1 : vector<2048x1xf32> to vector<2048x128xf32>
    %mul3A_11 = arith.mulf %mul3A, %sub3A : vector<2048x128xf32>
    %max3A = arith.constant 0.000000e+00 : f32
    %max3A_12 = vector.broadcast %max3A : f32 to vector<2048x128xf32>
    %max3A_13 = arith.maximumf %mul3A_11, %max3A_12 : vector<2048x128xf32>
    %get3A_14 = arith.constant 0 : index
    %get3A_15 = arith.constant 0 : index
    %get3A_16 = vector.load %arg5[%get3A_14, %get3A_15] : memref<128x128xf32, #tpu.memory_space<vmem>>, vector<128x128xf32>
    %dot_general3A = arith.constant dense<0.000000e+00> : vector<2048x128xf32>
    %dot_general3A_17 = tpu.matmul %max3A_13, %get3A_16, %dot_general3A {dimension_numbers = #tpu.dot_dimension_numbers<[1], [0], [0], [1], [0, 0, 1, 1], [], []>, transpose_lhs_hint = false} : vector<2048x128xf32>, vector<128x128xf32>, vector<2048x128xf32> -> vector<2048x128xf32>
    %get3A_18 = arith.constant 0 : index
    %get3A_19 = arith.constant 0 : index
    %get3A_20 = vector.load %arg6[%get3A_18, %get3A_19] : memref<1x128xf32, #tpu.memory_space<vmem>>, vector<1x128xf32>
    %add3A_21 = vector.broadcast %get3A_20 : vector<1x128xf32> to vector<2048x128xf32>
    %add3A_22 = arith.addf %dot_general3A_17, %add3A_21 : vector<2048x128xf32>
    %mul3A_23 = vector.broadcast %get3A_1 : vector<2048x1xf32> to vector<2048x128xf32>
    %mul3A_24 = arith.mulf %mul3A_23, %add3A_22 : vector<2048x128xf32>
    %swap3A = arith.constant 0 : index
    %swap3A_25 = arith.constant 0 : index
    %swap3A_26 = vector.load %arg7[%swap3A, %swap3A_25] : memref<2048x128xf32, #tpu.memory_space<vmem>>, vector<2048x128xf32>
    tpu.vector_store %arg7[%swap3A, %swap3A_25], %mul3A_24 {strides = array<i32>} : memref<2048x128xf32, #tpu.memory_space<vmem>>, vector<2048x128xf32>,
    return
  }
  func.func @transform_0(%arg0: i32) -> (i32, i32) {
    %c0_i32 = arith.constant 0 : i32
    %c0_i32_0 = arith.constant 0 : i32
    return %arg0, %c0_i32 : i32, i32
  }
  func.func @transform_1(%arg0: i32) -> (i32, i32) {
    %c0_i32 = arith.constant 0 : i32
    %c0_i32_0 = arith.constant 0 : i32
    return %arg0, %c0_i32 : i32, i32
  }
  func.func @transform_2(%arg0: i32) -> (i32, i32) {
    %c0_i32 = arith.constant 0 : i32
    %c0_i32_0 = arith.constant 0 : i32
    return %arg0, %c0_i32 : i32, i32
  }
  func.func @transform_3(%arg0: i32) -> (i32, i32) {
    %c0_i32 = arith.constant 0 : i32
    %c0_i32_0 = arith.constant 0 : i32
    return %arg0, %c0_i32 : i32, i32
  }
  func.func @transform_4(%arg0: i32) -> (i32, i32) {
    %c0_i32 = arith.constant 0 : i32
    %c0_i32_0 = arith.constant 0 : i32
    %c0_i32_1 = arith.constant 0 : i32
    return %c0_i32, %c0_i32_0 : i32, i32
  }
  func.func @transform_5(%arg0: i32) -> (i32, i32) {
    %c0_i32 = arith.constant 0 : i32
    %c0_i32_0 = arith.constant 0 : i32
    %c0_i32_1 = arith.constant 0 : i32
    return %c0_i32, %c0_i32_0 : i32, i32
  }
  func.func @transform_6(%arg0: i32) -> (i32, i32) {
    %c0_i32 = arith.constant 0 : i32
    %c0_i32_0 = arith.constant 0 : i32
    return %arg0, %c0_i32 : i32, i32
  }
}

module attributes {stable_mosaic.version = 14 : i64} {
  func.func @body(%arg0: i32, %arg1: memref<2048x128xf32, #tpu.memory_space<vmem>>, %arg2: memref<2048x128xf32, #tpu.memory_space<vmem>>, %arg3: memref<2048x128xf32, #tpu.memory_space<vmem>>, %arg4: memref<2048x1xf32, #tpu.memory_space<vmem>>, %arg5: memref<2048x40xf32, #tpu.memory_space<vmem>>) attributes {dimension_semantics = [#tpu.dimension_semantics<arbitrary>], iteration_bounds = array<i64: 5>, scalar_prefetch = 0 : i64, scratch_operands = 0 : i64, tpu.core_type = #tpu.core_type<tc>, window_params = [{transform_indices = @transform_0, window_bounds = array<i64: 2048, 128>}, {transform_indices = @transform_1, window_bounds = array<i64: 2048, 128>}, {transform_indices = @transform_2, window_bounds = array<i64: 2048, 128>}, {transform_indices = @transform_3, window_bounds = array<i64: 2048, 1>}, {transform_indices = @transform_4, window_bounds = array<i64: 2048, 40>}]} {
    %get3A = arith.constant 0 : index
    %get3A_0 = arith.constant 0 : index
    %get3A_1 = vector.load %arg4[%get3A, %get3A_0] : memref<2048x1xf32, #tpu.memory_space<vmem>>, vector<2048x1xf32>
    %get3A_2 = arith.constant 0 : index
    %get3A_3 = arith.constant 0 : index
    %get3A_4 = vector.load %arg1[%get3A_2, %get3A_3] : memref<2048x128xf32, #tpu.memory_space<vmem>>, vector<2048x128xf32>
    %get3A_5 = arith.constant 0 : index
    %get3A_6 = arith.constant 0 : index
    %get3A_7 = vector.load %arg2[%get3A_5, %get3A_6] : memref<2048x128xf32, #tpu.memory_space<vmem>>, vector<2048x128xf32>
    %add3A = arith.addf %get3A_4, %get3A_7 : vector<2048x128xf32>
    %get3A_8 = arith.constant 0 : index
    %get3A_9 = arith.constant 0 : index
    %get3A_10 = vector.load %arg3[%get3A_8, %get3A_9] : memref<2048x128xf32, #tpu.memory_space<vmem>>, vector<2048x128xf32>
    %sub3A = arith.subf %add3A, %get3A_10 : vector<2048x128xf32>
    %mul3A = vector.broadcast %get3A_1 : vector<2048x1xf32> to vector<2048x128xf32>
    %mul3A_11 = arith.mulf %mul3A, %sub3A : vector<2048x128xf32>
    %iota3A = tpu.iota {dimensions = array<i32: 1>} : vector<2048x128xi32>
    %lt3A = arith.constant 40 : i32
    %lt3A_12 = vector.broadcast %lt3A : i32 to vector<2048x128xi32>
    %lt3A_13 = arith.cmpi slt, %iota3A, %lt3A_12 : vector<2048x128xi32>
    %jit3A = arith.constant 0xFF800000 : f32
    %broadcast_in_dim3A = vector.broadcast %jit3A : f32 to vector<2048x128xf32>
    %select_n3A = arith.select %lt3A_13, %mul3A_11, %broadcast_in_dim3A : vector<2048x128xi1>, vector<2048x128xf32>
    %reduce_max3A = arith.constant dense<0xFF800000> : vector<2048xf32>
    %reduce_max3A_14 = vector.multi_reduction <maximumf>, %select_n3A, %reduce_max3A [1] : vector<2048x128xf32> to vector<2048xf32>
    %broadcast_in_dim3A_15 = vector.shape_cast %reduce_max3A_14 : vector<2048xf32> to vector<2048x1xf32>
    %sub3A_16 = vector.broadcast %broadcast_in_dim3A_15 : vector<2048x1xf32> to vector<2048x128xf32>
    %sub3A_17 = arith.subf %mul3A_11, %sub3A_16 : vector<2048x128xf32>
    %exp3A = math.exp %sub3A_17 : vector<2048x128xf32>
    %jit3A_18 = arith.constant 0.000000e+00 : f32
    %broadcast_in_dim3A_19 = vector.broadcast %jit3A_18 : f32 to vector<2048x128xf32>
    %select_n3A_20 = arith.select %lt3A_13, %exp3A, %broadcast_in_dim3A_19 : vector<2048x128xi1>, vector<2048x128xf32>
    %reduce_sum3A = arith.constant dense<0.000000e+00> : vector<2048xf32>
    %reduce_sum3A_21 = vector.multi_reduction <add>, %select_n3A_20, %reduce_sum3A [1] : vector<2048x128xf32> to vector<2048xf32>
    %broadcast_in_dim3A_22 = vector.shape_cast %reduce_sum3A_21 : vector<2048xf32> to vector<2048x1xf32>
    %log3A = math.log %broadcast_in_dim3A_22 : vector<2048x1xf32>
    %add3A_23 = arith.addf %broadcast_in_dim3A_15, %log3A : vector<2048x1xf32>
    %sub3A_24 = vector.broadcast %add3A_23 : vector<2048x1xf32> to vector<2048x128xf32>
    %sub3A_25 = arith.subf %mul3A_11, %sub3A_24 : vector<2048x128xf32>
    %slice3A = vector.extract_strided_slice %sub3A_25 {offsets = [0, 0], sizes = [2048, 40], strides = [1, 1]} : vector<2048x128xf32> to vector<2048x40xf32>
    %swap3A = arith.constant 0 : index
    %swap3A_26 = arith.constant 0 : index
    %swap3A_27 = vector.load %arg5[%swap3A, %swap3A_26] : memref<2048x40xf32, #tpu.memory_space<vmem>>, vector<2048x40xf32>
    tpu.vector_store %arg5[%swap3A, %swap3A_26], %slice3A {strides = array<i32>} : memref<2048x40xf32, #tpu.memory_space<vmem>>, vector<2048x40xf32>,
    return
  }
  func.func @transform_0(%arg0: i32) -> (i32, i32) {
    %c0_i32 = arith.constant 0 : i32
    %c0_i32_0 = arith.constant 0 : i32
    return %arg0, %c0_i32 : i32, i32
  }
  func.func @transform_1(%arg0: i32) -> (i32, i32) {
    %c0_i32 = arith.constant 0 : i32
    %c0_i32_0 = arith.constant 0 : i32
    return %arg0, %c0_i32 : i32, i32
  }
  func.func @transform_2(%arg0: i32) -> (i32, i32) {
    %c0_i32 = arith.constant 0 : i32
    %c0_i32_0 = arith.constant 0 : i32
    return %arg0, %c0_i32 : i32, i32
  }
  func.func @transform_3(%arg0: i32) -> (i32, i32) {
    %c0_i32 = arith.constant 0 : i32
    %c0_i32_0 = arith.constant 0 : i32
    return %arg0, %c0_i32 : i32, i32
  }
  func.func @transform_4(%arg0: i32) -> (i32, i32) {
    %c0_i32 = arith.constant 0 : i32
    %c0_i32_0 = arith.constant 0 : i32
    return %arg0, %c0_i32 : i32, i32
  }
}

</mosaic_0001>

<sc_bundles>
// kernel: kernel.12.cloned.1.call-start
scs
__scs_entry_jumppad:
0x0: {  	(pc) =	sbr.rel $0x88, $3  }
0x1: {  	(tag) =	ssettag $0x0;
	lr =	simm.s32 $0x1  }
0x2: {  	[smem:$0x3F9B] =	sst lr;
	_ =	strace $0xD0000000  }
0x3: {  	_ = 	snop  }
0x4: {  	_ = 	snop  }
0x5: {  	_ = 	snop  }
0x6: {  	_ = 	snop  }
0x7: {  	_ = 	snop  }
__scs_overlays_trampoline_lowered:
0x8: {  	[smem:$0x3FAA] =	sst s0  }
0x9: {  	[smem:$0x3FAB] =	sst s1  }
0xa: {  	[smem:$0x3FAC] =	sst s2  }
0xb: {  	[smem:$0x3FAD] =	sst s3  }
0xc: {  	[smem:$0x3FAE] =	sst s4  }
0xd: {  	[smem:$0x3FAF] =	sst s5  }
0xe: {  	[smem:$0x3FB0] =	sst s6  }
0xf: {  	[smem:$0x3FB1] =	sst s7  }
0x10: {  	[smem:$0x3FB2] =	sst s8  }
0x11: {  	[smem:$0x3FB3] =	sst s9;
	s0 =	simm.s32 @!p0 $0x0  }
0x12: {  	s1 =	sld [smem:$0x3F99];
	s0 =	simm.s32 @p0 $0x1  }
0x13: {  	[smem:$0x3FB4] =	sst s0;
	s0 =	simm.s32 @!p1 $0x0  }
0x14: {  	s2 =	sld [smem:$0x3F98];
	s0 =	simm.s32 @p1 $0x1  }
0x15: {  	[smem:$0x3FB5] =	sst s0;
	s0 =	simm.s32 @!p2 $0x0  }
0x16: {  	s3 =	sld [smem:$0x3FDB];
	s0 =	simm.s32 @p2 $0x1  }
0x17: {  	s4 =	simm.s32 $0x1BF5;
	[smem:$0x3FB7] =	sst s0  }
0x18: {  	s0 =	sld [smem:$0x3F9A];
	_ =	swait.ge [sflag:s4], $0x0  }
0x19: {  	s7 =	sld [smem:$0x3F9B]  }
0x1a: {  	s8 =	sadd.s32 $0xFFFFE003, lr  }
0x1b: {  	s9 =	sadd.s32 $0xFFFFFEF7, lr;
	s5 =	simm.s32 $0xFFFFFFFF;
	p2 =	slt.u32 s8, $0xFFFFF086  }
0x1c: {  	p1 =	slt.u32 s9, $0xF7A;
	s5 =	simm.s32 @!p2 $0x0  }
0x1d: {  	s5 =	simm.s32 @p1 $0x1;
	p0 =	seq.s32 s7, s2  }
0x1e: {  	s7 =	smul.u32 @!p0 $0xF7A, s2;
	p2 =	seq.s32 @!p0 s5, $0x0  }
0x1f: {  	s9 =	smul.u32 $0xF7A, s1;
	s8 =	simm.s32 @!p0 $0x1BF5;
	p2 =	por !p2, p0  }
0x20: {  	[sflag:s8] =	ssyncset.s32 @!p0 $0xFFFFF086;
	s6 =	sadd.s32 @!p0 s3, s7;
	s7 =	simm.s32 @!p0 $0x108  }
0x21: {  	s3 =	sadd.s32 s3, s9;
	s6 =	sadd.s32 @!p0 $0x88, s6;
	s7 =	simm.s32 @p2 $0x1082  }
0x22: {  	[simem:s7], [sflag:s8] =	dma.local @!p0 [hbm:s6], $0xF7A  }
0x23: {  	s9 =	sor.u32 $0xD0000000, s2;
	s6 =	simm.s32 $0x108;
	_ =	swait.ge @!p0 [sflag:s8], $0x0  }
0x24: {  	s3 =	sadd.s32 $0x88, s3;
	s6 =	simm.s32 @!p1 $0x1082;
	[sflag:s4] =	ssyncset.s32 $0xFFFFF086  }
0x25: {  	[simem:s6], [sflag:s4] =	dma.local [hbm:s3], $0xF7A  }
0x26: {  	[smem:$0x3F9B] =	sst s1;
	(tag) =	ssettag s2;
	_ =	strace s9  }
0x27: {  	s1 =	sld [smem:$0x3FAB]  }
0x28: {  	s2 =	sld [smem:$0x3FAC]  }
0x29: {  	s4 =	sld [smem:$0x3FAE]  }
0x2a: {  	p0 =	seq.s32 s5, $0x0;
	s5 =	sld [smem:$0x3FAF]  }
0x2b: {  	s6 =	sld [smem:$0x3FB0]  }
0x2c: {  	s7 =	sld [smem:$0x3FB1]  }
0x2d: {  	s3 =	simm.s32 $0x108;
	s8 =	sld [smem:$0x3FB2]  }
0x2e: {  	s3 =	simm.s32 @!p0 $0x1082;
	s9 =	sld [smem:$0x3FB3]  }
0x2f: {  	lr =	sadd.s32 s0, s3;
	s0 =	sld [smem:$0x3FAA]  }
0x30: {  	s3 =	sld [smem:$0x3FAD]  }
0x31: {  	[smem:$0x3FB6] =	sst s10  }
0x32: {  	s10 =	sld [smem:$0x3FB4];
	_ =	sdelay $0x3  }
0x33: {  	p0 =	seq.s32 s10, $0x1;
	s10 =	sld [smem:$0x3FB6];
	_ =	sdelay $0x3  }
0x34: {  	[smem:$0x3FB6] =	sst s10  }
0x35: {  	s10 =	sld [smem:$0x3FB5];
	_ =	sdelay $0x3  }
0x36: {  	p1 =	seq.s32 s10, $0x1;
	s10 =	sld [smem:$0x3FB6];
	_ =	sdelay $0x3  }
0x37: {  	[smem:$0x3FB6] =	sst s10  }
0x38: {  	s10 =	sld [smem:$0x3FB7]  }
0x39: {  	_ = 	snop;
	(pc) =	sbr.ind lr, $3  }
0x3a: {  	_ = 	snop  }
0x3b: {  	_ = 	snop  }
0x3c: {  	p2 =	seq.s32 s10, $0x1;
	s10 =	sld [smem:$0x3FB6]  }
0x3d: {  	_ =	shalt  }
0x3e: {  	_ =	shalt  }
0x3f: {  	_ =	shalt  }
0x40: {  	_ =	shalt  }
0x41: {  	_ =	shalt  }
0x42: {  	_ =	shalt  }
0x43: {  	_ =	shalt  }
0x44: {  	_ =	shalt  }
0x45: {  	_ =	shalt  }
0x46: {  	_ =	shalt  }
0x47: {  	_ =	shalt  }
0x48: {  	_ =	shalt  }
0x49: {  	_ =	shalt  }
0x4a: {  	_ =	shalt  }
0x4b: {  	_ =	shalt  }
0x4c: {  	_ =	shalt  }
0x4d: {  	_ =	shalt  }
0x4e: {  	_ =	shalt  }
0x4f: {  	_ =	shalt  }
0x50: {  	_ =	shalt  }
0x51: {  	_ =	shalt  }
0x52: {  	_ =	shalt  }
0x53: {  	_ =	shalt  }
0x54: {  	_ =	shalt  }
0x55: {  	_ =	shalt  }
0x56: {  	_ =	shalt  }
0x57: {  	_ =	shalt  }
0x58: {  	_ =	shalt  }
0x59: {  	_ =	shalt  }
0x5a: {  	_ =	shalt  }
0x5b: {  	_ =	shalt  }
0x5c: {  	_ =	shalt  }
0x5d: {  	_ =	shalt  }
0x5e: {  	_ =	shalt  }
0x5f: {  	_ =	shalt  }
0x60: {  	_ =	shalt  }
0x61: {  	_ =	shalt  }
0x62: {  	_ =	shalt  }
0x63: {  	_ =	shalt  }
0x64: {  	_ =	shalt  }
0x65: {  	_ =	shalt  }
0x66: {  	_ =	shalt  }
0x67: {  	_ =	shalt  }
0x68: {  	_ =	shalt  }
0x69: {  	_ =	shalt  }
0x6a: {  	_ =	shalt  }
0x6b: {  	_ =	shalt  }
0x6c: {  	_ =	shalt  }
0x6d: {  	_ =	shalt  }
0x6e: {  	_ =	shalt  }
0x6f: {  	_ =	shalt  }
0x70: {  	_ =	shalt  }
0x71: {  	_ =	shalt  }
0x72: {  	_ =	shalt  }
0x73: {  	_ =	shalt  }
0x74: {  	_ =	shalt  }
0x75: {  	_ =	shalt  }
0x76: {  	_ =	shalt  }
0x77: {  	_ =	shalt  }
0x78: {  	_ =	shalt  }
0x79: {  	_ =	shalt  }
0x7a: {  	_ =	shalt  }
0x7b: {  	_ =	shalt  }
0x7c: {  	_ =	shalt  }
0x7d: {  	_ =	shalt  }
0x7e: {  	_ =	shalt  }
0x7f: {  	_ =	shalt  }
0x80: {  	_ =	shalt  }
0x81: {  	_ =	shalt  }
0x82: {  	_ =	shalt  }
0x83: {  	_ =	shalt  }
0x84: {  	_ =	shalt  }
0x85: {  	_ =	shalt  }
0x86: {  	_ =	shalt  }
0x87: {  	_ =	shalt  }
.Lfunc_end0:
.L_simem_size_0:
called_computation.1_lowered:
.L_overlay_start_0:
0x88: {  	s2 =	sld [smem:$0x3FD9]  }
0x89: {  	s3 =	sld [smem:$0x3FFE];
	_ =	sdelay $0x1  }
0x8a: {  	s1 =	srdreg.scid  }
0x8b: {  	s0 =	sand.u32 $0x1, s1  }
0x8c: {  	s16 =	sshll.u32 s0, $0xA;
	s2 =	sadd.s32 s3, s2  }
0x8d: {  	s2 =	sadd.s32 s2, s16  }
0x8e: {  	[smem:$0x3FC2] =	sst s2  }
0x8f: {  	_ = 	snop  }
0x90: {  	(tm) =	ssettm $0x1  }
0x91: {  	s17 =	sld [smem:$0x3FFB];
	_ =	sdelay $0x3  }
0x92: {  	_ =	strace s17  }
0x93: {  	s2 =	sld [smem:$0x3FFC];
	_ =	sdelay $0x3  }
0x94: {  	_ =	strace s2  }
0x95: {  	s2 =	sld [smem:$0x3FFD];
	_ =	sdelay $0x3  }
0x96: {  	_ =	strace s2  }
0x97: {  	_ =	strace $0x8FFFFFFF  }
0x98: {  	s18 =	sld [smem:$0x3FDB];
	_ =	sdelay $0x1  }
0x99: {  	s19 =	simm.s32 $_scs_section_size  }
0x9a: {  	s4 =	simm.s32 $_size__tile_overlayer_lowered;
	s5 =	simm.s32 $_tile_overlayer_lowered  }
0x9b: {  	s22 =	simm.s32 $0x1BFF;
	s21 =	sshll.u32 s5, $0x1;
	s2 =	sadd.s32 s19, s18  }
0x9c: {  	s6 =	simm.s32 $0x0;
	s20 =	sshll.u32 s4, $0x1;
	s4 =	sadd.s32 s21, s2  }
0x9d: {  	[timem:s6], [sflag:s22] =	dma.local [hbm:s4], s20  }
0x9e: {  	_ =	swait.ge [sflag:s22], s20  }
0x9f: {  	s3 =	ssub.s32 $0x0, s20;
	[sflag:s22] =	ssyncset.done $0x0  }
0xa0: {  	[sflag:s22] =	ssyncadd.s32 s3;
	_ =	sdelay $0x1  }
0xa1: {  	s23 =	simm.s32 $0x1B8B  }
0xa2: {  	_ =	swait.ge [sflag:s23], $0x1  }
0xa3: {  	[sflag:s23] =	ssyncset.done $0x0  }
0xa4: {  	s25 =	simm.s32 $0x1B8E;
	s24 =	sld [smem:$0x3FFE];
	[sflag:s23] =	ssyncadd.s32 $0xFFFFFFFF  }
0xa5: {  	s26 =	simm.s32 $execute0_lowered;
	[smem:$0x3FD2] =	sst s25  }
0xa6: {  	s4 =	sshll.u32 s26, $0x1;
	_ =	strace $0x80000049;
	[dreg:$0x1] =	wrdreg $0xFFFFFFFF  }
0xa7: {  	s28 =	simm.s32 $_size_execute0_lowered;
	s2 =	sadd.s32 s2, s4;
	[dreg:$0x0] =	wrdreg $0x0  }
0xa8: {  	s4 =	sshll.u32 s28, $0x1;
	[dreg:$0x2] =	wrdreg s2  }
0xa9: {  	[dreg:$0x3] =	wrdreg s4  }
0xaa: {  	[dreg:$0x4] =	wrdreg $0xC0  }
0xab: {  	_ =	task [dreg:s6], $0x5FFFF  }
0xac: {  	[dreg:$0x1] =	wrdreg $0xFFFFFFFF  }
0xad: {  	[dreg:$0x0] =	wrdreg $0x60  }
0xae: {  	[dreg:$0x2] =	wrdreg s24  }
0xaf: {  	[dreg:$0x3] =	wrdreg $0xAB000  }
0xb0: {  	[dreg:$0x4] =	wrdreg $0x9  }
0xb1: {  	_ =	task.clear_ibuf [dreg:s6], $0x5FFFF;
	_ =	strace $0x90000049  }
0xb2: {  	s29 =	simm.s32 $0x9;
	_ =	strace $0x8000004B  }
0xb3: {  	_ =	swait.ge [sflag:s29], $0x1  }
0xb4: {  	[sflag:s29] =	ssyncadd.s32 $0xFFFFFFFF  }
0xb5: {  	_ =	strace $0x9000004B  }
0xb6: {  	_ =	sfence  }
0xb7: {  	s30 =	sld [smem:$0x0];
	_ =	sdelay $0x2  }
0xb8: {  	s31 =	sshll.u32 s1, $0xD;
	s1 =	sshrl.u32 s1, $0x2  }
0xb9: {  	s3 =	sand.u32 $0x4000, s31;
	s1 =	sadd.s32 s1, s30  }
0xba: {  	s0 =	sor.u32 s3, s0;
	s1 =	sshll.u32 s1, $0x11  }
0xbb: {  	s0 =	sor.u32 s1, s0  }
0xbc: {  	s0 =	sadd.s32 $0x8F2B, s0  }
0xbd: {  	[sflag:s0] =	ssyncadd.remote.s32 $0x1  }
0xbe: {  	_ =	sfence.sel $0xFFFF  }
0xbf: {  	[dreg:$0x0] =	wrdreg $0xFFFFFFFF;
	(pc) =	sbr.abs _section_cstart, $3  }
0xc0: {  	[dreg:$0x1] =	wrdreg $0xFFFFFFFF  }
0xc1: {  	_ =	task.clear_ibuf [dreg:s6], $0x2FFFF;
	_ =	strace $0x9FFFFFFF  }
0xc2: {  	(tm) =	ssettm $0x7FFFFFFF  }
0xc3: {  	_ =	shalt  }
tec
execute0_lowered:
.L_overlay_start_1:
0x0: {  	(tag) =	ssettag $0x1  }
0x1: {  	s1 =	rddreg [dreg:$0x0];
	s3 =	srdreg.scid  }
0x2: {  	s0 =	stileid.u32;
	s2 =	rddreg [dreg:$0x1]  }
0x3: {  	s12 =	simm.s32 $0x100;
	s14 =	simm.s32 $0x200;
	s15 =	simm.s32 $0x1  }
0x4: {  	s16 =	simm.s32 $0x70;
	s17 =	simm.s32 $0x300;
	s18 =	simm.s32 $0x2  }
0x5: {  	s19 =	simm.s32 $0x3B00;
	s20 =	simm.s32 $0x4;
	s21 =	simm.s32 $0x80  }
0x6: {  	s22 =	simm.s32 $0x3;
	s28 =	simm.s32 $0x6;
	s29 =	simm.s32 $0x280  }
0x7: {  	s30 =	simm.s32 $0x0;
	s5 =	sand.u32 $0x1, s3;
	s23 =	smul.u32 $0x50000, s0  }
0x8: {  	s4 =	sshll.u32 s0, $0x1;
	s3 =	simm.s32 $0x0;
	s24 =	smul.u32 $0x2800, s0  }
0x9: {  	s31 =	sshll.u32 s0, $0x6;
	s4 =	sor.u32 s5, s4;
	s7 =	smul.u32 $0x28000, s5  }
0xa: {  	[smem:$0x7FF] =	sst s3;
	s5 =	ssub.s32 $0x2, s5;
	s6 =	smul.u32 $0xB40, s4  }
0xb: {  	_ =	strace $0x8000004A;
	s4 =	sadd.s32 $0x2E00, s1;
	s25 =	sshrl.u32 s5, $0x1  }
0xc: {  	s26 =	sshrl.u32 s23, $0x2;
	s23 =	simm.s32 $0x7300;
	s9 =	ssub.s32 s5, s25  }
0xd: {  	s10 =	sadd.s32 s26, s2;
	s5 =	sadd.s32 s4, s24;
	s25 =	simm.s32 $0x5  }
0xe: {  	s26 =	simm.s32 $0x180;
	s8 =	sadd.s32 s6, s1;
	s1 =	sadd.s32 s7, s1  }
0xf: {  	s6 =	sor.u32 $0x1C07, s31;
	s7 =	sadd.s32 $0x52E00, s8;
	s1 =	sadd.s32 $0x69600, s1  }
0x10: {  	s8 =	smax.u32 s9, $0x1;
	s9 =	sshrl.u32 s10, $0x3;
	s10 =	simm.s32 $0x7  }
0x11: {  	s11 =	sadd.s32 $0x20, s7;
	s13 =	sadd.s32 $0x40, s7;
	s24 =	sadd.s32 s24, s1  }
.LBB2_1:
0x12: {  	[spmem:s9], [sflag:s6] =	dma.local [hbm:s5], $0x2800  }
0x13: {  	_ =	swait.ge [sflag:s10], $0x2800  }
0x14: {  	[sflag:s10] =	ssyncset.done $0x0  }
0x15: {  	[sflag:s10] =	ssyncadd.s32 $0xFFFFD800  }
0x16: {  	[bflag:$0x0] =	sbarrier.arrive $0xFFFF  }
0x17: {  	[tilespmem:s3], [sflag:$0x1] =	stream.linear.gather [hbm4b:s7+s3], $0x100, $0x38;
	[tilespmem:$0x1EB00] =	vst v63  }
0x18: {  	_ = 	snop  }
0x19: {  	[tilespmem:s12], [sflag:$0x2] =	stream.linear.gather [hbm4b:s11+s3], $0x100, $0x38;
	[tilespmem:$0x1EB00] =	vst v63  }
0x1a: {  	_ = 	snop  }
0x1b: {  	[tilespmem:s14], [sflag:$0x3] =	stream.linear.gather [hbm4b:s13+s3], $0x100, $0x38;
	[tilespmem:$0x1EB00] =	vst v63  }
0x1c: {  	_ =	swait.ge [sflag:s15], $0x100  }
0x1d: {  	[sflag:s15] =	ssyncset.done $0x0  }
0x1e: {  	[sflag:s15] =	ssyncadd.s32 $0xFFFFFF00  }
0x1f: {  	[tilespmem:s17], [sflag:$0x4] =	stream.indirect.gather [hbm4b:s4+s16], $0x80, s3, s16, $0xb8;
	[tilespmem:$0x1EB00] =	vst v63  }
0x20: {  	_ =	swait.ge [sflag:s18], $0x100  }
0x21: {  	[sflag:s18] =	ssyncset.done $0x0  }
0x22: {  	[sflag:s18] =	ssyncadd.s32 $0xFFFFFF00  }
0x23: {  	[tilespmem:s19], [sflag:$0x5] =	stream.indirect.gather [hbm4b:s4+s16], $0x80, s12, s16, $0xb8;
	[tilespmem:$0x1EB00] =	vst v63  }
0x24: {  	_ =	swait.ge [sflag:s20], $0x3800  }
0x25: {  	[sflag:s20] =	ssyncset.done $0x0  }
0x26: {  	[sflag:s20] =	ssyncadd.s32 $0xFFFFC800  }
0x27: {  	[spmem:s2] =	stream.indirect.scatter.add.f32 [tilespmem:s17], [sflag:$0x7], $0x80, s21, s16, $0xb8;
	[tilespmem:$0x1EB00] =	vst v63  }
0x28: {  	_ =	swait.ge [sflag:s10], $0x3800  }
0x29: {  	s1 =	sadd.s32 $0xFFFFF580, s7;
	[sflag:s10] =	ssyncset.done $0x0  }
0x2a: {  	s31 =	sadd.s32 $0xAE0, s1;
	[sflag:s10] =	ssyncadd.s32 $0xFFFFC800  }
0x2b: {  	[tilespmem:s3], [sflag:$0x1] =	stream.linear.gather [hbm4b:s31+s3], $0x100, $0x38;
	[tilespmem:$0x1EB00] =	vst v63  }
0x2c: {  	_ =	swait.ge [sflag:s22], $0x100  }
0x2d: {  	[sflag:s22] =	ssyncset.done $0x0  }
0x2e: {  	[sflag:s22] =	ssyncadd.s32 $0xFFFFFF00  }
0x2f: {  	[tilespmem:s23], [sflag:$0x6] =	stream.indirect.gather [hbm4b:s4+s16], $0x80, s14, s16, $0xb8;
	[tilespmem:$0x1EB00] =	vst v63  }
0x30: {  	_ =	swait.ge [sflag:s25], $0x3800  }
0x31: {  	[sflag:s25] =	ssyncset.done $0x0  }
0x32: {  	[sflag:s25] =	ssyncadd.s32 $0xFFFFC800  }
0x33: {  	[spmem:s2] =	stream.indirect.scatter.add.f32 [tilespmem:s19], [sflag:$0x7], $0x80, s26, s16, $0xb8;
	[tilespmem:$0x1EB00] =	vst v63  }
0x34: {  	_ =	swait.ge [sflag:s10], $0x3800  }
0x35: {  	[sflag:s10] =	ssyncset.done $0x0  }
0x36: {  	s31 =	sadd.s32 $0xB00, s1;
	[sflag:s10] =	ssyncadd.s32 $0xFFFFC800  }
0x37: {  	[tilespmem:s12], [sflag:$0x2] =	stream.linear.gather [hbm4b:s31+s3], $0x100, $0x38;
	[tilespmem:$0x1EB00] =	vst v63  }
0x38: {  	_ =	swait.ge [sflag:s15], $0x100  }
0x39: {  	[sflag:s15] =	ssyncset.done $0x0  }
0x3a: {  	[sflag:s15] =	ssyncadd.s32 $0xFFFFFF00  }
0x3b: {  	[tilespmem:s17], [sflag:$0x4] =	stream.indirect.gather [hbm4b:s4+s16], $0x80, s3, s16, $0xb8;
	[tilespmem:$0x1EB00] =	vst v63  }
0x3c: {  	_ =	swait.ge [sflag:s28], $0x3800  }
0x3d: {  	[sflag:s28] =	ssyncset.done $0x0  }
0x3e: {  	[sflag:s28] =	ssyncadd.s32 $0xFFFFC800  }
0x3f: {  	[spmem:s2] =	stream.indirect.scatter.add.f32 [tilespmem:s23], [sflag:$0x7], $0x80, s29, s16, $0xb8;
	[tilespmem:$0x1EB00] =	vst v63  }
0x40: {  	_ =	swait.ge [sflag:s10], $0x3800  }
0x41: {  	[sflag:s10] =	ssyncset.done $0x0  }
0x42: {  	s1 =	sadd.s32 $0xB20, s1;
	s31 =	simm.s32 $0xFFFFF5E0;
	[sflag:s10] =	ssyncadd.s32 $0xFFFFC800  }
.LBB2_2:
0x43: {  	[tilespmem:s14], [sflag:$0x3] =	stream.linear.gather [hbm4b:s1+s3], $0x100, $0x38;
	[tilespmem:$0x1EB00] =	vst v63  }
0x44: {  	s1 =	smov.u32 s31  }
0x45: {  	p0 =	sne.s32 s31, $0xFFFFFFA0;
	s31 =	sadd.s32 $0x60, s31;
	_ =	swait.ge [sflag:s18], $0x100  }
0x46: {  	[sflag:s18] =	ssyncset.done $0x0  }
0x47: {  	[sflag:s18] =	ssyncadd.s32 $0xFFFFFF00  }
0x48: {  	[tilespmem:s19], [sflag:$0x5] =	stream.indirect.gather [hbm4b:s4+s16], $0x80, s12, s16, $0xb8;
	[tilespmem:$0x1EB00] =	vst v63  }
0x49: {  	_ =	swait.ge [sflag:s20], $0x3800  }
0x4a: {  	[sflag:s20] =	ssyncset.done $0x0  }
0x4b: {  	[sflag:s20] =	ssyncadd.s32 $0xFFFFC800  }
0x4c: {  	[spmem:s2] =	stream.indirect.scatter.add.f32 [tilespmem:s17], [sflag:$0x7], $0x80, s21, s16, $0xb8;
	[tilespmem:$0x1EB00] =	vst v63  }
0x4d: {  	_ =	swait.ge [sflag:s10], $0x3800  }
0x4e: {  	s1 =	sadd.s32 s1, s7;
	[sflag:s10] =	ssyncset.done $0x0  }
0x4f: {  	s0 =	sadd.s32 $0xAE0, s1;
	[sflag:s10] =	ssyncadd.s32 $0xFFFFC800  }
0x50: {  	[tilespmem:s3], [sflag:$0x1] =	stream.linear.gather [hbm4b:s0+s3], $0x100, $0x38;
	[tilespmem:$0x1EB00] =	vst v63  }
0x51: {  	_ =	swait.ge [sflag:s22], $0x100  }
0x52: {  	[sflag:s22] =	ssyncset.done $0x0  }
0x53: {  	[sflag:s22] =	ssyncadd.s32 $0xFFFFFF00  }
0x54: {  	[tilespmem:s23], [sflag:$0x6] =	stream.indirect.gather [hbm4b:s4+s16], $0x80, s14, s16, $0xb8;
	[tilespmem:$0x1EB00] =	vst v63  }
0x55: {  	_ =	swait.ge [sflag:s25], $0x3800  }
0x56: {  	[sflag:s25] =	ssyncset.done $0x0  }
0x57: {  	[sflag:s25] =	ssyncadd.s32 $0xFFFFC800  }
0x58: {  	[spmem:s2] =	stream.indirect.scatter.add.f32 [tilespmem:s19], [sflag:$0x7], $0x80, s26, s16, $0xb8;
	[tilespmem:$0x1EB00] =	vst v63  }
0x59: {  	_ =	swait.ge [sflag:s10], $0x3800  }
0x5a: {  	[sflag:s10] =	ssyncset.done $0x0  }
0x5b: {  	s0 =	sadd.s32 $0xB00, s1;
	[sflag:s10] =	ssyncadd.s32 $0xFFFFC800  }
0x5c: {  	[tilespmem:s12], [sflag:$0x2] =	stream.linear.gather [hbm4b:s0+s3], $0x100, $0x38;
	[tilespmem:$0x1EB00] =	vst v63  }
0x5d: {  	_ =	swait.ge [sflag:s15], $0x100  }
0x5e: {  	[sflag:s15] =	ssyncset.done $0x0  }
0x5f: {  	[sflag:s15] =	ssyncadd.s32 $0xFFFFFF00  }
0x60: {  	[tilespmem:s17], [sflag:$0x4] =	stream.indirect.gather [hbm4b:s4+s16], $0x80, s3, s16, $0xb8;
	[tilespmem:$0x1EB00] =	vst v63  }
0x61: {  	_ =	swait.ge [sflag:s28], $0x3800  }
0x62: {  	[sflag:s28] =	ssyncset.done $0x0  }
.Ltmp0:
0x63: {  	[sflag:s28] =	ssyncadd.s32 $0xFFFFC800;
	(pc) =	sbr.rel @p0 .LBB2_2-.Ltmp0, $4  }
0x64: {  	[spmem:s2] =	stream.indirect.scatter.add.f32 [tilespmem:s23], [sflag:$0x7], $0x80, s29, s16, $0xb8;
	[tilespmem:$0x1EB00] =	vst v63  }
0x65: {  	_ =	swait.ge [sflag:s10], $0x3800  }
0x66: {  	[sflag:s10] =	ssyncset.done $0x0  }
0x67: {  	s1 =	sadd.s32 $0xB20, s1;
	[sflag:s10] =	ssyncadd.s32 $0xFFFFC800  }
0x68: {  	[tilespmem:s14], [sflag:$0x3] =	stream.linear.gather [hbm4b:s1+s3], $0x100, $0x38;
	[tilespmem:$0x1EB00] =	vst v63  }
0x69: {  	_ =	swait.ge [sflag:s18], $0x100  }
0x6a: {  	[sflag:s18] =	ssyncset.done $0x0  }
0x6b: {  	[sflag:s18] =	ssyncadd.s32 $0xFFFFFF00  }
0x6c: {  	[tilespmem:s19], [sflag:$0x5] =	stream.indirect.gather [hbm4b:s4+s16], $0x80, s12, s16, $0xb8;
	[tilespmem:$0x1EB00] =	vst v63  }
0x6d: {  	_ =	swait.ge [sflag:s20], $0x3800  }
0x6e: {  	[sflag:s20] =	ssyncset.done $0x0  }
0x6f: {  	[sflag:s20] =	ssyncadd.s32 $0xFFFFC800  }
0x70: {  	[spmem:s2] =	stream.indirect.scatter.add.f32 [tilespmem:s17], [sflag:$0x7], $0x80, s21, s16, $0xb8;
	[tilespmem:$0x1EB00] =	vst v63  }
0x71: {  	_ =	swait.ge [sflag:s10], $0x3800  }
0x72: {  	[sflag:s10] =	ssyncset.done $0x0  }
0x73: {  	s0 =	sadd.s32 $0xAE0, s7;
	[sflag:s10] =	ssyncadd.s32 $0xFFFFC800  }
0x74: {  	[tilespmem:s3], [sflag:$0x1] =	stream.linear.gather [hbm4b:s0+s3], $0x100, $0x38;
	[tilespmem:$0x1EB00] =	vst v63  }
0x75: {  	_ =	swait.ge [sflag:s22], $0x100  }
0x76: {  	[sflag:s22] =	ssyncset.done $0x0  }
0x77: {  	[sflag:s22] =	ssyncadd.s32 $0xFFFFFF00  }
0x78: {  	[tilespmem:s23], [sflag:$0x6] =	stream.indirect.gather [hbm4b:s4+s16], $0x80, s14, s16, $0xb8;
	[tilespmem:$0x1EB00] =	vst v63  }
0x79: {  	_ =	swait.ge [sflag:s25], $0x3800  }
0x7a: {  	[sflag:s25] =	ssyncset.done $0x0  }
0x7b: {  	[sflag:s25] =	ssyncadd.s32 $0xFFFFC800  }
0x7c: {  	[spmem:s2] =	stream.indirect.scatter.add.f32 [tilespmem:s19], [sflag:$0x7], $0x80, s26, s16, $0xb8;
	[tilespmem:$0x1EB00] =	vst v63  }
0x7d: {  	_ =	swait.ge [sflag:s10], $0x3800  }
0x7e: {  	[sflag:s10] =	ssyncset.done $0x0  }
0x7f: {  	s1 =	sadd.s32 $0xB00, s7;
	[sflag:s10] =	ssyncadd.s32 $0xFFFFC800  }
0x80: {  	[tilespmem:s12], [sflag:$0x2] =	stream.linear.gather [hbm4b:s1+s3], $0x100, $0x38;
	[tilespmem:$0x1EB00] =	vst v63  }
0x81: {  	_ =	swait.ge [sflag:s15], $0x100  }
0x82: {  	[sflag:s15] =	ssyncset.done $0x0  }
0x83: {  	[sflag:s15] =	ssyncadd.s32 $0xFFFFFF00  }
0x84: {  	[tilespmem:s17], [sflag:$0x4] =	stream.indirect.gather [hbm4b:s4+s16], $0x80, s3, s16, $0xb8;
	[tilespmem:$0x1EB00] =	vst v63  }
0x85: {  	_ =	swait.ge [sflag:s28], $0x3800  }
0x86: {  	[sflag:s28] =	ssyncset.done $0x0  }
0x87: {  	[sflag:s28] =	ssyncadd.s32 $0xFFFFC800  }
0x88: {  	[spmem:s2] =	stream.indirect.scatter.add.f32 [tilespmem:s23], [sflag:$0x7], $0x80, s29, s16, $0xb8;
	[tilespmem:$0x1EB00] =	vst v63  }
0x89: {  	_ =	swait.ge [sflag:s10], $0x3800  }
0x8a: {  	[sflag:s10] =	ssyncset.done $0x0  }
0x8b: {  	s31 =	sadd.s32 $0xB20, s7;
	[sflag:s10] =	ssyncadd.s32 $0xFFFFC800  }
0x8c: {  	[tilespmem:s14], [sflag:$0x3] =	stream.linear.gather [hbm4b:s31+s3], $0x100, $0x38;
	[tilespmem:$0x1EB00] =	vst v63  }
0x8d: {  	_ =	swait.ge [sflag:s18], $0x100  }
0x8e: {  	[sflag:s18] =	ssyncset.done $0x0  }
0x8f: {  	[sflag:s18] =	ssyncadd.s32 $0xFFFFFF00  }
0x90: {  	[tilespmem:s19], [sflag:$0x5] =	stream.indirect.gather [hbm4b:s4+s16], $0x80, s12, s16, $0xb8;
	[tilespmem:$0x1EB00] =	vst v63  }
0x91: {  	_ =	swait.ge [sflag:s20], $0x3800  }
0x92: {  	[sflag:s20] =	ssyncset.done $0x0  }
0x93: {  	[sflag:s20] =	ssyncadd.s32 $0xFFFFC800  }
0x94: {  	[spmem:s2] =	stream.indirect.scatter.add.f32 [tilespmem:s17], [sflag:$0x7], $0x80, s21, s16, $0xb8;
	[tilespmem:$0x1EB00] =	vst v63  }
0x95: {  	_ =	swait.ge [sflag:s10], $0x3800  }
0x96: {  	[sflag:s10] =	ssyncset.done $0x0  }
0x97: {  	[sflag:s10] =	ssyncadd.s32 $0xFFFFC800  }
0x98: {  	[tilespmem:s3], [sflag:$0x1] =	stream.linear.gather [hbm4b:s31+s3], $0x100, $0x38;
	[tilespmem:$0x1EB00] =	vst v63  }
0x99: {  	_ =	swait.ge [sflag:s22], $0x100  }
0x9a: {  	[sflag:s22] =	ssyncset.done $0x0  }
0x9b: {  	[sflag:s22] =	ssyncadd.s32 $0xFFFFFF00  }
0x9c: {  	[tilespmem:s23], [sflag:$0x6] =	stream.indirect.gather [hbm4b:s4+s16], $0x80, s14, s16, $0xb8;
	[tilespmem:$0x1EB00] =	vst v63  }
0x9d: {  	_ =	swait.ge [sflag:s25], $0x3800  }
0x9e: {  	[sflag:s25] =	ssyncset.done $0x0  }
0x9f: {  	[sflag:s25] =	ssyncadd.s32 $0xFFFFC800  }
0xa0: {  	[spmem:s2] =	stream.indirect.scatter.add.f32 [tilespmem:s19], [sflag:$0x7], $0x80, s26, s16, $0xb8;
	[tilespmem:$0x1EB00] =	vst v63  }
0xa1: {  	_ =	swait.ge [sflag:s10], $0x3800  }
0xa2: {  	[sflag:s10] =	ssyncset.done $0x0  }
0xa3: {  	[sflag:s10] =	ssyncadd.s32 $0xFFFFC800  }
0xa4: {  	[tilespmem:s12], [sflag:$0x2] =	stream.linear.gather [hbm4b:s31+s3], $0x100, $0x38;
	[tilespmem:$0x1EB00] =	vst v63  }
0xa5: {  	_ =	swait.ge [sflag:s15], $0x100  }
0xa6: {  	[sflag:s15] =	ssyncset.done $0x0  }
0xa7: {  	[sflag:s15] =	ssyncadd.s32 $0xFFFFFF00  }
0xa8: {  	[tilespmem:s17], [sflag:$0x4] =	stream.indirect.gather [hbm4b:s4+s16], $0x80, s3, s16, $0xb8;
	[tilespmem:$0x1EB00] =	vst v63  }
0xa9: {  	_ =	swait.ge [sflag:s28], $0x3800  }
0xaa: {  	[sflag:s28] =	ssyncset.done $0x0  }
0xab: {  	[sflag:s28] =	ssyncadd.s32 $0xFFFFC800  }
0xac: {  	[spmem:s2] =	stream.indirect.scatter.add.f32 [tilespmem:s23], [sflag:$0x7], $0x80, s29, s16, $0xb8;
	[tilespmem:$0x1EB00] =	vst v63  }
0xad: {  	_ =	swait.ge [sflag:s10], $0x3800  }
0xae: {  	[sflag:s10] =	ssyncset.done $0x0  }
0xaf: {  	[sflag:s10] =	ssyncadd.s32 $0xFFFFC800  }
0xb0: {  	[tilespmem:s14], [sflag:$0x3] =	stream.linear.gather [hbm4b:s31+s3], $0x100, $0x38;
	[tilespmem:$0x1EB00] =	vst v63  }
0xb1: {  	_ =	swait.ge [sflag:s18], $0x100  }
0xb2: {  	[sflag:s18] =	ssyncset.done $0x0  }
0xb3: {  	[sflag:s18] =	ssyncadd.s32 $0xFFFFFF00  }
0xb4: {  	_ =	swait.ge [sflag:s22], $0x100  }
0xb5: {  	[sflag:s22] =	ssyncset.done $0x0  }
0xb6: {  	[sflag:s22] =	ssyncadd.s32 $0xFFFFFF00  }
0xb7: {  	_ =	swait.ge [sflag:s20], $0x3800  }
0xb8: {  	s30 =	sadd.s32 $0x1, s30;
	[sflag:s20] =	ssyncset.done $0x0  }
0xb9: {  	p0 =	sne.s32 s30, s8;
	[sflag:s20] =	ssyncadd.s32 $0xFFFFC800  }
.Ltmp1:
0xba: {  	[bflag:$0x0] =	sbarrier.arrive $0xFFFF;
	(pc) =	sbr.rel @p0 .LBB2_1-.Ltmp1, $4  }
0xbb: {  	[hbm:s24], [sflag:s6] =	dma.local [spmem:s9], $0x2800  }
0xbc: {  	_ =	swait.ge [sflag:s10], $0x2800  }
0xbd: {  	[sflag:s10] =	ssyncset.done $0x0  }
0xbe: {  	[sflag:s10] =	ssyncadd.s32 $0xFFFFD800  }
0xbf: {  	_ =	sfence.sel $0x180000  }
0xc0: {  	[bflag:$0x0] =	sbarrier.arrive $0xFFFF  }
0xc1: {  	_ =	strace $0x9000004A  }
0xc2: {  	s0 =	stileid.u32;
	[bflag:$0x2] =	sbarrier.arrive $0xFFFF  }
0xc3: {  	p0 =	sne.s32 s0, $0x0;
	s0 =	rddreg [dreg:$0x2]  }
0xc4: {  	s0 =	sadd.s32 @!p0 $0x100000, s0  }
0xc5: {  	[sflag:s0] =	ssyncadd.tile.s32 @!p0 $0x1;
	_ =	shalt  }
.Lfunc_end2:
_tile_overlayer_lowered:
.L_overlay_start_2:
0xc6: {  	(tag) =	ssettag $0x2  }
0xc7: {  	s0 =	rddreg [dreg:$0x0];
	s2 =	stileid.u32  }
0xc8: {  	s1 =	rddreg [dreg:$0x1];
	p0 =	sne.s32 s2, $0x0  }
0xc9: {  	s3 =	rddreg [dreg:$0x2];
	[bflag:$0x3] =	sbarrier.arrive $0xFFFF;
	s2 =	simm.s32 @!p0 $0x1C07  }
0xca: {  	[timem:s3], [sflag:s2] =	dma.local @!p0 [hbm:s0], s1  }
0xcb: {  	s0 =	simm.s32 @!p0 $0x7  }
0xcc: {  	_ =	swait.ge @!p0 [sflag:s0], s1  }
0xcd: {  	s1 =	ssub.s32 @!p0 $0x0, s1;
	[sflag:s0] =	ssyncset.done @!p0 $0x0  }
0xce: {  	[sflag:s0] =	ssyncadd.s32 @!p0 s1  }
0xcf: {  	[bflag:$0x3] =	sbarrier.arrive $0xFFFF  }
0xd0: {  	_ =	shalt  }

// kernel: kernel.15.cloned.1.call-start
scs
__scs_entry_jumppad:
0x0: {  	(pc) =	sbr.rel $0x88, $3  }
0x1: {  	(tag) =	ssettag $0x0;
	lr =	simm.s32 $0x1  }
0x2: {  	[smem:$0x3F9B] =	sst lr;
	_ =	strace $0xD0000000  }
0x3: {  	_ = 	snop  }
0x4: {  	_ = 	snop  }
0x5: {  	_ = 	snop  }
0x6: {  	_ = 	snop  }
0x7: {  	_ = 	snop  }
__scs_overlays_trampoline_lowered:
0x8: {  	[smem:$0x3FAA] =	sst s0  }
0x9: {  	[smem:$0x3FAB] =	sst s1  }
0xa: {  	[smem:$0x3FAC] =	sst s2  }
0xb: {  	[smem:$0x3FAD] =	sst s3  }
0xc: {  	[smem:$0x3FAE] =	sst s4  }
0xd: {  	[smem:$0x3FAF] =	sst s5  }
0xe: {  	[smem:$0x3FB0] =	sst s6  }
0xf: {  	[smem:$0x3FB1] =	sst s7  }
0x10: {  	[smem:$0x3FB2] =	sst s8  }
0x11: {  	[smem:$0x3FB3] =	sst s9;
	s0 =	simm.s32 @!p0 $0x0  }
0x12: {  	s1 =	sld [smem:$0x3F99];
	s0 =	simm.s32 @p0 $0x1  }
0x13: {  	[smem:$0x3FB4] =	sst s0;
	s0 =	simm.s32 @!p1 $0x0  }
0x14: {  	s2 =	sld [smem:$0x3F98];
	s0 =	simm.s32 @p1 $0x1  }
0x15: {  	[smem:$0x3FB5] =	sst s0;
	s0 =	simm.s32 @!p2 $0x0  }
0x16: {  	s3 =	sld [smem:$0x3FDB];
	s0 =	simm.s32 @p2 $0x1  }
0x17: {  	s4 =	simm.s32 $0x1BF5;
	[smem:$0x3FB7] =	sst s0  }
0x18: {  	s0 =	sld [smem:$0x3F9A];
	_ =	swait.ge [sflag:s4], $0x0  }
0x19: {  	s7 =	sld [smem:$0x3F9B]  }
0x1a: {  	s8 =	sadd.s32 $0xFFFFE003, lr  }
0x1b: {  	s9 =	sadd.s32 $0xFFFFFEF7, lr;
	s5 =	simm.s32 $0xFFFFFFFF;
	p2 =	slt.u32 s8, $0xFFFFF086  }
0x1c: {  	p1 =	slt.u32 s9, $0xF7A;
	s5 =	simm.s32 @!p2 $0x0  }
0x1d: {  	s5 =	simm.s32 @p1 $0x1;
	p0 =	seq.s32 s7, s2  }
0x1e: {  	s7 =	smul.u32 @!p0 $0xF7A, s2;
	p2 =	seq.s32 @!p0 s5, $0x0  }
0x1f: {  	s9 =	smul.u32 $0xF7A, s1;
	s8 =	simm.s32 @!p0 $0x1BF5;
	p2 =	por !p2, p0  }
0x20: {  	[sflag:s8] =	ssyncset.s32 @!p0 $0xFFFFF086;
	s6 =	sadd.s32 @!p0 s3, s7;
	s7 =	simm.s32 @!p0 $0x108  }
0x21: {  	s3 =	sadd.s32 s3, s9;
	s6 =	sadd.s32 @!p0 $0x88, s6;
	s7 =	simm.s32 @p2 $0x1082  }
0x22: {  	[simem:s7], [sflag:s8] =	dma.local @!p0 [hbm:s6], $0xF7A  }
0x23: {  	s9 =	sor.u32 $0xD0000000, s2;
	s6 =	simm.s32 $0x108;
	_ =	swait.ge @!p0 [sflag:s8], $0x0  }
0x24: {  	s3 =	sadd.s32 $0x88, s3;
	s6 =	simm.s32 @!p1 $0x1082;
	[sflag:s4] =	ssyncset.s32 $0xFFFFF086  }
0x25: {  	[simem:s6], [sflag:s4] =	dma.local [hbm:s3], $0xF7A  }
0x26: {  	[smem:$0x3F9B] =	sst s1;
	(tag) =	ssettag s2;
	_ =	strace s9  }
0x27: {  	s1 =	sld [smem:$0x3FAB]  }
0x28: {  	s2 =	sld [smem:$0x3FAC]  }
0x29: {  	s4 =	sld [smem:$0x3FAE]  }
0x2a: {  	p0 =	seq.s32 s5, $0x0;
	s5 =	sld [smem:$0x3FAF]  }
0x2b: {  	s6 =	sld [smem:$0x3FB0]  }
0x2c: {  	s7 =	sld [smem:$0x3FB1]  }
0x2d: {  	s3 =	simm.s32 $0x108;
	s8 =	sld [smem:$0x3FB2]  }
0x2e: {  	s3 =	simm.s32 @!p0 $0x1082;
	s9 =	sld [smem:$0x3FB3]  }
0x2f: {  	lr =	sadd.s32 s0, s3;
	s0 =	sld [smem:$0x3FAA]  }
0x30: {  	s3 =	sld [smem:$0x3FAD]  }
0x31: {  	[smem:$0x3FB6] =	sst s10  }
0x32: {  	s10 =	sld [smem:$0x3FB4];
	_ =	sdelay $0x3  }
0x33: {  	p0 =	seq.s32 s10, $0x1;
	s10 =	sld [smem:$0x3FB6];
	_ =	sdelay $0x3  }
0x34: {  	[smem:$0x3FB6] =	sst s10  }
0x35: {  	s10 =	sld [smem:$0x3FB5];
	_ =	sdelay $0x3  }
0x36: {  	p1 =	seq.s32 s10, $0x1;
	s10 =	sld [smem:$0x3FB6];
	_ =	sdelay $0x3  }
0x37: {  	[smem:$0x3FB6] =	sst s10  }
0x38: {  	s10 =	sld [smem:$0x3FB7]  }
0x39: {  	_ = 	snop;
	(pc) =	sbr.ind lr, $3  }
0x3a: {  	_ = 	snop  }
0x3b: {  	_ = 	snop  }
0x3c: {  	p2 =	seq.s32 s10, $0x1;
	s10 =	sld [smem:$0x3FB6]  }
0x3d: {  	_ =	shalt  }
0x3e: {  	_ =	shalt  }
0x3f: {  	_ =	shalt  }
0x40: {  	_ =	shalt  }
0x41: {  	_ =	shalt  }
0x42: {  	_ =	shalt  }
0x43: {  	_ =	shalt  }
0x44: {  	_ =	shalt  }
0x45: {  	_ =	shalt  }
0x46: {  	_ =	shalt  }
0x47: {  	_ =	shalt  }
0x48: {  	_ =	shalt  }
0x49: {  	_ =	shalt  }
0x4a: {  	_ =	shalt  }
0x4b: {  	_ =	shalt  }
0x4c: {  	_ =	shalt  }
0x4d: {  	_ =	shalt  }
0x4e: {  	_ =	shalt  }
0x4f: {  	_ =	shalt  }
0x50: {  	_ =	shalt  }
0x51: {  	_ =	shalt  }
0x52: {  	_ =	shalt  }
0x53: {  	_ =	shalt  }
0x54: {  	_ =	shalt  }
0x55: {  	_ =	shalt  }
0x56: {  	_ =	shalt  }
0x57: {  	_ =	shalt  }
0x58: {  	_ =	shalt  }
0x59: {  	_ =	shalt  }
0x5a: {  	_ =	shalt  }
0x5b: {  	_ =	shalt  }
0x5c: {  	_ =	shalt  }
0x5d: {  	_ =	shalt  }
0x5e: {  	_ =	shalt  }
0x5f: {  	_ =	shalt  }
0x60: {  	_ =	shalt  }
0x61: {  	_ =	shalt  }
0x62: {  	_ =	shalt  }
0x63: {  	_ =	shalt  }
0x64: {  	_ =	shalt  }
0x65: {  	_ =	shalt  }
0x66: {  	_ =	shalt  }
0x67: {  	_ =	shalt  }
0x68: {  	_ =	shalt  }
0x69: {  	_ =	shalt  }
0x6a: {  	_ =	shalt  }
0x6b: {  	_ =	shalt  }
0x6c: {  	_ =	shalt  }
0x6d: {  	_ =	shalt  }
0x6e: {  	_ =	shalt  }
0x6f: {  	_ =	shalt  }
0x70: {  	_ =	shalt  }
0x71: {  	_ =	shalt  }
0x72: {  	_ =	shalt  }
0x73: {  	_ =	shalt  }
0x74: {  	_ =	shalt  }
0x75: {  	_ =	shalt  }
0x76: {  	_ =	shalt  }
0x77: {  	_ =	shalt  }
0x78: {  	_ =	shalt  }
0x79: {  	_ =	shalt  }
0x7a: {  	_ =	shalt  }
0x7b: {  	_ =	shalt  }
0x7c: {  	_ =	shalt  }
0x7d: {  	_ =	shalt  }
0x7e: {  	_ =	shalt  }
0x7f: {  	_ =	shalt  }
0x80: {  	_ =	shalt  }
0x81: {  	_ =	shalt  }
0x82: {  	_ =	shalt  }
0x83: {  	_ =	shalt  }
0x84: {  	_ =	shalt  }
0x85: {  	_ =	shalt  }
0x86: {  	_ =	shalt  }
0x87: {  	_ =	shalt  }
.Lfunc_end0:
.L_simem_size_0:
called_computation.2_lowered:
.L_overlay_start_0:
0x88: {  	s2 =	sld [smem:$0x3FD9]  }
0x89: {  	s3 =	sld [smem:$0x3FFE];
	_ =	sdelay $0x1  }
0x8a: {  	s1 =	srdreg.scid  }
0x8b: {  	s0 =	sand.u32 $0x1, s1  }
0x8c: {  	s16 =	sshll.u32 s0, $0xA;
	s2 =	sadd.s32 s3, s2  }
0x8d: {  	s2 =	sadd.s32 s2, s16  }
0x8e: {  	[smem:$0x3FC2] =	sst s2  }
0x8f: {  	_ = 	snop  }
0x90: {  	(tm) =	ssettm $0x1  }
0x91: {  	s17 =	sld [smem:$0x3FFB];
	_ =	sdelay $0x3  }
0x92: {  	_ =	strace s17  }
0x93: {  	s2 =	sld [smem:$0x3FFC];
	_ =	sdelay $0x3  }
0x94: {  	_ =	strace s2  }
0x95: {  	s2 =	sld [smem:$0x3FFD];
	_ =	sdelay $0x3  }
0x96: {  	_ =	strace s2  }
0x97: {  	_ =	strace $0x8FFFFFFF  }
0x98: {  	s18 =	sld [smem:$0x3FDB];
	_ =	sdelay $0x1  }
0x99: {  	s19 =	simm.s32 $_scs_section_size  }
0x9a: {  	s4 =	simm.s32 $_size__tile_overlayer_lowered;
	s5 =	simm.s32 $_tile_overlayer_lowered  }
0x9b: {  	s22 =	simm.s32 $0x1BFF;
	s21 =	sshll.u32 s5, $0x1;
	s2 =	sadd.s32 s19, s18  }
0x9c: {  	s6 =	simm.s32 $0x0;
	s20 =	sshll.u32 s4, $0x1;
	s4 =	sadd.s32 s21, s2  }
0x9d: {  	[timem:s6], [sflag:s22] =	dma.local [hbm:s4], s20  }
0x9e: {  	_ =	swait.ge [sflag:s22], s20  }
0x9f: {  	s3 =	ssub.s32 $0x0, s20;
	[sflag:s22] =	ssyncset.done $0x0  }
0xa0: {  	[sflag:s22] =	ssyncadd.s32 s3;
	_ =	sdelay $0x1  }
0xa1: {  	s23 =	simm.s32 $0x1B8B  }
0xa2: {  	_ =	swait.ge [sflag:s23], $0x1  }
0xa3: {  	[sflag:s23] =	ssyncset.done $0x0  }
0xa4: {  	s25 =	simm.s32 $0x1B8E;
	s24 =	sld [smem:$0x3FFE];
	[sflag:s23] =	ssyncadd.s32 $0xFFFFFFFF  }
0xa5: {  	s26 =	simm.s32 $execute0_lowered;
	[smem:$0x3FD2] =	sst s25  }
0xa6: {  	s4 =	sshll.u32 s26, $0x1;
	_ =	strace $0x8000004C;
	[dreg:$0x1] =	wrdreg $0xFFFFFFFF  }
0xa7: {  	s28 =	simm.s32 $_size_execute0_lowered;
	s2 =	sadd.s32 s2, s4;
	[dreg:$0x0] =	wrdreg $0x0  }
0xa8: {  	s4 =	sshll.u32 s28, $0x1;
	[dreg:$0x2] =	wrdreg s2  }
0xa9: {  	[dreg:$0x3] =	wrdreg s4  }
0xaa: {  	[dreg:$0x4] =	wrdreg $0xC0  }
0xab: {  	_ =	task [dreg:s6], $0x5FFFF  }
0xac: {  	[dreg:$0x1] =	wrdreg $0xFFFFFFFF  }
0xad: {  	[dreg:$0x0] =	wrdreg $0x60  }
0xae: {  	[dreg:$0x2] =	wrdreg s24  }
0xaf: {  	[dreg:$0x3] =	wrdreg $0xAB000  }
0xb0: {  	[dreg:$0x4] =	wrdreg $0x9  }
0xb1: {  	_ =	task.clear_ibuf [dreg:s6], $0x5FFFF;
	_ =	strace $0x9000004C  }
0xb2: {  	s29 =	simm.s32 $0x9;
	_ =	strace $0x8000004E  }
0xb3: {  	_ =	swait.ge [sflag:s29], $0x1  }
0xb4: {  	[sflag:s29] =	ssyncadd.s32 $0xFFFFFFFF  }
0xb5: {  	_ =	strace $0x9000004E  }
0xb6: {  	_ =	sfence  }
0xb7: {  	s30 =	sld [smem:$0x0];
	_ =	sdelay $0x2  }
0xb8: {  	s31 =	sshll.u32 s1, $0xD;
	s1 =	sshrl.u32 s1, $0x2  }
0xb9: {  	s3 =	sand.u32 $0x4000, s31;
	s1 =	sadd.s32 s1, s30  }
0xba: {  	s0 =	sor.u32 s3, s0;
	s1 =	sshll.u32 s1, $0x11  }
0xbb: {  	s0 =	sor.u32 s1, s0  }
0xbc: {  	s0 =	sadd.s32 $0x8F2B, s0  }
0xbd: {  	[sflag:s0] =	ssyncadd.remote.s32 $0x1  }
0xbe: {  	_ =	sfence.sel $0xFFFF  }
0xbf: {  	[dreg:$0x0] =	wrdreg $0xFFFFFFFF;
	(pc) =	sbr.abs _section_cstart, $3  }
0xc0: {  	[dreg:$0x1] =	wrdreg $0xFFFFFFFF  }
0xc1: {  	_ =	task.clear_ibuf [dreg:s6], $0x2FFFF;
	_ =	strace $0x9FFFFFFF  }
0xc2: {  	(tm) =	ssettm $0x7FFFFFFF  }
0xc3: {  	_ =	shalt  }
tec
execute0_lowered:
.L_overlay_start_1:
0x0: {  	(tag) =	ssettag $0x1  }
0x1: {  	s1 =	rddreg [dreg:$0x0];
	s3 =	srdreg.scid  }
0x2: {  	s0 =	stileid.u32;
	s2 =	rddreg [dreg:$0x1]  }
0x3: {  	s12 =	simm.s32 $0x100;
	s14 =	simm.s32 $0x200;
	s15 =	simm.s32 $0x1  }
0x4: {  	s16 =	simm.s32 $0x70;
	s17 =	simm.s32 $0x300;
	s18 =	simm.s32 $0x2  }
0x5: {  	s19 =	simm.s32 $0x3B00;
	s20 =	simm.s32 $0x4;
	s21 =	simm.s32 $0x80  }
0x6: {  	s22 =	simm.s32 $0x3;
	s28 =	simm.s32 $0x6;
	s29 =	simm.s32 $0x280  }
0x7: {  	s30 =	simm.s32 $0x0;
	s5 =	sand.u32 $0x1, s3;
	s23 =	smul.u32 $0x50000, s0  }
0x8: {  	s4 =	sshll.u32 s0, $0x1;
	s3 =	simm.s32 $0x0;
	s24 =	smul.u32 $0x2800, s0  }
0x9: {  	s31 =	sshll.u32 s0, $0x6;
	s4 =	sor.u32 s5, s4;
	s7 =	smul.u32 $0x28000, s5  }
0xa: {  	[smem:$0x7FF] =	sst s3;
	s5 =	ssub.s32 $0x2, s5;
	s6 =	smul.u32 $0xB40, s4  }
0xb: {  	_ =	strace $0x8000004D;
	s4 =	sadd.s32 $0x2E00, s1;
	s25 =	sshrl.u32 s5, $0x1  }
0xc: {  	s26 =	sshrl.u32 s23, $0x2;
	s23 =	simm.s32 $0x7300;
	s9 =	ssub.s32 s5, s25  }
0xd: {  	s10 =	sadd.s32 s26, s2;
	s5 =	sadd.s32 s4, s24;
	s25 =	simm.s32 $0x5  }
0xe: {  	s26 =	simm.s32 $0x180;
	s8 =	sadd.s32 s6, s1;
	s1 =	sadd.s32 s7, s1  }
0xf: {  	s6 =	sor.u32 $0x1C07, s31;
	s7 =	sadd.s32 $0x52E00, s8;
	s1 =	sadd.s32 $0x69600, s1  }
0x10: {  	s8 =	smax.u32 s9, $0x1;
	s9 =	sshrl.u32 s10, $0x3;
	s10 =	simm.s32 $0x7  }
0x11: {  	s11 =	sadd.s32 $0x20, s7;
	s13 =	sadd.s32 $0x40, s7;
	s24 =	sadd.s32 s24, s1  }
.LBB2_1:
0x12: {  	[spmem:s9], [sflag:s6] =	dma.local [hbm:s5], $0x2800  }
0x13: {  	_ =	swait.ge [sflag:s10], $0x2800  }
0x14: {  	[sflag:s10] =	ssyncset.done $0x0  }
0x15: {  	[sflag:s10] =	ssyncadd.s32 $0xFFFFD800  }
0x16: {  	[bflag:$0x0] =	sbarrier.arrive $0xFFFF  }
0x17: {  	[tilespmem:s3], [sflag:$0x1] =	stream.linear.gather [hbm4b:s7+s3], $0x100, $0x38;
	[tilespmem:$0x1EB00] =	vst v63  }
0x18: {  	_ = 	snop  }
0x19: {  	[tilespmem:s12], [sflag:$0x2] =	stream.linear.gather [hbm4b:s11+s3], $0x100, $0x38;
	[tilespmem:$0x1EB00] =	vst v63  }
0x1a: {  	_ = 	snop  }
0x1b: {  	[tilespmem:s14], [sflag:$0x3] =	stream.linear.gather [hbm4b:s13+s3], $0x100, $0x38;
	[tilespmem:$0x1EB00] =	vst v63  }
0x1c: {  	_ =	swait.ge [sflag:s15], $0x100  }
0x1d: {  	[sflag:s15] =	ssyncset.done $0x0  }
0x1e: {  	[sflag:s15] =	ssyncadd.s32 $0xFFFFFF00  }
0x1f: {  	[tilespmem:s17], [sflag:$0x4] =	stream.indirect.gather [hbm4b:s4+s16], $0x80, s3, s16, $0xb8;
	[tilespmem:$0x1EB00] =	vst v63  }
0x20: {  	_ =	swait.ge [sflag:s18], $0x100  }
0x21: {  	[sflag:s18] =	ssyncset.done $0x0  }
0x22: {  	[sflag:s18] =	ssyncadd.s32 $0xFFFFFF00  }
0x23: {  	[tilespmem:s19], [sflag:$0x5] =	stream.indirect.gather [hbm4b:s4+s16], $0x80, s12, s16, $0xb8;
	[tilespmem:$0x1EB00] =	vst v63  }
0x24: {  	_ =	swait.ge [sflag:s20], $0x3800  }
0x25: {  	[sflag:s20] =	ssyncset.done $0x0  }
0x26: {  	[sflag:s20] =	ssyncadd.s32 $0xFFFFC800  }
0x27: {  	[spmem:s2] =	stream.indirect.scatter.add.f32 [tilespmem:s17], [sflag:$0x7], $0x80, s21, s16, $0xb8;
	[tilespmem:$0x1EB00] =	vst v63  }
0x28: {  	_ =	swait.ge [sflag:s10], $0x3800  }
0x29: {  	s1 =	sadd.s32 $0xFFFFF580, s7;
	[sflag:s10] =	ssyncset.done $0x0  }
0x2a: {  	s31 =	sadd.s32 $0xAE0, s1;
	[sflag:s10] =	ssyncadd.s32 $0xFFFFC800  }
0x2b: {  	[tilespmem:s3], [sflag:$0x1] =	stream.linear.gather [hbm4b:s31+s3], $0x100, $0x38;
	[tilespmem:$0x1EB00] =	vst v63  }
0x2c: {  	_ =	swait.ge [sflag:s22], $0x100  }
0x2d: {  	[sflag:s22] =	ssyncset.done $0x0  }
0x2e: {  	[sflag:s22] =	ssyncadd.s32 $0xFFFFFF00  }
0x2f: {  	[tilespmem:s23], [sflag:$0x6] =	stream.indirect.gather [hbm4b:s4+s16], $0x80, s14, s16, $0xb8;
	[tilespmem:$0x1EB00] =	vst v63  }
0x30: {  	_ =	swait.ge [sflag:s25], $0x3800  }
0x31: {  	[sflag:s25] =	ssyncset.done $0x0  }
0x32: {  	[sflag:s25] =	ssyncadd.s32 $0xFFFFC800  }
0x33: {  	[spmem:s2] =	stream.indirect.scatter.add.f32 [tilespmem:s19], [sflag:$0x7], $0x80, s26, s16, $0xb8;
	[tilespmem:$0x1EB00] =	vst v63  }
0x34: {  	_ =	swait.ge [sflag:s10], $0x3800  }
0x35: {  	[sflag:s10] =	ssyncset.done $0x0  }
0x36: {  	s31 =	sadd.s32 $0xB00, s1;
	[sflag:s10] =	ssyncadd.s32 $0xFFFFC800  }
0x37: {  	[tilespmem:s12], [sflag:$0x2] =	stream.linear.gather [hbm4b:s31+s3], $0x100, $0x38;
	[tilespmem:$0x1EB00] =	vst v63  }
0x38: {  	_ =	swait.ge [sflag:s15], $0x100  }
0x39: {  	[sflag:s15] =	ssyncset.done $0x0  }
0x3a: {  	[sflag:s15] =	ssyncadd.s32 $0xFFFFFF00  }
0x3b: {  	[tilespmem:s17], [sflag:$0x4] =	stream.indirect.gather [hbm4b:s4+s16], $0x80, s3, s16, $0xb8;
	[tilespmem:$0x1EB00] =	vst v63  }
0x3c: {  	_ =	swait.ge [sflag:s28], $0x3800  }
0x3d: {  	[sflag:s28] =	ssyncset.done $0x0  }
0x3e: {  	[sflag:s28] =	ssyncadd.s32 $0xFFFFC800  }
0x3f: {  	[spmem:s2] =	stream.indirect.scatter.add.f32 [tilespmem:s23], [sflag:$0x7], $0x80, s29, s16, $0xb8;
	[tilespmem:$0x1EB00] =	vst v63  }
0x40: {  	_ =	swait.ge [sflag:s10], $0x3800  }
0x41: {  	[sflag:s10] =	ssyncset.done $0x0  }
0x42: {  	s1 =	sadd.s32 $0xB20, s1;
	s31 =	simm.s32 $0xFFFFF5E0;
	[sflag:s10] =	ssyncadd.s32 $0xFFFFC800  }
.LBB2_2:
0x43: {  	[tilespmem:s14], [sflag:$0x3] =	stream.linear.gather [hbm4b:s1+s3], $0x100, $0x38;
	[tilespmem:$0x1EB00] =	vst v63  }
0x44: {  	s1 =	smov.u32 s31  }
0x45: {  	p0 =	sne.s32 s31, $0xFFFFFFA0;
	s31 =	sadd.s32 $0x60, s31;
	_ =	swait.ge [sflag:s18], $0x100  }
0x46: {  	[sflag:s18] =	ssyncset.done $0x0  }
0x47: {  	[sflag:s18] =	ssyncadd.s32 $0xFFFFFF00  }
0x48: {  	[tilespmem:s19], [sflag:$0x5] =	stream.indirect.gather [hbm4b:s4+s16], $0x80, s12, s16, $0xb8;
	[tilespmem:$0x1EB00] =	vst v63  }
0x49: {  	_ =	swait.ge [sflag:s20], $0x3800  }
0x4a: {  	[sflag:s20] =	ssyncset.done $0x0  }
0x4b: {  	[sflag:s20] =	ssyncadd.s32 $0xFFFFC800  }
0x4c: {  	[spmem:s2] =	stream.indirect.scatter.add.f32 [tilespmem:s17], [sflag:$0x7], $0x80, s21, s16, $0xb8;
	[tilespmem:$0x1EB00] =	vst v63  }
0x4d: {  	_ =	swait.ge [sflag:s10], $0x3800  }
0x4e: {  	s1 =	sadd.s32 s1, s7;
	[sflag:s10] =	ssyncset.done $0x0  }
0x4f: {  	s0 =	sadd.s32 $0xAE0, s1;
	[sflag:s10] =	ssyncadd.s32 $0xFFFFC800  }
0x50: {  	[tilespmem:s3], [sflag:$0x1] =	stream.linear.gather [hbm4b:s0+s3], $0x100, $0x38;
	[tilespmem:$0x1EB00] =	vst v63  }
0x51: {  	_ =	swait.ge [sflag:s22], $0x100  }
0x52: {  	[sflag:s22] =	ssyncset.done $0x0  }
0x53: {  	[sflag:s22] =	ssyncadd.s32 $0xFFFFFF00  }
0x54: {  	[tilespmem:s23], [sflag:$0x6] =	stream.indirect.gather [hbm4b:s4+s16], $0x80, s14, s16, $0xb8;
	[tilespmem:$0x1EB00] =	vst v63  }
0x55: {  	_ =	swait.ge [sflag:s25], $0x3800  }
0x56: {  	[sflag:s25] =	ssyncset.done $0x0  }
0x57: {  	[sflag:s25] =	ssyncadd.s32 $0xFFFFC800  }
0x58: {  	[spmem:s2] =	stream.indirect.scatter.add.f32 [tilespmem:s19], [sflag:$0x7], $0x80, s26, s16, $0xb8;
	[tilespmem:$0x1EB00] =	vst v63  }
0x59: {  	_ =	swait.ge [sflag:s10], $0x3800  }
0x5a: {  	[sflag:s10] =	ssyncset.done $0x0  }
0x5b: {  	s0 =	sadd.s32 $0xB00, s1;
	[sflag:s10] =	ssyncadd.s32 $0xFFFFC800  }
0x5c: {  	[tilespmem:s12], [sflag:$0x2] =	stream.linear.gather [hbm4b:s0+s3], $0x100, $0x38;
	[tilespmem:$0x1EB00] =	vst v63  }
0x5d: {  	_ =	swait.ge [sflag:s15], $0x100  }
0x5e: {  	[sflag:s15] =	ssyncset.done $0x0  }
0x5f: {  	[sflag:s15] =	ssyncadd.s32 $0xFFFFFF00  }
0x60: {  	[tilespmem:s17], [sflag:$0x4] =	stream.indirect.gather [hbm4b:s4+s16], $0x80, s3, s16, $0xb8;
	[tilespmem:$0x1EB00] =	vst v63  }
0x61: {  	_ =	swait.ge [sflag:s28], $0x3800  }
0x62: {  	[sflag:s28] =	ssyncset.done $0x0  }
.Ltmp0:
0x63: {  	[sflag:s28] =	ssyncadd.s32 $0xFFFFC800;
	(pc) =	sbr.rel @p0 .LBB2_2-.Ltmp0, $4  }
0x64: {  	[spmem:s2] =	stream.indirect.scatter.add.f32 [tilespmem:s23], [sflag:$0x7], $0x80, s29, s16, $0xb8;
	[tilespmem:$0x1EB00] =	vst v63  }
0x65: {  	_ =	swait.ge [sflag:s10], $0x3800  }
0x66: {  	[sflag:s10] =	ssyncset.done $0x0  }
0x67: {  	s1 =	sadd.s32 $0xB20, s1;
	[sflag:s10] =	ssyncadd.s32 $0xFFFFC800  }
0x68: {  	[tilespmem:s14], [sflag:$0x3] =	stream.linear.gather [hbm4b:s1+s3], $0x100, $0x38;
	[tilespmem:$0x1EB00] =	vst v63  }
0x69: {  	_ =	swait.ge [sflag:s18], $0x100  }
0x6a: {  	[sflag:s18] =	ssyncset.done $0x0  }
0x6b: {  	[sflag:s18] =	ssyncadd.s32 $0xFFFFFF00  }
0x6c: {  	[tilespmem:s19], [sflag:$0x5] =	stream.indirect.gather [hbm4b:s4+s16], $0x80, s12, s16, $0xb8;
	[tilespmem:$0x1EB00] =	vst v63  }
0x6d: {  	_ =	swait.ge [sflag:s20], $0x3800  }
0x6e: {  	[sflag:s20] =	ssyncset.done $0x0  }
0x6f: {  	[sflag:s20] =	ssyncadd.s32 $0xFFFFC800  }
0x70: {  	[spmem:s2] =	stream.indirect.scatter.add.f32 [tilespmem:s17], [sflag:$0x7], $0x80, s21, s16, $0xb8;
	[tilespmem:$0x1EB00] =	vst v63  }
0x71: {  	_ =	swait.ge [sflag:s10], $0x3800  }
0x72: {  	[sflag:s10] =	ssyncset.done $0x0  }
0x73: {  	s0 =	sadd.s32 $0xAE0, s7;
	[sflag:s10] =	ssyncadd.s32 $0xFFFFC800  }
0x74: {  	[tilespmem:s3], [sflag:$0x1] =	stream.linear.gather [hbm4b:s0+s3], $0x100, $0x38;
	[tilespmem:$0x1EB00] =	vst v63  }
0x75: {  	_ =	swait.ge [sflag:s22], $0x100  }
0x76: {  	[sflag:s22] =	ssyncset.done $0x0  }
0x77: {  	[sflag:s22] =	ssyncadd.s32 $0xFFFFFF00  }
0x78: {  	[tilespmem:s23], [sflag:$0x6] =	stream.indirect.gather [hbm4b:s4+s16], $0x80, s14, s16, $0xb8;
	[tilespmem:$0x1EB00] =	vst v63  }
0x79: {  	_ =	swait.ge [sflag:s25], $0x3800  }
0x7a: {  	[sflag:s25] =	ssyncset.done $0x0  }
0x7b: {  	[sflag:s25] =	ssyncadd.s32 $0xFFFFC800  }
0x7c: {  	[spmem:s2] =	stream.indirect.scatter.add.f32 [tilespmem:s19], [sflag:$0x7], $0x80, s26, s16, $0xb8;
	[tilespmem:$0x1EB00] =	vst v63  }
0x7d: {  	_ =	swait.ge [sflag:s10], $0x3800  }
0x7e: {  	[sflag:s10] =	ssyncset.done $0x0  }
0x7f: {  	s1 =	sadd.s32 $0xB00, s7;
	[sflag:s10] =	ssyncadd.s32 $0xFFFFC800  }
0x80: {  	[tilespmem:s12], [sflag:$0x2] =	stream.linear.gather [hbm4b:s1+s3], $0x100, $0x38;
	[tilespmem:$0x1EB00] =	vst v63  }
0x81: {  	_ =	swait.ge [sflag:s15], $0x100  }
0x82: {  	[sflag:s15] =	ssyncset.done $0x0  }
0x83: {  	[sflag:s15] =	ssyncadd.s32 $0xFFFFFF00  }
0x84: {  	[tilespmem:s17], [sflag:$0x4] =	stream.indirect.gather [hbm4b:s4+s16], $0x80, s3, s16, $0xb8;
	[tilespmem:$0x1EB00] =	vst v63  }
0x85: {  	_ =	swait.ge [sflag:s28], $0x3800  }
0x86: {  	[sflag:s28] =	ssyncset.done $0x0  }
0x87: {  	[sflag:s28] =	ssyncadd.s32 $0xFFFFC800  }
0x88: {  	[spmem:s2] =	stream.indirect.scatter.add.f32 [tilespmem:s23], [sflag:$0x7], $0x80, s29, s16, $0xb8;
	[tilespmem:$0x1EB00] =	vst v63  }
0x89: {  	_ =	swait.ge [sflag:s10], $0x3800  }
0x8a: {  	[sflag:s10] =	ssyncset.done $0x0  }
0x8b: {  	s31 =	sadd.s32 $0xB20, s7;
	[sflag:s10] =	ssyncadd.s32 $0xFFFFC800  }
0x8c: {  	[tilespmem:s14], [sflag:$0x3] =	stream.linear.gather [hbm4b:s31+s3], $0x100, $0x38;
	[tilespmem:$0x1EB00] =	vst v63  }
0x8d: {  	_ =	swait.ge [sflag:s18], $0x100  }
0x8e: {  	[sflag:s18] =	ssyncset.done $0x0  }
0x8f: {  	[sflag:s18] =	ssyncadd.s32 $0xFFFFFF00  }
0x90: {  	[tilespmem:s19], [sflag:$0x5] =	stream.indirect.gather [hbm4b:s4+s16], $0x80, s12, s16, $0xb8;
	[tilespmem:$0x1EB00] =	vst v63  }
0x91: {  	_ =	swait.ge [sflag:s20], $0x3800  }
0x92: {  	[sflag:s20] =	ssyncset.done $0x0  }
0x93: {  	[sflag:s20] =	ssyncadd.s32 $0xFFFFC800  }
0x94: {  	[spmem:s2] =	stream.indirect.scatter.add.f32 [tilespmem:s17], [sflag:$0x7], $0x80, s21, s16, $0xb8;
	[tilespmem:$0x1EB00] =	vst v63  }
0x95: {  	_ =	swait.ge [sflag:s10], $0x3800  }
0x96: {  	[sflag:s10] =	ssyncset.done $0x0  }
0x97: {  	[sflag:s10] =	ssyncadd.s32 $0xFFFFC800  }
0x98: {  	[tilespmem:s3], [sflag:$0x1] =	stream.linear.gather [hbm4b:s31+s3], $0x100, $0x38;
	[tilespmem:$0x1EB00] =	vst v63  }
0x99: {  	_ =	swait.ge [sflag:s22], $0x100  }
0x9a: {  	[sflag:s22] =	ssyncset.done $0x0  }
0x9b: {  	[sflag:s22] =	ssyncadd.s32 $0xFFFFFF00  }
0x9c: {  	[tilespmem:s23], [sflag:$0x6] =	stream.indirect.gather [hbm4b:s4+s16], $0x80, s14, s16, $0xb8;
	[tilespmem:$0x1EB00] =	vst v63  }
0x9d: {  	_ =	swait.ge [sflag:s25], $0x3800  }
0x9e: {  	[sflag:s25] =	ssyncset.done $0x0  }
0x9f: {  	[sflag:s25] =	ssyncadd.s32 $0xFFFFC800  }
0xa0: {  	[spmem:s2] =	stream.indirect.scatter.add.f32 [tilespmem:s19], [sflag:$0x7], $0x80, s26, s16, $0xb8;
	[tilespmem:$0x1EB00] =	vst v63  }
0xa1: {  	_ =	swait.ge [sflag:s10], $0x3800  }
0xa2: {  	[sflag:s10] =	ssyncset.done $0x0  }
0xa3: {  	[sflag:s10] =	ssyncadd.s32 $0xFFFFC800  }
0xa4: {  	[tilespmem:s12], [sflag:$0x2] =	stream.linear.gather [hbm4b:s31+s3], $0x100, $0x38;
	[tilespmem:$0x1EB00] =	vst v63  }
0xa5: {  	_ =	swait.ge [sflag:s15], $0x100  }
0xa6: {  	[sflag:s15] =	ssyncset.done $0x0  }
0xa7: {  	[sflag:s15] =	ssyncadd.s32 $0xFFFFFF00  }
0xa8: {  	[tilespmem:s17], [sflag:$0x4] =	stream.indirect.gather [hbm4b:s4+s16], $0x80, s3, s16, $0xb8;
	[tilespmem:$0x1EB00] =	vst v63  }
0xa9: {  	_ =	swait.ge [sflag:s28], $0x3800  }
0xaa: {  	[sflag:s28] =	ssyncset.done $0x0  }
0xab: {  	[sflag:s28] =	ssyncadd.s32 $0xFFFFC800  }
0xac: {  	[spmem:s2] =	stream.indirect.scatter.add.f32 [tilespmem:s23], [sflag:$0x7], $0x80, s29, s16, $0xb8;
	[tilespmem:$0x1EB00] =	vst v63  }
0xad: {  	_ =	swait.ge [sflag:s10], $0x3800  }
0xae: {  	[sflag:s10] =	ssyncset.done $0x0  }
0xaf: {  	[sflag:s10] =	ssyncadd.s32 $0xFFFFC800  }
0xb0: {  	[tilespmem:s14], [sflag:$0x3] =	stream.linear.gather [hbm4b:s31+s3], $0x100, $0x38;
	[tilespmem:$0x1EB00] =	vst v63  }
0xb1: {  	_ =	swait.ge [sflag:s18], $0x100  }
0xb2: {  	[sflag:s18] =	ssyncset.done $0x0  }
0xb3: {  	[sflag:s18] =	ssyncadd.s32 $0xFFFFFF00  }
0xb4: {  	_ =	swait.ge [sflag:s22], $0x100  }
0xb5: {  	[sflag:s22] =	ssyncset.done $0x0  }
0xb6: {  	[sflag:s22] =	ssyncadd.s32 $0xFFFFFF00  }
0xb7: {  	_ =	swait.ge [sflag:s20], $0x3800  }
0xb8: {  	s30 =	sadd.s32 $0x1, s30;
	[sflag:s20] =	ssyncset.done $0x0  }
0xb9: {  	p0 =	sne.s32 s30, s8;
	[sflag:s20] =	ssyncadd.s32 $0xFFFFC800  }
.Ltmp1:
0xba: {  	[bflag:$0x0] =	sbarrier.arrive $0xFFFF;
	(pc) =	sbr.rel @p0 .LBB2_1-.Ltmp1, $4  }
0xbb: {  	[hbm:s24], [sflag:s6] =	dma.local [spmem:s9], $0x2800  }
0xbc: {  	_ =	swait.ge [sflag:s10], $0x2800  }
0xbd: {  	[sflag:s10] =	ssyncset.done $0x0  }
0xbe: {  	[sflag:s10] =	ssyncadd.s32 $0xFFFFD800  }
0xbf: {  	_ =	sfence.sel $0x180000  }
0xc0: {  	[bflag:$0x0] =	sbarrier.arrive $0xFFFF  }
0xc1: {  	_ =	strace $0x9000004D  }
0xc2: {  	s0 =	stileid.u32;
	[bflag:$0x2] =	sbarrier.arrive $0xFFFF  }
0xc3: {  	p0 =	sne.s32 s0, $0x0;
	s0 =	rddreg [dreg:$0x2]  }
0xc4: {  	s0 =	sadd.s32 @!p0 $0x100000, s0  }
0xc5: {  	[sflag:s0] =	ssyncadd.tile.s32 @!p0 $0x1;
	_ =	shalt  }
.Lfunc_end2:
_tile_overlayer_lowered:
.L_overlay_start_2:
0xc6: {  	(tag) =	ssettag $0x2  }
0xc7: {  	s0 =	rddreg [dreg:$0x0];
	s2 =	stileid.u32  }
0xc8: {  	s1 =	rddreg [dreg:$0x1];
	p0 =	sne.s32 s2, $0x0  }
0xc9: {  	s3 =	rddreg [dreg:$0x2];
	[bflag:$0x3] =	sbarrier.arrive $0xFFFF;
	s2 =	simm.s32 @!p0 $0x1C07  }
0xca: {  	[timem:s3], [sflag:s2] =	dma.local @!p0 [hbm:s0], s1  }
0xcb: {  	s0 =	simm.s32 @!p0 $0x7  }
0xcc: {  	_ =	swait.ge @!p0 [sflag:s0], s1  }
0xcd: {  	s1 =	ssub.s32 @!p0 $0x0, s1;
	[sflag:s0] =	ssyncset.done @!p0 $0x0  }
0xce: {  	[sflag:s0] =	ssyncadd.s32 @!p0 s1  }
0xcf: {  	[bflag:$0x3] =	sbarrier.arrive $0xFFFF  }
0xd0: {  	_ =	shalt  }

// kernel: kernel.9.cloned.1.call-start
scs
__scs_entry_jumppad:
0x0: {  	(pc) =	sbr.rel $0x88, $3  }
0x1: {  	(tag) =	ssettag $0x0;
	lr =	simm.s32 $0x1  }
0x2: {  	[smem:$0x3F9B] =	sst lr;
	_ =	strace $0xD0000000  }
0x3: {  	_ = 	snop  }
0x4: {  	_ = 	snop  }
0x5: {  	_ = 	snop  }
0x6: {  	_ = 	snop  }
0x7: {  	_ = 	snop  }
__scs_overlays_trampoline_lowered:
0x8: {  	[smem:$0x3FAA] =	sst s0  }
0x9: {  	[smem:$0x3FAB] =	sst s1  }
0xa: {  	[smem:$0x3FAC] =	sst s2  }
0xb: {  	[smem:$0x3FAD] =	sst s3  }
0xc: {  	[smem:$0x3FAE] =	sst s4  }
0xd: {  	[smem:$0x3FAF] =	sst s5  }
0xe: {  	[smem:$0x3FB0] =	sst s6  }
0xf: {  	[smem:$0x3FB1] =	sst s7  }
0x10: {  	[smem:$0x3FB2] =	sst s8  }
0x11: {  	[smem:$0x3FB3] =	sst s9;
	s0 =	simm.s32 @!p0 $0x0  }
0x12: {  	s1 =	sld [smem:$0x3F99];
	s0 =	simm.s32 @p0 $0x1  }
0x13: {  	[smem:$0x3FB4] =	sst s0;
	s0 =	simm.s32 @!p1 $0x0  }
0x14: {  	s2 =	sld [smem:$0x3F98];
	s0 =	simm.s32 @p1 $0x1  }
0x15: {  	[smem:$0x3FB5] =	sst s0;
	s0 =	simm.s32 @!p2 $0x0  }
0x16: {  	s3 =	sld [smem:$0x3FDB];
	s0 =	simm.s32 @p2 $0x1  }
0x17: {  	s4 =	simm.s32 $0x1BF5;
	[smem:$0x3FB7] =	sst s0  }
0x18: {  	s0 =	sld [smem:$0x3F9A];
	_ =	swait.ge [sflag:s4], $0x0  }
0x19: {  	s7 =	sld [smem:$0x3F9B]  }
0x1a: {  	s8 =	sadd.s32 $0xFFFFE003, lr  }
0x1b: {  	s9 =	sadd.s32 $0xFFFFFEF7, lr;
	s5 =	simm.s32 $0xFFFFFFFF;
	p2 =	slt.u32 s8, $0xFFFFF086  }
0x1c: {  	p1 =	slt.u32 s9, $0xF7A;
	s5 =	simm.s32 @!p2 $0x0  }
0x1d: {  	s5 =	simm.s32 @p1 $0x1;
	p0 =	seq.s32 s7, s2  }
0x1e: {  	s7 =	smul.u32 @!p0 $0xF7A, s2;
	p2 =	seq.s32 @!p0 s5, $0x0  }
0x1f: {  	s9 =	smul.u32 $0xF7A, s1;
	s8 =	simm.s32 @!p0 $0x1BF5;
	p2 =	por !p2, p0  }
0x20: {  	[sflag:s8] =	ssyncset.s32 @!p0 $0xFFFFF086;
	s6 =	sadd.s32 @!p0 s3, s7;
	s7 =	simm.s32 @!p0 $0x108  }
0x21: {  	s3 =	sadd.s32 s3, s9;
	s6 =	sadd.s32 @!p0 $0x88, s6;
	s7 =	simm.s32 @p2 $0x1082  }
0x22: {  	[simem:s7], [sflag:s8] =	dma.local @!p0 [hbm:s6], $0xF7A  }
0x23: {  	s9 =	sor.u32 $0xD0000000, s2;
	s6 =	simm.s32 $0x108;
	_ =	swait.ge @!p0 [sflag:s8], $0x0  }
0x24: {  	s3 =	sadd.s32 $0x88, s3;
	s6 =	simm.s32 @!p1 $0x1082;
	[sflag:s4] =	ssyncset.s32 $0xFFFFF086  }
0x25: {  	[simem:s6], [sflag:s4] =	dma.local [hbm:s3], $0xF7A  }
0x26: {  	[smem:$0x3F9B] =	sst s1;
	(tag) =	ssettag s2;
	_ =	strace s9  }
0x27: {  	s1 =	sld [smem:$0x3FAB]  }
0x28: {  	s2 =	sld [smem:$0x3FAC]  }
0x29: {  	s4 =	sld [smem:$0x3FAE]  }
0x2a: {  	p0 =	seq.s32 s5, $0x0;
	s5 =	sld [smem:$0x3FAF]  }
0x2b: {  	s6 =	sld [smem:$0x3FB0]  }
0x2c: {  	s7 =	sld [smem:$0x3FB1]  }
0x2d: {  	s3 =	simm.s32 $0x108;
	s8 =	sld [smem:$0x3FB2]  }
0x2e: {  	s3 =	simm.s32 @!p0 $0x1082;
	s9 =	sld [smem:$0x3FB3]  }
0x2f: {  	lr =	sadd.s32 s0, s3;
	s0 =	sld [smem:$0x3FAA]  }
0x30: {  	s3 =	sld [smem:$0x3FAD]  }
0x31: {  	[smem:$0x3FB6] =	sst s10  }
0x32: {  	s10 =	sld [smem:$0x3FB4];
	_ =	sdelay $0x3  }
0x33: {  	p0 =	seq.s32 s10, $0x1;
	s10 =	sld [smem:$0x3FB6];
	_ =	sdelay $0x3  }
0x34: {  	[smem:$0x3FB6] =	sst s10  }
0x35: {  	s10 =	sld [smem:$0x3FB5];
	_ =	sdelay $0x3  }
0x36: {  	p1 =	seq.s32 s10, $0x1;
	s10 =	sld [smem:$0x3FB6];
	_ =	sdelay $0x3  }
0x37: {  	[smem:$0x3FB6] =	sst s10  }
0x38: {  	s10 =	sld [smem:$0x3FB7]  }
0x39: {  	_ = 	snop;
	(pc) =	sbr.ind lr, $3  }
0x3a: {  	_ = 	snop  }
0x3b: {  	_ = 	snop  }
0x3c: {  	p2 =	seq.s32 s10, $0x1;
	s10 =	sld [smem:$0x3FB6]  }
0x3d: {  	_ =	shalt  }
0x3e: {  	_ =	shalt  }
0x3f: {  	_ =	shalt  }
0x40: {  	_ =	shalt  }
0x41: {  	_ =	shalt  }
0x42: {  	_ =	shalt  }
0x43: {  	_ =	shalt  }
0x44: {  	_ =	shalt  }
0x45: {  	_ =	shalt  }
0x46: {  	_ =	shalt  }
0x47: {  	_ =	shalt  }
0x48: {  	_ =	shalt  }
0x49: {  	_ =	shalt  }
0x4a: {  	_ =	shalt  }
0x4b: {  	_ =	shalt  }
0x4c: {  	_ =	shalt  }
0x4d: {  	_ =	shalt  }
0x4e: {  	_ =	shalt  }
0x4f: {  	_ =	shalt  }
0x50: {  	_ =	shalt  }
0x51: {  	_ =	shalt  }
0x52: {  	_ =	shalt  }
0x53: {  	_ =	shalt  }
0x54: {  	_ =	shalt  }
0x55: {  	_ =	shalt  }
0x56: {  	_ =	shalt  }
0x57: {  	_ =	shalt  }
0x58: {  	_ =	shalt  }
0x59: {  	_ =	shalt  }
0x5a: {  	_ =	shalt  }
0x5b: {  	_ =	shalt  }
0x5c: {  	_ =	shalt  }
0x5d: {  	_ =	shalt  }
0x5e: {  	_ =	shalt  }
0x5f: {  	_ =	shalt  }
0x60: {  	_ =	shalt  }
0x61: {  	_ =	shalt  }
0x62: {  	_ =	shalt  }
0x63: {  	_ =	shalt  }
0x64: {  	_ =	shalt  }
0x65: {  	_ =	shalt  }
0x66: {  	_ =	shalt  }
0x67: {  	_ =	shalt  }
0x68: {  	_ =	shalt  }
0x69: {  	_ =	shalt  }
0x6a: {  	_ =	shalt  }
0x6b: {  	_ =	shalt  }
0x6c: {  	_ =	shalt  }
0x6d: {  	_ =	shalt  }
0x6e: {  	_ =	shalt  }
0x6f: {  	_ =	shalt  }
0x70: {  	_ =	shalt  }
0x71: {  	_ =	shalt  }
0x72: {  	_ =	shalt  }
0x73: {  	_ =	shalt  }
0x74: {  	_ =	shalt  }
0x75: {  	_ =	shalt  }
0x76: {  	_ =	shalt  }
0x77: {  	_ =	shalt  }
0x78: {  	_ =	shalt  }
0x79: {  	_ =	shalt  }
0x7a: {  	_ =	shalt  }
0x7b: {  	_ =	shalt  }
0x7c: {  	_ =	shalt  }
0x7d: {  	_ =	shalt  }
0x7e: {  	_ =	shalt  }
0x7f: {  	_ =	shalt  }
0x80: {  	_ =	shalt  }
0x81: {  	_ =	shalt  }
0x82: {  	_ =	shalt  }
0x83: {  	_ =	shalt  }
0x84: {  	_ =	shalt  }
0x85: {  	_ =	shalt  }
0x86: {  	_ =	shalt  }
0x87: {  	_ =	shalt  }
.Lfunc_end0:
.L_simem_size_0:
called_computation_lowered:
.L_overlay_start_0:
0x88: {  	s2 =	sld [smem:$0x3FD9]  }
0x89: {  	s3 =	sld [smem:$0x3FFE];
	_ =	sdelay $0x1  }
0x8a: {  	s1 =	srdreg.scid  }
0x8b: {  	s0 =	sand.u32 $0x1, s1  }
0x8c: {  	s17 =	sshll.u32 s0, $0xA;
	s2 =	sadd.s32 s3, s2  }
0x8d: {  	s2 =	sadd.s32 s2, s17  }
0x8e: {  	[smem:$0x3FC2] =	sst s2  }
0x8f: {  	_ = 	snop  }
0x90: {  	s2 =	sld [smem:$0x3FD0];
	(tm) =	ssettm $0x1  }
0x91: {  	s18 =	sld [smem:$0x3FFB];
	_ =	sdelay $0x3  }
0x92: {  	_ =	strace s18  }
0x93: {  	s3 =	sld [smem:$0x3FFC];
	_ =	sdelay $0x3  }
0x94: {  	_ =	strace s3  }
0x95: {  	s3 =	sld [smem:$0x3FFD];
	_ =	sdelay $0x3  }
0x96: {  	_ =	strace s3  }
0x97: {  	_ =	strace $0x8FFFFFFF  }
0x98: {  	s19 =	sld [smem:$0x3FDB];
	_ =	sdelay $0x1  }
0x99: {  	s4 =	simm.s32 $_scs_section_size  }
0x9a: {  	s5 =	simm.s32 $_size__tile_overlayer_lowered;
	s6 =	simm.s32 $_tile_overlayer_lowered  }
0x9b: {  	s22 =	simm.s32 $0x1BFF;
	s21 =	sshll.u32 s6, $0x1;
	s3 =	sadd.s32 s4, s19  }
0x9c: {  	s7 =	simm.s32 $0x0;
	s20 =	sshll.u32 s5, $0x1;
	s5 =	sadd.s32 s21, s3  }
0x9d: {  	[timem:s7], [sflag:s22] =	dma.local [hbm:s5], s20  }
0x9e: {  	_ =	swait.ge [sflag:s22], s20  }
0x9f: {  	s4 =	ssub.s32 $0x0, s20;
	[sflag:s22] =	ssyncset.done $0x0  }
0xa0: {  	[sflag:s22] =	ssyncadd.s32 s4;
	_ =	sdelay $0x1  }
0xa1: {  	s23 =	simm.s32 $0x1B8B  }
0xa2: {  	_ =	swait.ge [sflag:s23], $0x1  }
0xa3: {  	[sflag:s23] =	ssyncset.done $0x0  }
0xa4: {  	s25 =	simm.s32 $0x1B8E;
	s24 =	sld [smem:$0x3FFE];
	[sflag:s23] =	ssyncadd.s32 $0xFFFFFFFF  }
0xa5: {  	s26 =	simm.s32 $execute0_lowered;
	[smem:$0x3FD2] =	sst s25  }
0xa6: {  	s5 =	sshll.u32 s26, $0x1;
	_ =	strace $0x80000046;
	[dreg:$0x1] =	wrdreg $0xFFFFFFFF  }
0xa7: {  	s28 =	simm.s32 $_size_execute0_lowered;
	s3 =	sadd.s32 s3, s5;
	[dreg:$0x0] =	wrdreg $0x0  }
0xa8: {  	s5 =	sshll.u32 s28, $0x1;
	[dreg:$0x2] =	wrdreg s3  }
0xa9: {  	[dreg:$0x3] =	wrdreg s5  }
0xaa: {  	[dreg:$0x4] =	wrdreg $0xC0  }
0xab: {  	_ =	task [dreg:s7], $0x5FFFF  }
0xac: {  	[dreg:$0x1] =	wrdreg $0xFFFFFFFF  }
0xad: {  	[dreg:$0x0] =	wrdreg $0x60  }
0xae: {  	[dreg:$0x2] =	wrdreg s2  }
0xaf: {  	[dreg:$0x3] =	wrdreg s24  }
0xb0: {  	[dreg:$0x4] =	wrdreg $0x68000  }
0xb1: {  	[dreg:$0x5] =	wrdreg $0x9  }
0xb2: {  	_ =	task.clear_ibuf [dreg:s7], $0x6FFFF;
	_ =	strace $0x90000046  }
0xb3: {  	s29 =	simm.s32 $0x9;
	_ =	strace $0x80000048  }
0xb4: {  	_ =	swait.ge [sflag:s29], $0x1  }
0xb5: {  	[sflag:s29] =	ssyncadd.s32 $0xFFFFFFFF  }
0xb6: {  	_ =	strace $0x90000048  }
0xb7: {  	_ =	sfence  }
0xb8: {  	s30 =	sld [smem:$0x0];
	_ =	sdelay $0x2  }
0xb9: {  	s31 =	sshll.u32 s1, $0xD;
	s1 =	sshrl.u32 s1, $0x2  }
0xba: {  	s3 =	sand.u32 $0x4000, s31;
	s1 =	sadd.s32 s1, s30  }
0xbb: {  	s0 =	sor.u32 s3, s0;
	s1 =	sshll.u32 s1, $0x11  }
0xbc: {  	s0 =	sor.u32 s1, s0  }
0xbd: {  	s0 =	sadd.s32 $0x8F2B, s0  }
0xbe: {  	[sflag:s0] =	ssyncadd.remote.s32 $0x1  }
0xbf: {  	_ =	sfence.sel $0xFFFF  }
0xc0: {  	[dreg:$0x0] =	wrdreg $0xFFFFFFFF;
	(pc) =	sbr.abs _section_cstart, $3  }
0xc1: {  	[dreg:$0x1] =	wrdreg $0xFFFFFFFF  }
0xc2: {  	_ =	task.clear_ibuf [dreg:s7], $0x2FFFF;
	_ =	strace $0x9FFFFFFF  }
0xc3: {  	(tm) =	ssettm $0x7FFFFFFF  }
tec
execute0_lowered:
.L_overlay_start_1:
0x0: {  	(tag) =	ssettag $0x1  }
0x1: {  	s4 =	rddreg [dreg:$0x0]  }
0x2: {  	s5 =	rddreg [dreg:$0x1]  }
0x3: {  	s2 =	rddreg [dreg:$0x2];
	s1 =	srdreg.scid  }
0x4: {  	s0 =	rddreg [dreg:$0x3];
	s3 =	simm.s32 $0x0;
	s12 =	simm.s32 $0x2800  }
0x5: {  	s13 =	simm.s32 $0x80;
	s6 =	sand.u32 $0x1, s1;
	s1 =	stileid.u32  }
0x6: {  	s17 =	simm.s32 $0x0;
	[smem:$0x7FF] =	sst s3;
	s7 =	smul.u32 $0x28000, s6  }
0x7: {  	s8 =	sshll.u32 s1, $0x1;
	s9 =	smul.u32 $0x50000, s1;
	_ =	strace $0x80000047  }
0x8: {  	s15 =	smul.u32 $0x2800, s1;
	s8 =	sor.u32 s6, s8;
	s6 =	ssub.s32 $0x2, s6  }
0x9: {  	s31 =	sshll.u32 s1, $0x6;
	s8 =	smul.u32 $0x500, s8;
	s29 =	sshrl.u32 s6, $0x1  }
0xa: {  	s10 =	sadd.s32 s7, s5;
	s30 =	sshrl.u32 s9, $0x2;
	s11 =	ssub.s32 s6, s29  }
0xb: {  	s5 =	sadd.s32 s30, s2;
	s14 =	sadd.s32 $0x2E00, s10;
	s4 =	sadd.s32 s4, s8  }
0xc: {  	s6 =	sadd.s32 $0x4000, s5;
	s7 =	sadd.s32 $0x8000, s5;
	s8 =	sadd.s32 $0xC000, s5  }
0xd: {  	s9 =	sadd.s32 $0x10000, s5;
	s10 =	smax.u32 s11, $0x1;
	s11 =	simm.s32 $0x1  }
0xe: {  	v0 =	vimm.f32 $0.0e+00;
	v1 =	vimm.f32 $1.000000000e+00;
	s14 =	sadd.s32 s15, s14;
	s15 =	sor.u32 $0x1C01, s31;
	s16 =	sshrl.u32 s5, $0x3  }
.LBB2_1:
0xf: {  	[tilespmem:s3], [sflag:$0x1] =	stream.linear.gather [hbm4b:s4+s3], $0x2780, $0x38;
	[tilespmem:$0x1A800] =	vst v63  }
0x10: {  	_ =	swait.ge [sflag:s11], $0x2780  }
0x11: {  	[sflag:s11] =	ssyncset.done $0x0  }
0x12: {  	s18 =	simm.s32 $0x0;
	s19 =	simm.s32 $0x200;
	[sflag:s11] =	ssyncadd.s32 $0xFFFFD880  }
.LBB2_2:
0x13: {  	p0 =	sne.s32 s19, $0xFE00;
	[tilespmem:s18+$0x2870] =	vst v0  }
0x14: {  	[tilespmem:s18+$0x2800] =	vst v0  }
0x15: {  	[tilespmem:s18+$0x2810] =	vst v0  }
.Ltmp0:
0x16: {  	[tilespmem:s18+$0x2820] =	vst v0;
	(pc) =	sbr.rel @p0 .LBB2_2-.Ltmp0, $4  }
0x17: {  	[tilespmem:s18+$0x2830] =	vst v0  }
0x18: {  	[tilespmem:s18+$0x2840] =	vst v0  }
0x19: {  	[tilespmem:s18+$0x2850] =	vst v0  }
0x1a: {  	[tilespmem:s18+$0x2860] =	vst v0;
	s18 =	sshra.s32 s19, $0x2;
	s19 =	sadd.s32 $0x200, s19  }
0x1b: {  	[tilespmem:s18+$0x2870] =	vst v0  }
0x1c: {  	[tilespmem:s18+$0x2800] =	vst v0  }
0x1d: {  	[tilespmem:s18+$0x2810] =	vst v0  }
0x1e: {  	[tilespmem:s18+$0x2820] =	vst v0  }
0x1f: {  	[tilespmem:s18+$0x2830] =	vst v0  }
0x20: {  	[tilespmem:s18+$0x2840] =	vst v0  }
0x21: {  	[tilespmem:s18+$0x2850] =	vst v0  }
0x22: {  	[tilespmem:s18+$0x2860] =	vst v0  }
0x23: {  	[spmem:s5] =	stream.linear.scatter [tilespmem:s12], [sflag:$0x1], $0x4000, $0x38;
	[tilespmem:$0x1A800] =	vst v63  }
0x24: {  	_ =	swait.ge [sflag:s11], $0x4000  }
0x25: {  	[sflag:s11] =	ssyncset.done $0x0  }
0x26: {  	[sflag:s11] =	ssyncadd.s32 $0xFFFFC000  }
0x27: {  	[spmem:s6] =	stream.linear.scatter [tilespmem:s12], [sflag:$0x1], $0x4000, $0x38;
	[tilespmem:$0x1A800] =	vst v63  }
0x28: {  	_ =	swait.ge [sflag:s11], $0x4000  }
0x29: {  	[sflag:s11] =	ssyncset.done $0x0  }
0x2a: {  	[sflag:s11] =	ssyncadd.s32 $0xFFFFC000  }
0x2b: {  	[spmem:s7] =	stream.linear.scatter [tilespmem:s12], [sflag:$0x1], $0x4000, $0x38;
	[tilespmem:$0x1A800] =	vst v63  }
0x2c: {  	_ =	swait.ge [sflag:s11], $0x4000  }
0x2d: {  	[sflag:s11] =	ssyncset.done $0x0  }
0x2e: {  	[sflag:s11] =	ssyncadd.s32 $0xFFFFC000  }
0x2f: {  	[spmem:s8] =	stream.linear.scatter [tilespmem:s12], [sflag:$0x1], $0x4000, $0x38;
	[tilespmem:$0x1A800] =	vst v63  }
0x30: {  	_ =	swait.ge [sflag:s11], $0x4000  }
0x31: {  	[sflag:s11] =	ssyncset.done $0x0  }
0x32: {  	[sflag:s11] =	ssyncadd.s32 $0xFFFFC000  }
0x33: {  	[spmem:s9] =	stream.linear.scatter [tilespmem:s12], [sflag:$0x1], $0x4000, $0x38;
	[tilespmem:$0x1A800] =	vst v63  }
0x34: {  	_ =	swait.ge [sflag:s11], $0x4000  }
0x35: {  	[sflag:s11] =	ssyncset.done $0x0  }
0x36: {  	s18 =	simm.s32 $0x0;
	s19 =	simm.s32 $0x200;
	[sflag:s11] =	ssyncadd.s32 $0xFFFFC000  }
.LBB2_4:
0x37: {  	p0 =	sne.s32 s19, $0xFE00;
	[tilespmem:s18+$0x2870] =	vst v1  }
0x38: {  	[tilespmem:s18+$0x2800] =	vst v1  }
0x39: {  	[tilespmem:s18+$0x2810] =	vst v1  }
.Ltmp1:
0x3a: {  	[tilespmem:s18+$0x2820] =	vst v1;
	(pc) =	sbr.rel @p0 .LBB2_4-.Ltmp1, $4  }
0x3b: {  	[tilespmem:s18+$0x2830] =	vst v1  }
0x3c: {  	[tilespmem:s18+$0x2840] =	vst v1  }
0x3d: {  	[tilespmem:s18+$0x2850] =	vst v1  }
0x3e: {  	[tilespmem:s18+$0x2860] =	vst v1;
	s18 =	sshra.s32 s19, $0x2;
	s19 =	sadd.s32 $0x200, s19  }
0x3f: {  	[tilespmem:s18+$0x2870] =	vst v1  }
0x40: {  	[tilespmem:s18+$0x2800] =	vst v1  }
0x41: {  	[tilespmem:s18+$0x2810] =	vst v1  }
0x42: {  	[tilespmem:s18+$0x2820] =	vst v1  }
0x43: {  	[tilespmem:s18+$0x2830] =	vst v1  }
0x44: {  	[tilespmem:s18+$0x2840] =	vst v1  }
0x45: {  	[tilespmem:s18+$0x2850] =	vst v1  }
0x46: {  	[tilespmem:s18+$0x2860] =	vst v1  }
0x47: {  	s31 =	simm.s32 $0x0;
	[bflag:$0x0] =	sbarrier.arrive $0xFFFF  }
0x48: {  	[spmem:s2] =	stream.indirect.scatter.add.f32 [tilespmem:s12], [sflag:$0x1], $0x80, s31, s13, $0xb8;
	[tilespmem:$0x1A800] =	vst v63  }
0x49: {  	_ =	swait.ge [sflag:s11], $0x4000  }
0x4a: {  	s18 =	simm.s32 $0x200;
	[sflag:s11] =	ssyncset.done $0x0  }
.LBB2_6:
0x4b: {  	s19 =	sshra.s32 s18, $0x2;
	[sflag:s11] =	ssyncadd.s32 $0xFFFFC000;
	p0 =	sne.s32 s18, $0x9C00  }
0x4c: {  	[spmem:s2] =	stream.indirect.scatter.add.f32 [tilespmem:s12], [sflag:$0x1], $0x80, s19, s13, $0xb8;
	[tilespmem:$0x1A800] =	vst v63  }
.Ltmp2:
0x4d: {  	_ = 	snop;
	(pc) =	sbr.rel @p0 .LBB2_6-.Ltmp2, $4  }
0x4e: {  	_ = 	snop  }
0x4f: {  	s18 =	sadd.s32 $0x200, s18  }
0x50: {  	_ =	swait.ge [sflag:s11], $0x4000  }
0x51: {  	[sflag:s11] =	ssyncset.done $0x0  }
0x52: {  	s17 =	sadd.s32 $0x1, s17  }
0x53: {  	[sflag:s11] =	ssyncadd.s32 $0xFFFFC000;
	p0 =	sne.s32 s17, s10  }
.Ltmp3:
0x54: {  	[bflag:$0x0] =	sbarrier.arrive $0xFFFF;
	(pc) =	sbr.rel @p0 .LBB2_1-.Ltmp3, $4  }
0x55: {  	[hbm:s14], [sflag:s15] =	dma.local [spmem:s16], $0x2800  }
0x56: {  	_ =	swait.ge [sflag:s11], $0x2800  }
0x57: {  	[sflag:s11] =	ssyncset.done $0x0  }
0x58: {  	[sflag:s11] =	ssyncadd.s32 $0xFFFFD800  }
0x59: {  	_ =	sfence.sel $0x180000  }
0x5a: {  	[bflag:$0x0] =	sbarrier.arrive $0xFFFF  }
0x5b: {  	p0 =	sne.s32 s1, $0x0;
	_ =	strace $0x90000047  }
0x5c: {  	s0 =	sadd.s32 @!p0 $0x100000, s0;
	[bflag:$0x2] =	sbarrier.arrive $0xFFFF  }
0x5d: {  	[sflag:s0] =	ssyncadd.tile.s32 @!p0 $0x1;
	_ =	shalt  }
.Lfunc_end2:
_tile_overlayer_lowered:
.L_overlay_start_2:
0x5e: {  	(tag) =	ssettag $0x2  }
0x5f: {  	s0 =	rddreg [dreg:$0x0];
	s2 =	stileid.u32  }
0x60: {  	s1 =	rddreg [dreg:$0x1];
	p0 =	sne.s32 s2, $0x0  }
0x61: {  	s3 =	rddreg [dreg:$0x2];
	[bflag:$0x3] =	sbarrier.arrive $0xFFFF;
	s2 =	simm.s32 @!p0 $0x1C01  }
0x62: {  	[timem:s3], [sflag:s2] =	dma.local @!p0 [hbm:s0], s1  }
0x63: {  	s0 =	simm.s32 @!p0 $0x1  }
0x64: {  	_ =	swait.ge @!p0 [sflag:s0], s1  }
0x65: {  	s1 =	ssub.s32 @!p0 $0x0, s1;
	[sflag:s0] =	ssyncset.done @!p0 $0x0  }
0x66: {  	[sflag:s0] =	ssyncadd.s32 @!p0 s1  }
0x67: {  	[bflag:$0x3] =	sbarrier.arrive $0xFFFF  }
0x68: {  	_ =	shalt  }

</sc_bundles>
